<compile_context>
chip_gen: v7x
topology: tpu7x:2x2x1
jax: 0.10.2.dev20260603
libtpu: 0.0.44.dev20260713+nightly
codegen_flags: <defaults>
</compile_context>

<pallas_src>
import jax
import jax.numpy as jnp
from jax import lax
from jax.experimental import pallas as pl
from jax.experimental.pallas import tpu as pltpu
from jax.experimental.pallas import tpu_sc as plsc

_N = 100000
_MAX_DEG = 16
_WALK_LEN = 16
_NUM_CORES = 2
_NUM_SUBCORES = 16
_LANES = 16
_CHUNK = 3136
_NVEC = _CHUNK // _LANES
_H = _CHUNK // 2
_NH = _NVEC // 2


def _walk_body(neigh_hbm, deg_hbm, unif_hbm, out_hbm,
               deg_v, cur_v, flat_v, d0_v, u_a, u_b, gath_v,
               sem_deg, sem_ua, sem_ub, sem_g0, sem_g1, sem_out):
    wid = lax.axis_index("s") * _NUM_CORES + lax.axis_index("c")
    base = jnp.minimum(wid * _CHUNK, _N - _CHUNK)

    cp_deg = pltpu.async_copy(deg_hbm, deg_v, sem_deg)

    @plsc.parallel_loop(0, _NVEC, unroll=4)
    def _init(j):
        cur_v[pl.ds(j * _LANES, _LANES)] = (
            base + j * _LANES + lax.iota(jnp.int32, _LANES))

    pltpu.async_copy(unif_hbm.at[pl.ds(pl.multiple_of(base, _LANES), _CHUNK)],
                     u_a, sem_ua)
    cp_deg.wait()

    def pick_half(u_ref, h):
        @plsc.parallel_loop(h * _NH, (h + 1) * _NH, unroll=7)
        def _pick(j):
            sl = pl.ds(j * _LANES, _LANES)
            cur = cur_v[sl]
            d0 = plsc.load_gather(deg_v, [cur])
            d = jnp.maximum(d0, 1)
            y = d.astype(jnp.float32) * u_ref[sl]
            i = y.astype(jnp.int32)
            idx = jnp.where(i.astype(jnp.float32) < y, i, i - 1)
            idx = jnp.maximum(jnp.minimum(idx, d - 1), 0)
            flat_v[sl] = cur * _MAX_DEG + idx
            d0_v[sl] = d0

    def sel_half(h):
        @plsc.parallel_loop(h * _NH, (h + 1) * _NH, unroll=7)
        def _sel(j):
            sl = pl.ds(j * _LANES, _LANES)
            g = gath_v[pl.ds(j * _LANES, _LANES)]
            cur_v[sl] = jnp.where(d0_v[sl] > 0, g, cur_v[sl])

    def one_step(t, u_ref, u_sem, first):
        pltpu.make_async_copy(
            unif_hbm.at[pl.ds(pl.multiple_of(base, _LANES), _CHUNK)],
            u_ref, u_sem).wait()
        pick_half(u_ref, 0)
        g0 = pltpu.async_copy(neigh_hbm.at[flat_v.at[pl.ds(0, _H)]],
                              gath_v.at[pl.ds(0, _H)], sem_g0)
        pick_half(u_ref, 1)
        g1 = pltpu.async_copy(neigh_hbm.at[flat_v.at[pl.ds(_H, _H)]],
                              gath_v.at[pl.ds(_H, _H)], sem_g1)
        g0.wait()
        if not first:
            pltpu.make_async_copy(
                cur_v,
                out_hbm.at[pl.ds(pl.multiple_of(base, _LANES), _CHUNK)],
                sem_out).wait()
        sel_half(0)
        g1.wait()
        sel_half(1)
        off = pl.multiple_of(t * _N + base, _LANES)
        pltpu.async_copy(cur_v, out_hbm.at[pl.ds(off, _CHUNK)], sem_out)

    def pair_body(k, carry):
        t0 = 2 * k
        t1 = 2 * k + 1
        off1 = pl.multiple_of(t1 * _N + base, _LANES)
        pltpu.async_copy(unif_hbm.at[pl.ds(off1, _CHUNK)], u_b, sem_ub)
        one_step(t0, u_a, sem_ua, False)

        @pl.when(k < _WALK_LEN // 2 - 1)
        def _():
            off2 = pl.multiple_of((t1 + 1) * _N + base, _LANES)
            pltpu.async_copy(unif_hbm.at[pl.ds(off2, _CHUNK)], u_a, sem_ua)

        one_step(t1, u_b, sem_ub, False)
        return carry

    off1 = pl.multiple_of(_N + base, _LANES)
    pltpu.async_copy(unif_hbm.at[pl.ds(off1, _CHUNK)], u_b, sem_ub)
    one_step(0, u_a, sem_ua, True)
    off2 = pl.multiple_of(2 * _N + base, _LANES)
    pltpu.async_copy(unif_hbm.at[pl.ds(off2, _CHUNK)], u_a, sem_ua)
    one_step(1, u_b, sem_ub, False)
    lax.fori_loop(1, _WALK_LEN // 2, pair_body, 0)

    pltpu.make_async_copy(
        cur_v, out_hbm.at[pl.ds(pl.multiple_of(base, _LANES), _CHUNK)],
        sem_out).wait()


@jax.jit
def kernel(neighbors, degrees, uniforms):
    mesh = plsc.VectorSubcoreMesh(core_axis_name="c", subcore_axis_name="s")
    walk = pl.kernel(
        _walk_body,
        out_type=jax.ShapeDtypeStruct((_WALK_LEN * _N,), jnp.int32),
        mesh=mesh,
        compiler_params=pltpu.CompilerParams(needs_layout_passes=False),
        scratch_types=[
            pltpu.VMEM((_N,), jnp.int32),
            pltpu.VMEM((_CHUNK,), jnp.int32),
            pltpu.VMEM((_CHUNK,), jnp.int32),
            pltpu.VMEM((_CHUNK,), jnp.int32),
            pltpu.VMEM((_CHUNK,), jnp.float32),
            pltpu.VMEM((_CHUNK,), jnp.float32),
            pltpu.VMEM((_CHUNK,), jnp.int32),
            pltpu.SemaphoreType.DMA,
            pltpu.SemaphoreType.DMA,
            pltpu.SemaphoreType.DMA,
            pltpu.SemaphoreType.DMA,
            pltpu.SemaphoreType.DMA,
            pltpu.SemaphoreType.DMA,
        ],
    )
    out = walk(neighbors.reshape(-1), degrees, uniforms.reshape(-1))
    return out.reshape(_WALK_LEN, _N)

# --- scband reference (transcript-rebuilt; emitter-appended) ---
"""Pipeline reference for scband-deep-walk-50345606644192 (READ-ONLY COPY).

The authoritative reference and input builder live on the scoring server;
editing this copy changes nothing except your own understanding.
"""

import jax, jax.numpy as jnp
import numpy as np

N = 100000
MAX_DEG = 16
WALK_LEN = 16

def setup_inputs(seed: int = 0) -> dict:
    key = jax.random.key(seed)
    k1, k2, k3 = jax.random.split(key, 3)
    neighbors = jax.random.randint(k1, (N, MAX_DEG), 0, N, dtype=jnp.int32)
    degrees = jax.random.randint(k2, (N,), 0, MAX_DEG, dtype=jnp.int32)
    uniforms = jax.random.uniform(k3, (WALK_LEN, N), dtype=jnp.float32)
    return {"neighbors": neighbors, "degrees": degrees, "uniforms": uniforms}

def reference(neighbors, degrees, uniforms):
    # DeepWalk: createAhash builds per-node neighbor lists (self-loop fallback
    # for isolated nodes); randomWalk starts a walk at every node and takes
    # WALK_LEN steps, each step picking neighbor index ceil(deg * x) - 1.
    n = neighbors.shape[0]
    node_ids = jnp.arange(n, dtype=jnp.int32)
    # isolated-node fallback: potNext = [v] when node has no neighbors
    self_col = jnp.broadcast_to(node_ids[:, None], neighbors.shape)
    neigh_eff = jnp.where(degrees[:, None] > 0, neighbors, self_col)
    deg_eff = jnp.maximum(degrees, 1)

    def step(cur, x):
        d = deg_eff[cur]  # gather degrees at current frontier
        idx = jnp.ceil(d.astype(jnp.float32) * x).astype(jnp.int32) - 1
        idx = jnp.clip(idx, 0, d - 1)
        nxt = neigh_eff[cur, idx]  # gather next node per walker
        return nxt, nxt

    _, walks = jax.lax.scan(step, node_ids, uniforms)
    # original returns walks[1:] (steps only, start nodes excluded)
    return walks

if __name__ == "__main__":
    import jax
    _d = setup_inputs()
    print(jax.jit(kernel)(*tuple(_d.values())))

</pallas_src>

<mosaic_0001>
#map = affine_map<(d0, d1) -> (0)>
module attributes {stable_mosaic.version = 14 : i64} {
  func.func @_walk_body(%arg0: i32, %arg1: i32, %arg2: memref<1600000xi32, #tpu.memory_space<hbm>>, %arg3: memref<100000xi32, #tpu.memory_space<hbm>>, %arg4: memref<1600000xf32, #tpu.memory_space<hbm>>, %arg5: memref<1600000xi32, #tpu.memory_space<hbm>>, %arg6: memref<100000xi32, #tpu.memory_space<vmem>>, %arg7: memref<3136xi32, #tpu.memory_space<vmem>>, %arg8: memref<3136xi32, #tpu.memory_space<vmem>>, %arg9: memref<3136xi32, #tpu.memory_space<vmem>>, %arg10: memref<3136xf32, #tpu.memory_space<vmem>>, %arg11: memref<3136xf32, #tpu.memory_space<vmem>>, %arg12: memref<3136xi32, #tpu.memory_space<vmem>>, %arg13: memref<!tpu.dma_semaphore, #tpu.memory_space<semaphore_mem>>, %arg14: memref<!tpu.dma_semaphore, #tpu.memory_space<semaphore_mem>>, %arg15: memref<!tpu.dma_semaphore, #tpu.memory_space<semaphore_mem>>, %arg16: memref<!tpu.dma_semaphore, #tpu.memory_space<semaphore_mem>>, %arg17: memref<!tpu.dma_semaphore, #tpu.memory_space<semaphore_mem>>, %arg18: memref<!tpu.dma_semaphore, #tpu.memory_space<semaphore_mem>>) attributes {dimension_semantics = [#tpu.dimension_semantics<core_parallel>, #tpu.dimension_semantics<subcore_parallel>], iteration_bounds = array<i64: 2, 16>, scalar_prefetch = 0 : i64, scratch_operands = 13 : i64, tpu.core_type = #tpu.core_type<sc_vector_subcore>, window_params = [{transform_indices = #map}, {transform_indices = #map}, {transform_indices = #map}, {transform_indices = #map}]} {
    %mul3A = arith.constant 2 : i32
    %mul3A_0 = arith.muli %arg1, %mul3A : i32
    %add3A = arith.addi %mul3A_0, %arg0 : i32
    %mul3A_1 = arith.constant 3136 : i32
    %mul3A_2 = arith.muli %add3A, %mul3A_1 : i32
    %min3A = arith.constant 96864 : i32
    %min3A_3 = arith.minsi %mul3A_2, %min3A : i32
    tpu.enqueue_dma source(%arg3 : memref<100000xi32, #tpu.memory_space<hbm>>) target(%arg6 : memref<100000xi32, #tpu.memory_space<vmem>>) target_semaphore(%arg13 : memref<!tpu.dma_semaphore, #tpu.memory_space<semaphore_mem>>)
    %parallel_loop3A = arith.constant 0 : i32
    %parallel_loop3A_4 = arith.constant 196 : i32
    %parallel_loop3A_5 = arith.constant 1 : i32
    scf.for %parallel_loop3A_115 = %parallel_loop3A to %parallel_loop3A_4 step %parallel_loop3A_5  : i32 {
      %parallel_loop3A_116 = arith.constant 16 : i32
      %parallel_loop3A_117 = arith.muli %parallel_loop3A_115, %parallel_loop3A_116 : i32
      %parallel_loop3A_118 = arith.addi %min3A_3, %parallel_loop3A_117 : i32
      %parallel_loop3A_119 = tpu.iota {dimensions = array<i32: 0>} : vector<16xi32>
      %parallel_loop3A_120 = vector.broadcast %parallel_loop3A_118 : i32 to vector<16xi32>
      %parallel_loop3A_121 = arith.addi %parallel_loop3A_120, %parallel_loop3A_119 : vector<16xi32>
      %parallel_loop3A_122 = arith.constant 16 : i32
      %parallel_loop3A_123 = arith.muli %parallel_loop3A_115, %parallel_loop3A_122 : i32
      %parallel_loop3A_124 = arith.index_cast %parallel_loop3A_123 : i32 to index
      %parallel_loop3A_125 = tpu.vector_load %arg7[%parallel_loop3A_124] {strides = array<i32>} : memref<3136xi32, #tpu.memory_space<vmem>>, vector<16xi32>,
      tpu.vector_store %arg7[%parallel_loop3A_124], %parallel_loop3A_121 {strides = array<i32>} : memref<3136xi32, #tpu.memory_space<vmem>>, vector<16xi32>,
    } {sc.loop_unroll_factor = 4 : i64, sc.parallel_access}
    %multiple_of3A = tpu.assume_multiple %min3A_3, 16 : i32
    %dma_start3A = tpu.memref_slice %arg4[%multiple_of3A] : memref<1600000xf32, #tpu.memory_space<hbm>> -> memref<3136xf32, #tpu.memory_space<hbm>>
    %dma_start3A_6 = tpu.memref_slice %arg4[%multiple_of3A] : memref<1600000xf32, #tpu.memory_space<hbm>> -> memref<3136xf32, #tpu.memory_space<hbm>>
    tpu.enqueue_dma source(%dma_start3A_6 : memref<3136xf32, #tpu.memory_space<hbm>>) target(%arg10 : memref<3136xf32, #tpu.memory_space<vmem>>) target_semaphore(%arg14 : memref<!tpu.dma_semaphore, #tpu.memory_space<semaphore_mem>>)
    tpu.wait_dma2 semaphore(%arg13 : memref<!tpu.dma_semaphore, #tpu.memory_space<semaphore_mem>>) src(%arg3 : memref<100000xi32, #tpu.memory_space<hbm>>) dst(%arg6 : memref<100000xi32, #tpu.memory_space<vmem>>)
    %add3A_7 = arith.constant 100000 : i32
    %add3A_8 = arith.addi %add3A_7, %min3A_3 : i32
    %multiple_of3A_9 = tpu.assume_multiple %add3A_8, 16 : i32
    %dma_start3A_10 = tpu.memref_slice %arg4[%multiple_of3A_9] : memref<1600000xf32, #tpu.memory_space<hbm>> -> memref<3136xf32, #tpu.memory_space<hbm>>
    %dma_start3A_11 = tpu.memref_slice %arg4[%multiple_of3A_9] : memref<1600000xf32, #tpu.memory_space<hbm>> -> memref<3136xf32, #tpu.memory_space<hbm>>
    tpu.enqueue_dma source(%dma_start3A_11 : memref<3136xf32, #tpu.memory_space<hbm>>) target(%arg11 : memref<3136xf32, #tpu.memory_space<vmem>>) target_semaphore(%arg15 : memref<!tpu.dma_semaphore, #tpu.memory_space<semaphore_mem>>)
    %multiple_of3A_12 = tpu.assume_multiple %min3A_3, 16 : i32
    %dma_wait3A = tpu.memref_slice %arg4[%multiple_of3A_12] : memref<1600000xf32, #tpu.memory_space<hbm>> -> memref<3136xf32, #tpu.memory_space<hbm>>
    %dma_wait3A_13 = tpu.memref_slice %arg4[%multiple_of3A_12] : memref<1600000xf32, #tpu.memory_space<hbm>> -> memref<3136xf32, #tpu.memory_space<hbm>>
    tpu.wait_dma2 semaphore(%arg14 : memref<!tpu.dma_semaphore, #tpu.memory_space<semaphore_mem>>) src(%dma_wait3A_13 : memref<3136xf32, #tpu.memory_space<hbm>>) dst(%arg10 : memref<3136xf32, #tpu.memory_space<vmem>>)
    %parallel_loop3A_14 = arith.constant 0 : i32
    %parallel_loop3A_15 = arith.constant 98 : i32
    %parallel_loop3A_16 = arith.constant 1 : i32
    scf.for %parallel_loop3A_115 = %parallel_loop3A_14 to %parallel_loop3A_15 step %parallel_loop3A_16  : i32 {
      %parallel_loop3A_116 = arith.constant 16 : i32
      %parallel_loop3A_117 = arith.muli %parallel_loop3A_115, %parallel_loop3A_116 : i32
      %parallel_loop3A_118 = arith.index_cast %parallel_loop3A_117 : i32 to index
      %parallel_loop3A_119 = tpu.vector_load %arg7[%parallel_loop3A_118] {strides = array<i32>} : memref<3136xi32, #tpu.memory_space<vmem>>, vector<16xi32>,
      %parallel_loop3A_120 = tpu.vector_load_idx %arg6[%parallel_loop3A_119] : memref<100000xi32, #tpu.memory_space<vmem>>[vector<16xi32>], vector<16xi32>,
      %parallel_loop3A_121 = arith.constant 1 : i32
      %parallel_loop3A_122 = vector.broadcast %parallel_loop3A_121 : i32 to vector<16xi32>
      %parallel_loop3A_123 = arith.maxsi %parallel_loop3A_120, %parallel_loop3A_122 : vector<16xi32>
      %parallel_loop3A_124 = arith.sitofp %parallel_loop3A_123 : vector<16xi32> to vector<16xf32>
      %parallel_loop3A_125 = arith.index_cast %parallel_loop3A_117 : i32 to index
      %parallel_loop3A_126 = tpu.vector_load %arg10[%parallel_loop3A_125] {strides = array<i32>} : memref<3136xf32, #tpu.memory_space<vmem>>, vector<16xf32>,
      %parallel_loop3A_127 = arith.mulf %parallel_loop3A_124, %parallel_loop3A_126 : vector<16xf32>
      %parallel_loop3A_128 = arith.fptosi %parallel_loop3A_127 : vector<16xf32> to vector<16xi32>
      %parallel_loop3A_129 = arith.sitofp %parallel_loop3A_128 : vector<16xi32> to vector<16xf32>
      %parallel_loop3A_130 = arith.cmpf olt, %parallel_loop3A_129, %parallel_loop3A_127 : vector<16xf32>
      %parallel_loop3A_131 = arith.constant 1 : i32
      %parallel_loop3A_132 = vector.broadcast %parallel_loop3A_131 : i32 to vector<16xi32>
      %parallel_loop3A_133 = arith.subi %parallel_loop3A_128, %parallel_loop3A_132 : vector<16xi32>
      %parallel_loop3A_134 = arith.select %parallel_loop3A_130, %parallel_loop3A_128, %parallel_loop3A_133 : vector<16xi1>, vector<16xi32>
      %parallel_loop3A_135 = arith.constant 1 : i32
      %parallel_loop3A_136 = vector.broadcast %parallel_loop3A_135 : i32 to vector<16xi32>
      %parallel_loop3A_137 = arith.subi %parallel_loop3A_123, %parallel_loop3A_136 : vector<16xi32>
      %parallel_loop3A_138 = arith.minsi %parallel_loop3A_134, %parallel_loop3A_137 : vector<16xi32>
      %parallel_loop3A_139 = arith.constant 0 : i32
      %parallel_loop3A_140 = vector.broadcast %parallel_loop3A_139 : i32 to vector<16xi32>
      %parallel_loop3A_141 = arith.maxsi %parallel_loop3A_138, %parallel_loop3A_140 : vector<16xi32>
      %parallel_loop3A_142 = arith.constant 16 : i32
      %parallel_loop3A_143 = vector.broadcast %parallel_loop3A_142 : i32 to vector<16xi32>
      %parallel_loop3A_144 = arith.muli %parallel_loop3A_119, %parallel_loop3A_143 : vector<16xi32>
      %parallel_loop3A_145 = arith.addi %parallel_loop3A_144, %parallel_loop3A_141 : vector<16xi32>
      %parallel_loop3A_146 = arith.index_cast %parallel_loop3A_117 : i32 to index
      %parallel_loop3A_147 = tpu.vector_load %arg8[%parallel_loop3A_146] {strides = array<i32>} : memref<3136xi32, #tpu.memory_space<vmem>>, vector<16xi32>,
      tpu.vector_store %arg8[%parallel_loop3A_146], %parallel_loop3A_145 {strides = array<i32>} : memref<3136xi32, #tpu.memory_space<vmem>>, vector<16xi32>,
      %parallel_loop3A_148 = arith.index_cast %parallel_loop3A_117 : i32 to index
      %parallel_loop3A_149 = tpu.vector_load %arg9[%parallel_loop3A_148] {strides = array<i32>} : memref<3136xi32, #tpu.memory_space<vmem>>, vector<16xi32>,
      tpu.vector_store %arg9[%parallel_loop3A_148], %parallel_loop3A_120 {strides = array<i32>} : memref<3136xi32, #tpu.memory_space<vmem>>, vector<16xi32>,
    } {sc.loop_unroll_factor = 7 : i64, sc.parallel_access}
    %dma_start3A_17 = arith.constant 0 : i32
    %dma_start3A_18 = tpu.memref_slice %arg12[%dma_start3A_17] : memref<3136xi32, #tpu.memory_space<vmem>> -> memref<1568xi32, #tpu.memory_space<vmem>>
    %dma_start3A_19 = arith.constant 0 : i32
    %dma_start3A_20 = tpu.memref_slice %arg8[%dma_start3A_19] : memref<3136xi32, #tpu.memory_space<vmem>> -> memref<1568xi32, #tpu.memory_space<vmem>>
    %dma_start3A_21 = arith.constant 0 : i32
    %dma_start3A_22 = tpu.memref_slice %arg2[%dma_start3A_21] : memref<1600000xi32, #tpu.memory_space<hbm>> -> memref<1600000xi32, #tpu.memory_space<hbm>>
    tpu.enqueue_indirect_dma source(%dma_start3A_22 : memref<1600000xi32, #tpu.memory_space<hbm>>) target(%dma_start3A_18 : memref<1568xi32, #tpu.memory_space<vmem>>) offsets(%dma_start3A_20 : memref<1568xi32, #tpu.memory_space<vmem>>) semaphore(%arg16 : memref<!tpu.dma_semaphore, #tpu.memory_space<semaphore_mem>>)
    %parallel_loop3A_23 = arith.constant 98 : i32
    %parallel_loop3A_24 = arith.constant 196 : i32
    %parallel_loop3A_25 = arith.constant 1 : i32
    scf.for %parallel_loop3A_115 = %parallel_loop3A_23 to %parallel_loop3A_24 step %parallel_loop3A_25  : i32 {
      %parallel_loop3A_116 = arith.constant 16 : i32
      %parallel_loop3A_117 = arith.muli %parallel_loop3A_115, %parallel_loop3A_116 : i32
      %parallel_loop3A_118 = arith.index_cast %parallel_loop3A_117 : i32 to index
      %parallel_loop3A_119 = tpu.vector_load %arg7[%parallel_loop3A_118] {strides = array<i32>} : memref<3136xi32, #tpu.memory_space<vmem>>, vector<16xi32>,
      %parallel_loop3A_120 = tpu.vector_load_idx %arg6[%parallel_loop3A_119] : memref<100000xi32, #tpu.memory_space<vmem>>[vector<16xi32>], vector<16xi32>,
      %parallel_loop3A_121 = arith.constant 1 : i32
      %parallel_loop3A_122 = vector.broadcast %parallel_loop3A_121 : i32 to vector<16xi32>
      %parallel_loop3A_123 = arith.maxsi %parallel_loop3A_120, %parallel_loop3A_122 : vector<16xi32>
      %parallel_loop3A_124 = arith.sitofp %parallel_loop3A_123 : vector<16xi32> to vector<16xf32>
      %parallel_loop3A_125 = arith.index_cast %parallel_loop3A_117 : i32 to index
      %parallel_loop3A_126 = tpu.vector_load %arg10[%parallel_loop3A_125] {strides = array<i32>} : memref<3136xf32, #tpu.memory_space<vmem>>, vector<16xf32>,
      %parallel_loop3A_127 = arith.mulf %parallel_loop3A_124, %parallel_loop3A_126 : vector<16xf32>
      %parallel_loop3A_128 = arith.fptosi %parallel_loop3A_127 : vector<16xf32> to vector<16xi32>
      %parallel_loop3A_129 = arith.sitofp %parallel_loop3A_128 : vector<16xi32> to vector<16xf32>
      %parallel_loop3A_130 = arith.cmpf olt, %parallel_loop3A_129, %parallel_loop3A_127 : vector<16xf32>
      %parallel_loop3A_131 = arith.constant 1 : i32
      %parallel_loop3A_132 = vector.broadcast %parallel_loop3A_131 : i32 to vector<16xi32>
      %parallel_loop3A_133 = arith.subi %parallel_loop3A_128, %parallel_loop3A_132 : vector<16xi32>
      %parallel_loop3A_134 = arith.select %parallel_loop3A_130, %parallel_loop3A_128, %parallel_loop3A_133 : vector<16xi1>, vector<16xi32>
      %parallel_loop3A_135 = arith.constant 1 : i32
      %parallel_loop3A_136 = vector.broadcast %parallel_loop3A_135 : i32 to vector<16xi32>
      %parallel_loop3A_137 = arith.subi %parallel_loop3A_123, %parallel_loop3A_136 : vector<16xi32>
      %parallel_loop3A_138 = arith.minsi %parallel_loop3A_134, %parallel_loop3A_137 : vector<16xi32>
      %parallel_loop3A_139 = arith.constant 0 : i32
      %parallel_loop3A_140 = vector.broadcast %parallel_loop3A_139 : i32 to vector<16xi32>
      %parallel_loop3A_141 = arith.maxsi %parallel_loop3A_138, %parallel_loop3A_140 : vector<16xi32>
      %parallel_loop3A_142 = arith.constant 16 : i32
      %parallel_loop3A_143 = vector.broadcast %parallel_loop3A_142 : i32 to vector<16xi32>
      %parallel_loop3A_144 = arith.muli %parallel_loop3A_119, %parallel_loop3A_143 : vector<16xi32>
      %parallel_loop3A_145 = arith.addi %parallel_loop3A_144, %parallel_loop3A_141 : vector<16xi32>
      %parallel_loop3A_146 = arith.index_cast %parallel_loop3A_117 : i32 to index
      %parallel_loop3A_147 = tpu.vector_load %arg8[%parallel_loop3A_146] {strides = array<i32>} : memref<3136xi32, #tpu.memory_space<vmem>>, vector<16xi32>,
      tpu.vector_store %arg8[%parallel_loop3A_146], %parallel_loop3A_145 {strides = array<i32>} : memref<3136xi32, #tpu.memory_space<vmem>>, vector<16xi32>,
      %parallel_loop3A_148 = arith.index_cast %parallel_loop3A_117 : i32 to index
      %parallel_loop3A_149 = tpu.vector_load %arg9[%parallel_loop3A_148] {strides = array<i32>} : memref<3136xi32, #tpu.memory_space<vmem>>, vector<16xi32>,
      tpu.vector_store %arg9[%parallel_loop3A_148], %parallel_loop3A_120 {strides = array<i32>} : memref<3136xi32, #tpu.memory_space<vmem>>, vector<16xi32>,
    } {sc.loop_unroll_factor = 7 : i64, sc.parallel_access}
    %dma_start3A_26 = arith.constant 1568 : i32
    %dma_start3A_27 = tpu.memref_slice %arg12[%dma_start3A_26] : memref<3136xi32, #tpu.memory_space<vmem>> -> memref<1568xi32, #tpu.memory_space<vmem>>
    %dma_start3A_28 = arith.constant 1568 : i32
    %dma_start3A_29 = tpu.memref_slice %arg8[%dma_start3A_28] : memref<3136xi32, #tpu.memory_space<vmem>> -> memref<1568xi32, #tpu.memory_space<vmem>>
    %dma_start3A_30 = arith.constant 0 : i32
    %dma_start3A_31 = tpu.memref_slice %arg2[%dma_start3A_30] : memref<1600000xi32, #tpu.memory_space<hbm>> -> memref<1600000xi32, #tpu.memory_space<hbm>>
    tpu.enqueue_indirect_dma source(%dma_start3A_31 : memref<1600000xi32, #tpu.memory_space<hbm>>) target(%dma_start3A_27 : memref<1568xi32, #tpu.memory_space<vmem>>) offsets(%dma_start3A_29 : memref<1568xi32, #tpu.memory_space<vmem>>) semaphore(%arg17 : memref<!tpu.dma_semaphore, #tpu.memory_space<semaphore_mem>>)
    %dma_wait3A_32 = arith.constant 0 : i32
    %dma_wait3A_33 = tpu.memref_slice %arg12[%dma_wait3A_32] : memref<3136xi32, #tpu.memory_space<vmem>> -> memref<1568xi32, #tpu.memory_space<vmem>>
    %dma_wait3A_34 = arith.constant 0 : i32
    %dma_wait3A_35 = tpu.memref_slice %arg8[%dma_wait3A_34] : memref<3136xi32, #tpu.memory_space<vmem>> -> memref<1568xi32, #tpu.memory_space<vmem>>
    %dma_wait3A_36 = arith.constant 0 : i32
    %dma_wait3A_37 = tpu.memref_slice %arg2[%dma_wait3A_36] : memref<1600000xi32, #tpu.memory_space<hbm>> -> memref<1600000xi32, #tpu.memory_space<hbm>>
    tpu.wait_indirect_dma semaphore(%arg16 : memref<!tpu.dma_semaphore, #tpu.memory_space<semaphore_mem>>) src(%dma_wait3A_37 : memref<1600000xi32, #tpu.memory_space<hbm>>) dst(%dma_wait3A_33 : memref<1568xi32, #tpu.memory_space<vmem>>)
    %parallel_loop3A_38 = arith.constant 0 : i32
    %parallel_loop3A_39 = arith.constant 98 : i32
    %parallel_loop3A_40 = arith.constant 1 : i32
    scf.for %parallel_loop3A_115 = %parallel_loop3A_38 to %parallel_loop3A_39 step %parallel_loop3A_40  : i32 {
      %parallel_loop3A_116 = arith.constant 16 : i32
      %parallel_loop3A_117 = arith.muli %parallel_loop3A_115, %parallel_loop3A_116 : i32
      %parallel_loop3A_118 = arith.constant 16 : i32
      %parallel_loop3A_119 = arith.muli %parallel_loop3A_115, %parallel_loop3A_118 : i32
      %parallel_loop3A_120 = arith.index_cast %parallel_loop3A_119 : i32 to index
      %parallel_loop3A_121 = tpu.vector_load %arg12[%parallel_loop3A_120] {strides = array<i32>} : memref<3136xi32, #tpu.memory_space<vmem>>, vector<16xi32>,
      %parallel_loop3A_122 = arith.index_cast %parallel_loop3A_117 : i32 to index
      %parallel_loop3A_123 = tpu.vector_load %arg9[%parallel_loop3A_122] {strides = array<i32>} : memref<3136xi32, #tpu.memory_space<vmem>>, vector<16xi32>,
      %parallel_loop3A_124 = arith.constant 0 : i32
      %parallel_loop3A_125 = vector.broadcast %parallel_loop3A_124 : i32 to vector<16xi32>
      %parallel_loop3A_126 = arith.cmpi sgt, %parallel_loop3A_123, %parallel_loop3A_125 : vector<16xi32>
      %parallel_loop3A_127 = arith.index_cast %parallel_loop3A_117 : i32 to index
      %parallel_loop3A_128 = tpu.vector_load %arg7[%parallel_loop3A_127] {strides = array<i32>} : memref<3136xi32, #tpu.memory_space<vmem>>, vector<16xi32>,
      %parallel_loop3A_129 = arith.select %parallel_loop3A_126, %parallel_loop3A_121, %parallel_loop3A_128 : vector<16xi1>, vector<16xi32>
      %parallel_loop3A_130 = arith.index_cast %parallel_loop3A_117 : i32 to index
      %parallel_loop3A_131 = tpu.vector_load %arg7[%parallel_loop3A_130] {strides = array<i32>} : memref<3136xi32, #tpu.memory_space<vmem>>, vector<16xi32>,
      tpu.vector_store %arg7[%parallel_loop3A_130], %parallel_loop3A_129 {strides = array<i32>} : memref<3136xi32, #tpu.memory_space<vmem>>, vector<16xi32>,
    } {sc.loop_unroll_factor = 7 : i64, sc.parallel_access}
    %dma_wait3A_41 = arith.constant 1568 : i32
    %dma_wait3A_42 = tpu.memref_slice %arg12[%dma_wait3A_41] : memref<3136xi32, #tpu.memory_space<vmem>> -> memref<1568xi32, #tpu.memory_space<vmem>>
    %dma_wait3A_43 = arith.constant 1568 : i32
    %dma_wait3A_44 = tpu.memref_slice %arg8[%dma_wait3A_43] : memref<3136xi32, #tpu.memory_space<vmem>> -> memref<1568xi32, #tpu.memory_space<vmem>>
    %dma_wait3A_45 = arith.constant 0 : i32
    %dma_wait3A_46 = tpu.memref_slice %arg2[%dma_wait3A_45] : memref<1600000xi32, #tpu.memory_space<hbm>> -> memref<1600000xi32, #tpu.memory_space<hbm>>
    tpu.wait_indirect_dma semaphore(%arg17 : memref<!tpu.dma_semaphore, #tpu.memory_space<semaphore_mem>>) src(%dma_wait3A_46 : memref<1600000xi32, #tpu.memory_space<hbm>>) dst(%dma_wait3A_42 : memref<1568xi32, #tpu.memory_space<vmem>>)
    %parallel_loop3A_47 = arith.constant 98 : i32
    %parallel_loop3A_48 = arith.constant 196 : i32
    %parallel_loop3A_49 = arith.constant 1 : i32
    scf.for %parallel_loop3A_115 = %parallel_loop3A_47 to %parallel_loop3A_48 step %parallel_loop3A_49  : i32 {
      %parallel_loop3A_116 = arith.constant 16 : i32
      %parallel_loop3A_117 = arith.muli %parallel_loop3A_115, %parallel_loop3A_116 : i32
      %parallel_loop3A_118 = arith.constant 16 : i32
      %parallel_loop3A_119 = arith.muli %parallel_loop3A_115, %parallel_loop3A_118 : i32
      %parallel_loop3A_120 = arith.index_cast %parallel_loop3A_119 : i32 to index
      %parallel_loop3A_121 = tpu.vector_load %arg12[%parallel_loop3A_120] {strides = array<i32>} : memref<3136xi32, #tpu.memory_space<vmem>>, vector<16xi32>,
      %parallel_loop3A_122 = arith.index_cast %parallel_loop3A_117 : i32 to index
      %parallel_loop3A_123 = tpu.vector_load %arg9[%parallel_loop3A_122] {strides = array<i32>} : memref<3136xi32, #tpu.memory_space<vmem>>, vector<16xi32>,
      %parallel_loop3A_124 = arith.constant 0 : i32
      %parallel_loop3A_125 = vector.broadcast %parallel_loop3A_124 : i32 to vector<16xi32>
      %parallel_loop3A_126 = arith.cmpi sgt, %parallel_loop3A_123, %parallel_loop3A_125 : vector<16xi32>
      %parallel_loop3A_127 = arith.index_cast %parallel_loop3A_117 : i32 to index
      %parallel_loop3A_128 = tpu.vector_load %arg7[%parallel_loop3A_127] {strides = array<i32>} : memref<3136xi32, #tpu.memory_space<vmem>>, vector<16xi32>,
      %parallel_loop3A_129 = arith.select %parallel_loop3A_126, %parallel_loop3A_121, %parallel_loop3A_128 : vector<16xi1>, vector<16xi32>
      %parallel_loop3A_130 = arith.index_cast %parallel_loop3A_117 : i32 to index
      %parallel_loop3A_131 = tpu.vector_load %arg7[%parallel_loop3A_130] {strides = array<i32>} : memref<3136xi32, #tpu.memory_space<vmem>>, vector<16xi32>,
      tpu.vector_store %arg7[%parallel_loop3A_130], %parallel_loop3A_129 {strides = array<i32>} : memref<3136xi32, #tpu.memory_space<vmem>>, vector<16xi32>,
    } {sc.loop_unroll_factor = 7 : i64, sc.parallel_access}
    %add3A_50 = arith.constant 0 : i32
    %add3A_51 = arith.addi %add3A_50, %min3A_3 : i32
    %multiple_of3A_52 = tpu.assume_multiple %add3A_51, 16 : i32
    %dma_start3A_53 = tpu.memref_slice %arg5[%multiple_of3A_52] : memref<1600000xi32, #tpu.memory_space<hbm>> -> memref<3136xi32, #tpu.memory_space<hbm>>
    %dma_start3A_54 = tpu.memref_slice %arg5[%multiple_of3A_52] : memref<1600000xi32, #tpu.memory_space<hbm>> -> memref<3136xi32, #tpu.memory_space<hbm>>
    tpu.enqueue_dma source(%arg7 : memref<3136xi32, #tpu.memory_space<vmem>>) target(%dma_start3A_54 : memref<3136xi32, #tpu.memory_space<hbm>>) target_semaphore(%arg18 : memref<!tpu.dma_semaphore, #tpu.memory_space<semaphore_mem>>)
    %add3A_55 = arith.constant 200000 : i32
    %add3A_56 = arith.addi %add3A_55, %min3A_3 : i32
    %multiple_of3A_57 = tpu.assume_multiple %add3A_56, 16 : i32
    %dma_start3A_58 = tpu.memref_slice %arg4[%multiple_of3A_57] : memref<1600000xf32, #tpu.memory_space<hbm>> -> memref<3136xf32, #tpu.memory_space<hbm>>
    %dma_start3A_59 = tpu.memref_slice %arg4[%multiple_of3A_57] : memref<1600000xf32, #tpu.memory_space<hbm>> -> memref<3136xf32, #tpu.memory_space<hbm>>
    tpu.enqueue_dma source(%dma_start3A_59 : memref<3136xf32, #tpu.memory_space<hbm>>) target(%arg10 : memref<3136xf32, #tpu.memory_space<vmem>>) target_semaphore(%arg14 : memref<!tpu.dma_semaphore, #tpu.memory_space<semaphore_mem>>)
    %multiple_of3A_60 = tpu.assume_multiple %min3A_3, 16 : i32
    %dma_wait3A_61 = tpu.memref_slice %arg4[%multiple_of3A_60] : memref<1600000xf32, #tpu.memory_space<hbm>> -> memref<3136xf32, #tpu.memory_space<hbm>>
    %dma_wait3A_62 = tpu.memref_slice %arg4[%multiple_of3A_60] : memref<1600000xf32, #tpu.memory_space<hbm>> -> memref<3136xf32, #tpu.memory_space<hbm>>
    tpu.wait_dma2 semaphore(%arg15 : memref<!tpu.dma_semaphore, #tpu.memory_space<semaphore_mem>>) src(%dma_wait3A_62 : memref<3136xf32, #tpu.memory_space<hbm>>) dst(%arg11 : memref<3136xf32, #tpu.memory_space<vmem>>)
    %parallel_loop3A_63 = arith.constant 0 : i32
    %parallel_loop3A_64 = arith.constant 98 : i32
    %parallel_loop3A_65 = arith.constant 1 : i32
    scf.for %parallel_loop3A_115 = %parallel_loop3A_63 to %parallel_loop3A_64 step %parallel_loop3A_65  : i32 {
      %parallel_loop3A_116 = arith.constant 16 : i32
      %parallel_loop3A_117 = arith.muli %parallel_loop3A_115, %parallel_loop3A_116 : i32
      %parallel_loop3A_118 = arith.index_cast %parallel_loop3A_117 : i32 to index
      %parallel_loop3A_119 = tpu.vector_load %arg7[%parallel_loop3A_118] {strides = array<i32>} : memref<3136xi32, #tpu.memory_space<vmem>>, vector<16xi32>,
      %parallel_loop3A_120 = tpu.vector_load_idx %arg6[%parallel_loop3A_119] : memref<100000xi32, #tpu.memory_space<vmem>>[vector<16xi32>], vector<16xi32>,
      %parallel_loop3A_121 = arith.constant 1 : i32
      %parallel_loop3A_122 = vector.broadcast %parallel_loop3A_121 : i32 to vector<16xi32>
      %parallel_loop3A_123 = arith.maxsi %parallel_loop3A_120, %parallel_loop3A_122 : vector<16xi32>
      %parallel_loop3A_124 = arith.sitofp %parallel_loop3A_123 : vector<16xi32> to vector<16xf32>
      %parallel_loop3A_125 = arith.index_cast %parallel_loop3A_117 : i32 to index
      %parallel_loop3A_126 = tpu.vector_load %arg11[%parallel_loop3A_125] {strides = array<i32>} : memref<3136xf32, #tpu.memory_space<vmem>>, vector<16xf32>,
      %parallel_loop3A_127 = arith.mulf %parallel_loop3A_124, %parallel_loop3A_126 : vector<16xf32>
      %parallel_loop3A_128 = arith.fptosi %parallel_loop3A_127 : vector<16xf32> to vector<16xi32>
      %parallel_loop3A_129 = arith.sitofp %parallel_loop3A_128 : vector<16xi32> to vector<16xf32>
      %parallel_loop3A_130 = arith.cmpf olt, %parallel_loop3A_129, %parallel_loop3A_127 : vector<16xf32>
      %parallel_loop3A_131 = arith.constant 1 : i32
      %parallel_loop3A_132 = vector.broadcast %parallel_loop3A_131 : i32 to vector<16xi32>
      %parallel_loop3A_133 = arith.subi %parallel_loop3A_128, %parallel_loop3A_132 : vector<16xi32>
      %parallel_loop3A_134 = arith.select %parallel_loop3A_130, %parallel_loop3A_128, %parallel_loop3A_133 : vector<16xi1>, vector<16xi32>
      %parallel_loop3A_135 = arith.constant 1 : i32
      %parallel_loop3A_136 = vector.broadcast %parallel_loop3A_135 : i32 to vector<16xi32>
      %parallel_loop3A_137 = arith.subi %parallel_loop3A_123, %parallel_loop3A_136 : vector<16xi32>
      %parallel_loop3A_138 = arith.minsi %parallel_loop3A_134, %parallel_loop3A_137 : vector<16xi32>
      %parallel_loop3A_139 = arith.constant 0 : i32
      %parallel_loop3A_140 = vector.broadcast %parallel_loop3A_139 : i32 to vector<16xi32>
      %parallel_loop3A_141 = arith.maxsi %parallel_loop3A_138, %parallel_loop3A_140 : vector<16xi32>
      %parallel_loop3A_142 = arith.constant 16 : i32
      %parallel_loop3A_143 = vector.broadcast %parallel_loop3A_142 : i32 to vector<16xi32>
      %parallel_loop3A_144 = arith.muli %parallel_loop3A_119, %parallel_loop3A_143 : vector<16xi32>
      %parallel_loop3A_145 = arith.addi %parallel_loop3A_144, %parallel_loop3A_141 : vector<16xi32>
      %parallel_loop3A_146 = arith.index_cast %parallel_loop3A_117 : i32 to index
      %parallel_loop3A_147 = tpu.vector_load %arg8[%parallel_loop3A_146] {strides = array<i32>} : memref<3136xi32, #tpu.memory_space<vmem>>, vector<16xi32>,
      tpu.vector_store %arg8[%parallel_loop3A_146], %parallel_loop3A_145 {strides = array<i32>} : memref<3136xi32, #tpu.memory_space<vmem>>, vector<16xi32>,
      %parallel_loop3A_148 = arith.index_cast %parallel_loop3A_117 : i32 to index
      %parallel_loop3A_149 = tpu.vector_load %arg9[%parallel_loop3A_148] {strides = array<i32>} : memref<3136xi32, #tpu.memory_space<vmem>>, vector<16xi32>,
      tpu.vector_store %arg9[%parallel_loop3A_148], %parallel_loop3A_120 {strides = array<i32>} : memref<3136xi32, #tpu.memory_space<vmem>>, vector<16xi32>,
    } {sc.loop_unroll_factor = 7 : i64, sc.parallel_access}
    %dma_start3A_66 = arith.constant 0 : i32
    %dma_start3A_67 = tpu.memref_slice %arg12[%dma_start3A_66] : memref<3136xi32, #tpu.memory_space<vmem>> -> memref<1568xi32, #tpu.memory_space<vmem>>
    %dma_start3A_68 = arith.constant 0 : i32
    %dma_start3A_69 = tpu.memref_slice %arg8[%dma_start3A_68] : memref<3136xi32, #tpu.memory_space<vmem>> -> memref<1568xi32, #tpu.memory_space<vmem>>
    %dma_start3A_70 = arith.constant 0 : i32
    %dma_start3A_71 = tpu.memref_slice %arg2[%dma_start3A_70] : memref<1600000xi32, #tpu.memory_space<hbm>> -> memref<1600000xi32, #tpu.memory_space<hbm>>
    tpu.enqueue_indirect_dma source(%dma_start3A_71 : memref<1600000xi32, #tpu.memory_space<hbm>>) target(%dma_start3A_67 : memref<1568xi32, #tpu.memory_space<vmem>>) offsets(%dma_start3A_69 : memref<1568xi32, #tpu.memory_space<vmem>>) semaphore(%arg16 : memref<!tpu.dma_semaphore, #tpu.memory_space<semaphore_mem>>)
    %parallel_loop3A_72 = arith.constant 98 : i32
    %parallel_loop3A_73 = arith.constant 196 : i32
    %parallel_loop3A_74 = arith.constant 1 : i32
    scf.for %parallel_loop3A_115 = %parallel_loop3A_72 to %parallel_loop3A_73 step %parallel_loop3A_74  : i32 {
      %parallel_loop3A_116 = arith.constant 16 : i32
      %parallel_loop3A_117 = arith.muli %parallel_loop3A_115, %parallel_loop3A_116 : i32
      %parallel_loop3A_118 = arith.index_cast %parallel_loop3A_117 : i32 to index
      %parallel_loop3A_119 = tpu.vector_load %arg7[%parallel_loop3A_118] {strides = array<i32>} : memref<3136xi32, #tpu.memory_space<vmem>>, vector<16xi32>,
      %parallel_loop3A_120 = tpu.vector_load_idx %arg6[%parallel_loop3A_119] : memref<100000xi32, #tpu.memory_space<vmem>>[vector<16xi32>], vector<16xi32>,
      %parallel_loop3A_121 = arith.constant 1 : i32
      %parallel_loop3A_122 = vector.broadcast %parallel_loop3A_121 : i32 to vector<16xi32>
      %parallel_loop3A_123 = arith.maxsi %parallel_loop3A_120, %parallel_loop3A_122 : vector<16xi32>
      %parallel_loop3A_124 = arith.sitofp %parallel_loop3A_123 : vector<16xi32> to vector<16xf32>
      %parallel_loop3A_125 = arith.index_cast %parallel_loop3A_117 : i32 to index
      %parallel_loop3A_126 = tpu.vector_load %arg11[%parallel_loop3A_125] {strides = array<i32>} : memref<3136xf32, #tpu.memory_space<vmem>>, vector<16xf32>,
      %parallel_loop3A_127 = arith.mulf %parallel_loop3A_124, %parallel_loop3A_126 : vector<16xf32>
      %parallel_loop3A_128 = arith.fptosi %parallel_loop3A_127 : vector<16xf32> to vector<16xi32>
      %parallel_loop3A_129 = arith.sitofp %parallel_loop3A_128 : vector<16xi32> to vector<16xf32>
      %parallel_loop3A_130 = arith.cmpf olt, %parallel_loop3A_129, %parallel_loop3A_127 : vector<16xf32>
      %parallel_loop3A_131 = arith.constant 1 : i32
      %parallel_loop3A_132 = vector.broadcast %parallel_loop3A_131 : i32 to vector<16xi32>
      %parallel_loop3A_133 = arith.subi %parallel_loop3A_128, %parallel_loop3A_132 : vector<16xi32>
      %parallel_loop3A_134 = arith.select %parallel_loop3A_130, %parallel_loop3A_128, %parallel_loop3A_133 : vector<16xi1>, vector<16xi32>
      %parallel_loop3A_135 = arith.constant 1 : i32
      %parallel_loop3A_136 = vector.broadcast %parallel_loop3A_135 : i32 to vector<16xi32>
      %parallel_loop3A_137 = arith.subi %parallel_loop3A_123, %parallel_loop3A_136 : vector<16xi32>
      %parallel_loop3A_138 = arith.minsi %parallel_loop3A_134, %parallel_loop3A_137 : vector<16xi32>
      %parallel_loop3A_139 = arith.constant 0 : i32
      %parallel_loop3A_140 = vector.broadcast %parallel_loop3A_139 : i32 to vector<16xi32>
      %parallel_loop3A_141 = arith.maxsi %parallel_loop3A_138, %parallel_loop3A_140 : vector<16xi32>
      %parallel_loop3A_142 = arith.constant 16 : i32
      %parallel_loop3A_143 = vector.broadcast %parallel_loop3A_142 : i32 to vector<16xi32>
      %parallel_loop3A_144 = arith.muli %parallel_loop3A_119, %parallel_loop3A_143 : vector<16xi32>
      %parallel_loop3A_145 = arith.addi %parallel_loop3A_144, %parallel_loop3A_141 : vector<16xi32>
      %parallel_loop3A_146 = arith.index_cast %parallel_loop3A_117 : i32 to index
      %parallel_loop3A_147 = tpu.vector_load %arg8[%parallel_loop3A_146] {strides = array<i32>} : memref<3136xi32, #tpu.memory_space<vmem>>, vector<16xi32>,
      tpu.vector_store %arg8[%parallel_loop3A_146], %parallel_loop3A_145 {strides = array<i32>} : memref<3136xi32, #tpu.memory_space<vmem>>, vector<16xi32>,
      %parallel_loop3A_148 = arith.index_cast %parallel_loop3A_117 : i32 to index
      %parallel_loop3A_149 = tpu.vector_load %arg9[%parallel_loop3A_148] {strides = array<i32>} : memref<3136xi32, #tpu.memory_space<vmem>>, vector<16xi32>,
      tpu.vector_store %arg9[%parallel_loop3A_148], %parallel_loop3A_120 {strides = array<i32>} : memref<3136xi32, #tpu.memory_space<vmem>>, vector<16xi32>,
    } {sc.loop_unroll_factor = 7 : i64, sc.parallel_access}
    %dma_start3A_75 = arith.constant 1568 : i32
    %dma_start3A_76 = tpu.memref_slice %arg12[%dma_start3A_75] : memref<3136xi32, #tpu.memory_space<vmem>> -> memref<1568xi32, #tpu.memory_space<vmem>>
    %dma_start3A_77 = arith.constant 1568 : i32
    %dma_start3A_78 = tpu.memref_slice %arg8[%dma_start3A_77] : memref<3136xi32, #tpu.memory_space<vmem>> -> memref<1568xi32, #tpu.memory_space<vmem>>
    %dma_start3A_79 = arith.constant 0 : i32
    %dma_start3A_80 = tpu.memref_slice %arg2[%dma_start3A_79] : memref<1600000xi32, #tpu.memory_space<hbm>> -> memref<1600000xi32, #tpu.memory_space<hbm>>
    tpu.enqueue_indirect_dma source(%dma_start3A_80 : memref<1600000xi32, #tpu.memory_space<hbm>>) target(%dma_start3A_76 : memref<1568xi32, #tpu.memory_space<vmem>>) offsets(%dma_start3A_78 : memref<1568xi32, #tpu.memory_space<vmem>>) semaphore(%arg17 : memref<!tpu.dma_semaphore, #tpu.memory_space<semaphore_mem>>)
    %dma_wait3A_81 = arith.constant 0 : i32
    %dma_wait3A_82 = tpu.memref_slice %arg12[%dma_wait3A_81] : memref<3136xi32, #tpu.memory_space<vmem>> -> memref<1568xi32, #tpu.memory_space<vmem>>
    %dma_wait3A_83 = arith.constant 0 : i32
    %dma_wait3A_84 = tpu.memref_slice %arg8[%dma_wait3A_83] : memref<3136xi32, #tpu.memory_space<vmem>> -> memref<1568xi32, #tpu.memory_space<vmem>>
    %dma_wait3A_85 = arith.constant 0 : i32
    %dma_wait3A_86 = tpu.memref_slice %arg2[%dma_wait3A_85] : memref<1600000xi32, #tpu.memory_space<hbm>> -> memref<1600000xi32, #tpu.memory_space<hbm>>
    tpu.wait_indirect_dma semaphore(%arg16 : memref<!tpu.dma_semaphore, #tpu.memory_space<semaphore_mem>>) src(%dma_wait3A_86 : memref<1600000xi32, #tpu.memory_space<hbm>>) dst(%dma_wait3A_82 : memref<1568xi32, #tpu.memory_space<vmem>>)
    %multiple_of3A_87 = tpu.assume_multiple %min3A_3, 16 : i32
    %dma_wait3A_88 = tpu.memref_slice %arg5[%multiple_of3A_87] : memref<1600000xi32, #tpu.memory_space<hbm>> -> memref<3136xi32, #tpu.memory_space<hbm>>
    %dma_wait3A_89 = tpu.memref_slice %arg5[%multiple_of3A_87] : memref<1600000xi32, #tpu.memory_space<hbm>> -> memref<3136xi32, #tpu.memory_space<hbm>>
    tpu.wait_dma2 semaphore(%arg18 : memref<!tpu.dma_semaphore, #tpu.memory_space<semaphore_mem>>) src(%arg7 : memref<3136xi32, #tpu.memory_space<vmem>>) dst(%dma_wait3A_89 : memref<3136xi32, #tpu.memory_space<hbm>>)
    %parallel_loop3A_90 = arith.constant 0 : i32
    %parallel_loop3A_91 = arith.constant 98 : i32
    %parallel_loop3A_92 = arith.constant 1 : i32
    scf.for %parallel_loop3A_115 = %parallel_loop3A_90 to %parallel_loop3A_91 step %parallel_loop3A_92  : i32 {
      %parallel_loop3A_116 = arith.constant 16 : i32
      %parallel_loop3A_117 = arith.muli %parallel_loop3A_115, %parallel_loop3A_116 : i32
      %parallel_loop3A_118 = arith.constant 16 : i32
      %parallel_loop3A_119 = arith.muli %parallel_loop3A_115, %parallel_loop3A_118 : i32
      %parallel_loop3A_120 = arith.index_cast %parallel_loop3A_119 : i32 to index
      %parallel_loop3A_121 = tpu.vector_load %arg12[%parallel_loop3A_120] {strides = array<i32>} : memref<3136xi32, #tpu.memory_space<vmem>>, vector<16xi32>,
      %parallel_loop3A_122 = arith.index_cast %parallel_loop3A_117 : i32 to index
      %parallel_loop3A_123 = tpu.vector_load %arg9[%parallel_loop3A_122] {strides = array<i32>} : memref<3136xi32, #tpu.memory_space<vmem>>, vector<16xi32>,
      %parallel_loop3A_124 = arith.constant 0 : i32
      %parallel_loop3A_125 = vector.broadcast %parallel_loop3A_124 : i32 to vector<16xi32>
      %parallel_loop3A_126 = arith.cmpi sgt, %parallel_loop3A_123, %parallel_loop3A_125 : vector<16xi32>
      %parallel_loop3A_127 = arith.index_cast %parallel_loop3A_117 : i32 to index
      %parallel_loop3A_128 = tpu.vector_load %arg7[%parallel_loop3A_127] {strides = array<i32>} : memref<3136xi32, #tpu.memory_space<vmem>>, vector<16xi32>,
      %parallel_loop3A_129 = arith.select %parallel_loop3A_126, %parallel_loop3A_121, %parallel_loop3A_128 : vector<16xi1>, vector<16xi32>
      %parallel_loop3A_130 = arith.index_cast %parallel_loop3A_117 : i32 to index
      %parallel_loop3A_131 = tpu.vector_load %arg7[%parallel_loop3A_130] {strides = array<i32>} : memref<3136xi32, #tpu.memory_space<vmem>>, vector<16xi32>,
      tpu.vector_store %arg7[%parallel_loop3A_130], %parallel_loop3A_129 {strides = array<i32>} : memref<3136xi32, #tpu.memory_space<vmem>>, vector<16xi32>,
    } {sc.loop_unroll_factor = 7 : i64, sc.parallel_access}
    %dma_wait3A_93 = arith.constant 1568 : i32
    %dma_wait3A_94 = tpu.memref_slice %arg12[%dma_wait3A_93] : memref<3136xi32, #tpu.memory_space<vmem>> -> memref<1568xi32, #tpu.memory_space<vmem>>
    %dma_wait3A_95 = arith.constant 1568 : i32
    %dma_wait3A_96 = tpu.memref_slice %arg8[%dma_wait3A_95] : memref<3136xi32, #tpu.memory_space<vmem>> -> memref<1568xi32, #tpu.memory_space<vmem>>
    %dma_wait3A_97 = arith.constant 0 : i32
    %dma_wait3A_98 = tpu.memref_slice %arg2[%dma_wait3A_97] : memref<1600000xi32, #tpu.memory_space<hbm>> -> memref<1600000xi32, #tpu.memory_space<hbm>>
    tpu.wait_indirect_dma semaphore(%arg17 : memref<!tpu.dma_semaphore, #tpu.memory_space<semaphore_mem>>) src(%dma_wait3A_98 : memref<1600000xi32, #tpu.memory_space<hbm>>) dst(%dma_wait3A_94 : memref<1568xi32, #tpu.memory_space<vmem>>)
    %parallel_loop3A_99 = arith.constant 98 : i32
    %parallel_loop3A_100 = arith.constant 196 : i32
    %parallel_loop3A_101 = arith.constant 1 : i32
    scf.for %parallel_loop3A_115 = %parallel_loop3A_99 to %parallel_loop3A_100 step %parallel_loop3A_101  : i32 {
      %parallel_loop3A_116 = arith.constant 16 : i32
      %parallel_loop3A_117 = arith.muli %parallel_loop3A_115, %parallel_loop3A_116 : i32
      %parallel_loop3A_118 = arith.constant 16 : i32
      %parallel_loop3A_119 = arith.muli %parallel_loop3A_115, %parallel_loop3A_118 : i32
      %parallel_loop3A_120 = arith.index_cast %parallel_loop3A_119 : i32 to index
      %parallel_loop3A_121 = tpu.vector_load %arg12[%parallel_loop3A_120] {strides = array<i32>} : memref<3136xi32, #tpu.memory_space<vmem>>, vector<16xi32>,
      %parallel_loop3A_122 = arith.index_cast %parallel_loop3A_117 : i32 to index
      %parallel_loop3A_123 = tpu.vector_load %arg9[%parallel_loop3A_122] {strides = array<i32>} : memref<3136xi32, #tpu.memory_space<vmem>>, vector<16xi32>,
      %parallel_loop3A_124 = arith.constant 0 : i32
      %parallel_loop3A_125 = vector.broadcast %parallel_loop3A_124 : i32 to vector<16xi32>
      %parallel_loop3A_126 = arith.cmpi sgt, %parallel_loop3A_123, %parallel_loop3A_125 : vector<16xi32>
      %parallel_loop3A_127 = arith.index_cast %parallel_loop3A_117 : i32 to index
      %parallel_loop3A_128 = tpu.vector_load %arg7[%parallel_loop3A_127] {strides = array<i32>} : memref<3136xi32, #tpu.memory_space<vmem>>, vector<16xi32>,
      %parallel_loop3A_129 = arith.select %parallel_loop3A_126, %parallel_loop3A_121, %parallel_loop3A_128 : vector<16xi1>, vector<16xi32>
      %parallel_loop3A_130 = arith.index_cast %parallel_loop3A_117 : i32 to index
      %parallel_loop3A_131 = tpu.vector_load %arg7[%parallel_loop3A_130] {strides = array<i32>} : memref<3136xi32, #tpu.memory_space<vmem>>, vector<16xi32>,
      tpu.vector_store %arg7[%parallel_loop3A_130], %parallel_loop3A_129 {strides = array<i32>} : memref<3136xi32, #tpu.memory_space<vmem>>, vector<16xi32>,
    } {sc.loop_unroll_factor = 7 : i64, sc.parallel_access}
    %add3A_102 = arith.constant 100000 : i32
    %add3A_103 = arith.addi %add3A_102, %min3A_3 : i32
    %multiple_of3A_104 = tpu.assume_multiple %add3A_103, 16 : i32
    %dma_start3A_105 = tpu.memref_slice %arg5[%multiple_of3A_104] : memref<1600000xi32, #tpu.memory_space<hbm>> -> memref<3136xi32, #tpu.memory_space<hbm>>
    %dma_start3A_106 = tpu.memref_slice %arg5[%multiple_of3A_104] : memref<1600000xi32, #tpu.memory_space<hbm>> -> memref<3136xi32, #tpu.memory_space<hbm>>
    tpu.enqueue_dma source(%arg7 : memref<3136xi32, #tpu.memory_space<vmem>>) target(%dma_start3A_106 : memref<3136xi32, #tpu.memory_space<hbm>>) target_semaphore(%arg18 : memref<!tpu.dma_semaphore, #tpu.memory_space<semaphore_mem>>)
    %scan3A = arith.constant 0 : i32
    %scan3A_107 = arith.constant 1 : i32
    %scan3A_108 = arith.constant 7 : i32
    %scan3A_109 = arith.addi %scan3A_107, %scan3A_108 : i32
    %scan3A_110 = arith.constant 1 : i32
    scf.for %scan3A_115 = %scan3A_107 to %scan3A_109 step %scan3A_110  : i32 {
      %mul3A_116 = arith.constant 2 : i32
      %mul3A_117 = arith.muli %mul3A_116, %scan3A_115 : i32
      %mul3A_118 = arith.constant 2 : i32
      %mul3A_119 = arith.muli %mul3A_118, %scan3A_115 : i32
      %add3A_120 = arith.constant 1 : i32
      %add3A_121 = arith.addi %mul3A_119, %add3A_120 : i32
      %mul3A_122 = arith.constant 100000 : i32
      %mul3A_123 = arith.muli %add3A_121, %mul3A_122 : i32
      %add3A_124 = arith.addi %mul3A_123, %min3A_3 : i32
      %multiple_of3A_125 = tpu.assume_multiple %add3A_124, 16 : i32
      %dma_start3A_126 = tpu.memref_slice %arg4[%multiple_of3A_125] : memref<1600000xf32, #tpu.memory_space<hbm>> -> memref<3136xf32, #tpu.memory_space<hbm>>
      %dma_start3A_127 = tpu.memref_slice %arg4[%multiple_of3A_125] : memref<1600000xf32, #tpu.memory_space<hbm>> -> memref<3136xf32, #tpu.memory_space<hbm>>
      tpu.enqueue_dma source(%dma_start3A_127 : memref<3136xf32, #tpu.memory_space<hbm>>) target(%arg11 : memref<3136xf32, #tpu.memory_space<vmem>>) target_semaphore(%arg15 : memref<!tpu.dma_semaphore, #tpu.memory_space<semaphore_mem>>)
      %multiple_of3A_128 = tpu.assume_multiple %min3A_3, 16 : i32
      %dma_wait3A_129 = tpu.memref_slice %arg4[%multiple_of3A_128] : memref<1600000xf32, #tpu.memory_space<hbm>> -> memref<3136xf32, #tpu.memory_space<hbm>>
      %dma_wait3A_130 = tpu.memref_slice %arg4[%multiple_of3A_128] : memref<1600000xf32, #tpu.memory_space<hbm>> -> memref<3136xf32, #tpu.memory_space<hbm>>
      tpu.wait_dma2 semaphore(%arg14 : memref<!tpu.dma_semaphore, #tpu.memory_space<semaphore_mem>>) src(%dma_wait3A_130 : memref<3136xf32, #tpu.memory_space<hbm>>) dst(%arg10 : memref<3136xf32, #tpu.memory_space<vmem>>)
      %parallel_loop3A_131 = arith.constant 0 : i32
      %parallel_loop3A_132 = arith.constant 98 : i32
      %parallel_loop3A_133 = arith.constant 1 : i32
      scf.for %parallel_loop3A_226 = %parallel_loop3A_131 to %parallel_loop3A_132 step %parallel_loop3A_133  : i32 {
        %parallel_loop3A_227 = arith.constant 16 : i32
        %parallel_loop3A_228 = arith.muli %parallel_loop3A_226, %parallel_loop3A_227 : i32
        %parallel_loop3A_229 = arith.index_cast %parallel_loop3A_228 : i32 to index
        %parallel_loop3A_230 = tpu.vector_load %arg7[%parallel_loop3A_229] {strides = array<i32>} : memref<3136xi32, #tpu.memory_space<vmem>>, vector<16xi32>,
        %parallel_loop3A_231 = tpu.vector_load_idx %arg6[%parallel_loop3A_230] : memref<100000xi32, #tpu.memory_space<vmem>>[vector<16xi32>], vector<16xi32>,
        %parallel_loop3A_232 = arith.constant 1 : i32
        %parallel_loop3A_233 = vector.broadcast %parallel_loop3A_232 : i32 to vector<16xi32>
        %parallel_loop3A_234 = arith.maxsi %parallel_loop3A_231, %parallel_loop3A_233 : vector<16xi32>
        %parallel_loop3A_235 = arith.sitofp %parallel_loop3A_234 : vector<16xi32> to vector<16xf32>
        %parallel_loop3A_236 = arith.index_cast %parallel_loop3A_228 : i32 to index
        %parallel_loop3A_237 = tpu.vector_load %arg10[%parallel_loop3A_236] {strides = array<i32>} : memref<3136xf32, #tpu.memory_space<vmem>>, vector<16xf32>,
        %parallel_loop3A_238 = arith.mulf %parallel_loop3A_235, %parallel_loop3A_237 : vector<16xf32>
        %parallel_loop3A_239 = arith.fptosi %parallel_loop3A_238 : vector<16xf32> to vector<16xi32>
        %parallel_loop3A_240 = arith.sitofp %parallel_loop3A_239 : vector<16xi32> to vector<16xf32>
        %parallel_loop3A_241 = arith.cmpf olt, %parallel_loop3A_240, %parallel_loop3A_238 : vector<16xf32>
        %parallel_loop3A_242 = arith.constant 1 : i32
        %parallel_loop3A_243 = vector.broadcast %parallel_loop3A_242 : i32 to vector<16xi32>
        %parallel_loop3A_244 = arith.subi %parallel_loop3A_239, %parallel_loop3A_243 : vector<16xi32>
        %parallel_loop3A_245 = arith.select %parallel_loop3A_241, %parallel_loop3A_239, %parallel_loop3A_244 : vector<16xi1>, vector<16xi32>
        %parallel_loop3A_246 = arith.constant 1 : i32
        %parallel_loop3A_247 = vector.broadcast %parallel_loop3A_246 : i32 to vector<16xi32>
        %parallel_loop3A_248 = arith.subi %parallel_loop3A_234, %parallel_loop3A_247 : vector<16xi32>
        %parallel_loop3A_249 = arith.minsi %parallel_loop3A_245, %parallel_loop3A_248 : vector<16xi32>
        %parallel_loop3A_250 = arith.constant 0 : i32
        %parallel_loop3A_251 = vector.broadcast %parallel_loop3A_250 : i32 to vector<16xi32>
        %parallel_loop3A_252 = arith.maxsi %parallel_loop3A_249, %parallel_loop3A_251 : vector<16xi32>
        %parallel_loop3A_253 = arith.constant 16 : i32
        %parallel_loop3A_254 = vector.broadcast %parallel_loop3A_253 : i32 to vector<16xi32>
        %parallel_loop3A_255 = arith.muli %parallel_loop3A_230, %parallel_loop3A_254 : vector<16xi32>
        %parallel_loop3A_256 = arith.addi %parallel_loop3A_255, %parallel_loop3A_252 : vector<16xi32>
        %parallel_loop3A_257 = arith.index_cast %parallel_loop3A_228 : i32 to index
        %parallel_loop3A_258 = tpu.vector_load %arg8[%parallel_loop3A_257] {strides = array<i32>} : memref<3136xi32, #tpu.memory_space<vmem>>, vector<16xi32>,
        tpu.vector_store %arg8[%parallel_loop3A_257], %parallel_loop3A_256 {strides = array<i32>} : memref<3136xi32, #tpu.memory_space<vmem>>, vector<16xi32>,
        %parallel_loop3A_259 = arith.index_cast %parallel_loop3A_228 : i32 to index
        %parallel_loop3A_260 = tpu.vector_load %arg9[%parallel_loop3A_259] {strides = array<i32>} : memref<3136xi32, #tpu.memory_space<vmem>>, vector<16xi32>,
        tpu.vector_store %arg9[%parallel_loop3A_259], %parallel_loop3A_231 {strides = array<i32>} : memref<3136xi32, #tpu.memory_space<vmem>>, vector<16xi32>,
      } {sc.loop_unroll_factor = 7 : i64, sc.parallel_access}
      %dma_start3A_134 = arith.constant 0 : i32
      %dma_start3A_135 = tpu.memref_slice %arg12[%dma_start3A_134] : memref<3136xi32, #tpu.memory_space<vmem>> -> memref<1568xi32, #tpu.memory_space<vmem>>
      %dma_start3A_136 = arith.constant 0 : i32
      %dma_start3A_137 = tpu.memref_slice %arg8[%dma_start3A_136] : memref<3136xi32, #tpu.memory_space<vmem>> -> memref<1568xi32, #tpu.memory_space<vmem>>
      %dma_start3A_138 = arith.constant 0 : i32
      %dma_start3A_139 = tpu.memref_slice %arg2[%dma_start3A_138] : memref<1600000xi32, #tpu.memory_space<hbm>> -> memref<1600000xi32, #tpu.memory_space<hbm>>
      tpu.enqueue_indirect_dma source(%dma_start3A_139 : memref<1600000xi32, #tpu.memory_space<hbm>>) target(%dma_start3A_135 : memref<1568xi32, #tpu.memory_space<vmem>>) offsets(%dma_start3A_137 : memref<1568xi32, #tpu.memory_space<vmem>>) semaphore(%arg16 : memref<!tpu.dma_semaphore, #tpu.memory_space<semaphore_mem>>)
      %parallel_loop3A_140 = arith.constant 98 : i32
      %parallel_loop3A_141 = arith.constant 196 : i32
      %parallel_loop3A_142 = arith.constant 1 : i32
      scf.for %parallel_loop3A_226 = %parallel_loop3A_140 to %parallel_loop3A_141 step %parallel_loop3A_142  : i32 {
        %parallel_loop3A_227 = arith.constant 16 : i32
        %parallel_loop3A_228 = arith.muli %parallel_loop3A_226, %parallel_loop3A_227 : i32
        %parallel_loop3A_229 = arith.index_cast %parallel_loop3A_228 : i32 to index
        %parallel_loop3A_230 = tpu.vector_load %arg7[%parallel_loop3A_229] {strides = array<i32>} : memref<3136xi32, #tpu.memory_space<vmem>>, vector<16xi32>,
        %parallel_loop3A_231 = tpu.vector_load_idx %arg6[%parallel_loop3A_230] : memref<100000xi32, #tpu.memory_space<vmem>>[vector<16xi32>], vector<16xi32>,
        %parallel_loop3A_232 = arith.constant 1 : i32
        %parallel_loop3A_233 = vector.broadcast %parallel_loop3A_232 : i32 to vector<16xi32>
        %parallel_loop3A_234 = arith.maxsi %parallel_loop3A_231, %parallel_loop3A_233 : vector<16xi32>
        %parallel_loop3A_235 = arith.sitofp %parallel_loop3A_234 : vector<16xi32> to vector<16xf32>
        %parallel_loop3A_236 = arith.index_cast %parallel_loop3A_228 : i32 to index
        %parallel_loop3A_237 = tpu.vector_load %arg10[%parallel_loop3A_236] {strides = array<i32>} : memref<3136xf32, #tpu.memory_space<vmem>>, vector<16xf32>,
        %parallel_loop3A_238 = arith.mulf %parallel_loop3A_235, %parallel_loop3A_237 : vector<16xf32>
        %parallel_loop3A_239 = arith.fptosi %parallel_loop3A_238 : vector<16xf32> to vector<16xi32>
        %parallel_loop3A_240 = arith.sitofp %parallel_loop3A_239 : vector<16xi32> to vector<16xf32>
        %parallel_loop3A_241 = arith.cmpf olt, %parallel_loop3A_240, %parallel_loop3A_238 : vector<16xf32>
        %parallel_loop3A_242 = arith.constant 1 : i32
        %parallel_loop3A_243 = vector.broadcast %parallel_loop3A_242 : i32 to vector<16xi32>
        %parallel_loop3A_244 = arith.subi %parallel_loop3A_239, %parallel_loop3A_243 : vector<16xi32>
        %parallel_loop3A_245 = arith.select %parallel_loop3A_241, %parallel_loop3A_239, %parallel_loop3A_244 : vector<16xi1>, vector<16xi32>
        %parallel_loop3A_246 = arith.constant 1 : i32
        %parallel_loop3A_247 = vector.broadcast %parallel_loop3A_246 : i32 to vector<16xi32>
        %parallel_loop3A_248 = arith.subi %parallel_loop3A_234, %parallel_loop3A_247 : vector<16xi32>
        %parallel_loop3A_249 = arith.minsi %parallel_loop3A_245, %parallel_loop3A_248 : vector<16xi32>
        %parallel_loop3A_250 = arith.constant 0 : i32
        %parallel_loop3A_251 = vector.broadcast %parallel_loop3A_250 : i32 to vector<16xi32>
        %parallel_loop3A_252 = arith.maxsi %parallel_loop3A_249, %parallel_loop3A_251 : vector<16xi32>
        %parallel_loop3A_253 = arith.constant 16 : i32
        %parallel_loop3A_254 = vector.broadcast %parallel_loop3A_253 : i32 to vector<16xi32>
        %parallel_loop3A_255 = arith.muli %parallel_loop3A_230, %parallel_loop3A_254 : vector<16xi32>
        %parallel_loop3A_256 = arith.addi %parallel_loop3A_255, %parallel_loop3A_252 : vector<16xi32>
        %parallel_loop3A_257 = arith.index_cast %parallel_loop3A_228 : i32 to index
        %parallel_loop3A_258 = tpu.vector_load %arg8[%parallel_loop3A_257] {strides = array<i32>} : memref<3136xi32, #tpu.memory_space<vmem>>, vector<16xi32>,
        tpu.vector_store %arg8[%parallel_loop3A_257], %parallel_loop3A_256 {strides = array<i32>} : memref<3136xi32, #tpu.memory_space<vmem>>, vector<16xi32>,
        %parallel_loop3A_259 = arith.index_cast %parallel_loop3A_228 : i32 to index
        %parallel_loop3A_260 = tpu.vector_load %arg9[%parallel_loop3A_259] {strides = array<i32>} : memref<3136xi32, #tpu.memory_space<vmem>>, vector<16xi32>,
        tpu.vector_store %arg9[%parallel_loop3A_259], %parallel_loop3A_231 {strides = array<i32>} : memref<3136xi32, #tpu.memory_space<vmem>>, vector<16xi32>,
      } {sc.loop_unroll_factor = 7 : i64, sc.parallel_access}
      %dma_start3A_143 = arith.constant 1568 : i32
      %dma_start3A_144 = tpu.memref_slice %arg12[%dma_start3A_143] : memref<3136xi32, #tpu.memory_space<vmem>> -> memref<1568xi32, #tpu.memory_space<vmem>>
      %dma_start3A_145 = arith.constant 1568 : i32
      %dma_start3A_146 = tpu.memref_slice %arg8[%dma_start3A_145] : memref<3136xi32, #tpu.memory_space<vmem>> -> memref<1568xi32, #tpu.memory_space<vmem>>
      %dma_start3A_147 = arith.constant 0 : i32
      %dma_start3A_148 = tpu.memref_slice %arg2[%dma_start3A_147] : memref<1600000xi32, #tpu.memory_space<hbm>> -> memref<1600000xi32, #tpu.memory_space<hbm>>
      tpu.enqueue_indirect_dma source(%dma_start3A_148 : memref<1600000xi32, #tpu.memory_space<hbm>>) target(%dma_start3A_144 : memref<1568xi32, #tpu.memory_space<vmem>>) offsets(%dma_start3A_146 : memref<1568xi32, #tpu.memory_space<vmem>>) semaphore(%arg17 : memref<!tpu.dma_semaphore, #tpu.memory_space<semaphore_mem>>)
      %dma_wait3A_149 = arith.constant 0 : i32
      %dma_wait3A_150 = tpu.memref_slice %arg12[%dma_wait3A_149] : memref<3136xi32, #tpu.memory_space<vmem>> -> memref<1568xi32, #tpu.memory_space<vmem>>
      %dma_wait3A_151 = arith.constant 0 : i32
      %dma_wait3A_152 = tpu.memref_slice %arg8[%dma_wait3A_151] : memref<3136xi32, #tpu.memory_space<vmem>> -> memref<1568xi32, #tpu.memory_space<vmem>>
      %dma_wait3A_153 = arith.constant 0 : i32
      %dma_wait3A_154 = tpu.memref_slice %arg2[%dma_wait3A_153] : memref<1600000xi32, #tpu.memory_space<hbm>> -> memref<1600000xi32, #tpu.memory_space<hbm>>
      tpu.wait_indirect_dma semaphore(%arg16 : memref<!tpu.dma_semaphore, #tpu.memory_space<semaphore_mem>>) src(%dma_wait3A_154 : memref<1600000xi32, #tpu.memory_space<hbm>>) dst(%dma_wait3A_150 : memref<1568xi32, #tpu.memory_space<vmem>>)
      %multiple_of3A_155 = tpu.assume_multiple %min3A_3, 16 : i32
      %dma_wait3A_156 = tpu.memref_slice %arg5[%multiple_of3A_155] : memref<1600000xi32, #tpu.memory_space<hbm>> -> memref<3136xi32, #tpu.memory_space<hbm>>
      %dma_wait3A_157 = tpu.memref_slice %arg5[%multiple_of3A_155] : memref<1600000xi32, #tpu.memory_space<hbm>> -> memref<3136xi32, #tpu.memory_space<hbm>>
      tpu.wait_dma2 semaphore(%arg18 : memref<!tpu.dma_semaphore, #tpu.memory_space<semaphore_mem>>) src(%arg7 : memref<3136xi32, #tpu.memory_space<vmem>>) dst(%dma_wait3A_157 : memref<3136xi32, #tpu.memory_space<hbm>>)
      %parallel_loop3A_158 = arith.constant 0 : i32
      %parallel_loop3A_159 = arith.constant 98 : i32
      %parallel_loop3A_160 = arith.constant 1 : i32
      scf.for %parallel_loop3A_226 = %parallel_loop3A_158 to %parallel_loop3A_159 step %parallel_loop3A_160  : i32 {
        %parallel_loop3A_227 = arith.constant 16 : i32
        %parallel_loop3A_228 = arith.muli %parallel_loop3A_226, %parallel_loop3A_227 : i32
        %parallel_loop3A_229 = arith.constant 16 : i32
        %parallel_loop3A_230 = arith.muli %parallel_loop3A_226, %parallel_loop3A_229 : i32
        %parallel_loop3A_231 = arith.index_cast %parallel_loop3A_230 : i32 to index
        %parallel_loop3A_232 = tpu.vector_load %arg12[%parallel_loop3A_231] {strides = array<i32>} : memref<3136xi32, #tpu.memory_space<vmem>>, vector<16xi32>,
        %parallel_loop3A_233 = arith.index_cast %parallel_loop3A_228 : i32 to index
        %parallel_loop3A_234 = tpu.vector_load %arg9[%parallel_loop3A_233] {strides = array<i32>} : memref<3136xi32, #tpu.memory_space<vmem>>, vector<16xi32>,
        %parallel_loop3A_235 = arith.constant 0 : i32
        %parallel_loop3A_236 = vector.broadcast %parallel_loop3A_235 : i32 to vector<16xi32>
        %parallel_loop3A_237 = arith.cmpi sgt, %parallel_loop3A_234, %parallel_loop3A_236 : vector<16xi32>
        %parallel_loop3A_238 = arith.index_cast %parallel_loop3A_228 : i32 to index
        %parallel_loop3A_239 = tpu.vector_load %arg7[%parallel_loop3A_238] {strides = array<i32>} : memref<3136xi32, #tpu.memory_space<vmem>>, vector<16xi32>,
        %parallel_loop3A_240 = arith.select %parallel_loop3A_237, %parallel_loop3A_232, %parallel_loop3A_239 : vector<16xi1>, vector<16xi32>
        %parallel_loop3A_241 = arith.index_cast %parallel_loop3A_228 : i32 to index
        %parallel_loop3A_242 = tpu.vector_load %arg7[%parallel_loop3A_241] {strides = array<i32>} : memref<3136xi32, #tpu.memory_space<vmem>>, vector<16xi32>,
        tpu.vector_store %arg7[%parallel_loop3A_241], %parallel_loop3A_240 {strides = array<i32>} : memref<3136xi32, #tpu.memory_space<vmem>>, vector<16xi32>,
      } {sc.loop_unroll_factor = 7 : i64, sc.parallel_access}
      %dma_wait3A_161 = arith.constant 1568 : i32
      %dma_wait3A_162 = tpu.memref_slice %arg12[%dma_wait3A_161] : memref<3136xi32, #tpu.memory_space<vmem>> -> memref<1568xi32, #tpu.memory_space<vmem>>
      %dma_wait3A_163 = arith.constant 1568 : i32
      %dma_wait3A_164 = tpu.memref_slice %arg8[%dma_wait3A_163] : memref<3136xi32, #tpu.memory_space<vmem>> -> memref<1568xi32, #tpu.memory_space<vmem>>
      %dma_wait3A_165 = arith.constant 0 : i32
      %dma_wait3A_166 = tpu.memref_slice %arg2[%dma_wait3A_165] : memref<1600000xi32, #tpu.memory_space<hbm>> -> memref<1600000xi32, #tpu.memory_space<hbm>>
      tpu.wait_indirect_dma semaphore(%arg17 : memref<!tpu.dma_semaphore, #tpu.memory_space<semaphore_mem>>) src(%dma_wait3A_166 : memref<1600000xi32, #tpu.memory_space<hbm>>) dst(%dma_wait3A_162 : memref<1568xi32, #tpu.memory_space<vmem>>)
      %parallel_loop3A_167 = arith.constant 98 : i32
      %parallel_loop3A_168 = arith.constant 196 : i32
      %parallel_loop3A_169 = arith.constant 1 : i32
      scf.for %parallel_loop3A_226 = %parallel_loop3A_167 to %parallel_loop3A_168 step %parallel_loop3A_169  : i32 {
        %parallel_loop3A_227 = arith.constant 16 : i32
        %parallel_loop3A_228 = arith.muli %parallel_loop3A_226, %parallel_loop3A_227 : i32
        %parallel_loop3A_229 = arith.constant 16 : i32
        %parallel_loop3A_230 = arith.muli %parallel_loop3A_226, %parallel_loop3A_229 : i32
        %parallel_loop3A_231 = arith.index_cast %parallel_loop3A_230 : i32 to index
        %parallel_loop3A_232 = tpu.vector_load %arg12[%parallel_loop3A_231] {strides = array<i32>} : memref<3136xi32, #tpu.memory_space<vmem>>, vector<16xi32>,
        %parallel_loop3A_233 = arith.index_cast %parallel_loop3A_228 : i32 to index
        %parallel_loop3A_234 = tpu.vector_load %arg9[%parallel_loop3A_233] {strides = array<i32>} : memref<3136xi32, #tpu.memory_space<vmem>>, vector<16xi32>,
        %parallel_loop3A_235 = arith.constant 0 : i32
        %parallel_loop3A_236 = vector.broadcast %parallel_loop3A_235 : i32 to vector<16xi32>
        %parallel_loop3A_237 = arith.cmpi sgt, %parallel_loop3A_234, %parallel_loop3A_236 : vector<16xi32>
        %parallel_loop3A_238 = arith.index_cast %parallel_loop3A_228 : i32 to index
        %parallel_loop3A_239 = tpu.vector_load %arg7[%parallel_loop3A_238] {strides = array<i32>} : memref<3136xi32, #tpu.memory_space<vmem>>, vector<16xi32>,
        %parallel_loop3A_240 = arith.select %parallel_loop3A_237, %parallel_loop3A_232, %parallel_loop3A_239 : vector<16xi1>, vector<16xi32>
        %parallel_loop3A_241 = arith.index_cast %parallel_loop3A_228 : i32 to index
        %parallel_loop3A_242 = tpu.vector_load %arg7[%parallel_loop3A_241] {strides = array<i32>} : memref<3136xi32, #tpu.memory_space<vmem>>, vector<16xi32>,
        tpu.vector_store %arg7[%parallel_loop3A_241], %parallel_loop3A_240 {strides = array<i32>} : memref<3136xi32, #tpu.memory_space<vmem>>, vector<16xi32>,
      } {sc.loop_unroll_factor = 7 : i64, sc.parallel_access}
      %mul3A_170 = arith.constant 100000 : i32
      %mul3A_171 = arith.muli %mul3A_117, %mul3A_170 : i32
      %add3A_172 = arith.addi %mul3A_171, %min3A_3 : i32
      %multiple_of3A_173 = tpu.assume_multiple %add3A_172, 16 : i32
      %dma_start3A_174 = tpu.memref_slice %arg5[%multiple_of3A_173] : memref<1600000xi32, #tpu.memory_space<hbm>> -> memref<3136xi32, #tpu.memory_space<hbm>>
      %dma_start3A_175 = tpu.memref_slice %arg5[%multiple_of3A_173] : memref<1600000xi32, #tpu.memory_space<hbm>> -> memref<3136xi32, #tpu.memory_space<hbm>>
      tpu.enqueue_dma source(%arg7 : memref<3136xi32, #tpu.memory_space<vmem>>) target(%dma_start3A_175 : memref<3136xi32, #tpu.memory_space<hbm>>) target_semaphore(%arg18 : memref<!tpu.dma_semaphore, #tpu.memory_space<semaphore_mem>>)
      %lt3A = arith.constant 7 : i32
      %lt3A_176 = arith.cmpi slt, %scan3A_115, %lt3A : i32
      %convert_element_type3A = arith.extui %lt3A_176 : i1 to i32
      %cond3A = arith.constant 0 : i32
      %cond3A_177 = arith.cmpi ne, %convert_element_type3A, %cond3A : i32
      scf.if %cond3A_177 {
        %add3A_226 = arith.constant 1 : i32
        %add3A_227 = arith.addi %add3A_121, %add3A_226 : i32
        %mul3A_228 = arith.constant 100000 : i32
        %mul3A_229 = arith.muli %add3A_227, %mul3A_228 : i32
        %add3A_230 = arith.addi %mul3A_229, %min3A_3 : i32
        %multiple_of3A_231 = tpu.assume_multiple %add3A_230, 16 : i32
        %dma_start3A_232 = tpu.memref_slice %arg4[%multiple_of3A_231] : memref<1600000xf32, #tpu.memory_space<hbm>> -> memref<3136xf32, #tpu.memory_space<hbm>>
        %dma_start3A_233 = tpu.memref_slice %arg4[%multiple_of3A_231] : memref<1600000xf32, #tpu.memory_space<hbm>> -> memref<3136xf32, #tpu.memory_space<hbm>>
        tpu.enqueue_dma source(%dma_start3A_233 : memref<3136xf32, #tpu.memory_space<hbm>>) target(%arg10 : memref<3136xf32, #tpu.memory_space<vmem>>) target_semaphore(%arg14 : memref<!tpu.dma_semaphore, #tpu.memory_space<semaphore_mem>>)
      } else {
      }
      %multiple_of3A_178 = tpu.assume_multiple %min3A_3, 16 : i32
      %dma_wait3A_179 = tpu.memref_slice %arg4[%multiple_of3A_178] : memref<1600000xf32, #tpu.memory_space<hbm>> -> memref<3136xf32, #tpu.memory_space<hbm>>
      %dma_wait3A_180 = tpu.memref_slice %arg4[%multiple_of3A_178] : memref<1600000xf32, #tpu.memory_space<hbm>> -> memref<3136xf32, #tpu.memory_space<hbm>>
      tpu.wait_dma2 semaphore(%arg15 : memref<!tpu.dma_semaphore, #tpu.memory_space<semaphore_mem>>) src(%dma_wait3A_180 : memref<3136xf32, #tpu.memory_space<hbm>>) dst(%arg11 : memref<3136xf32, #tpu.memory_space<vmem>>)
      %parallel_loop3A_181 = arith.constant 0 : i32
      %parallel_loop3A_182 = arith.constant 98 : i32
      %parallel_loop3A_183 = arith.constant 1 : i32
      scf.for %parallel_loop3A_226 = %parallel_loop3A_181 to %parallel_loop3A_182 step %parallel_loop3A_183  : i32 {
        %parallel_loop3A_227 = arith.constant 16 : i32
        %parallel_loop3A_228 = arith.muli %parallel_loop3A_226, %parallel_loop3A_227 : i32
        %parallel_loop3A_229 = arith.index_cast %parallel_loop3A_228 : i32 to index
        %parallel_loop3A_230 = tpu.vector_load %arg7[%parallel_loop3A_229] {strides = array<i32>} : memref<3136xi32, #tpu.memory_space<vmem>>, vector<16xi32>,
        %parallel_loop3A_231 = tpu.vector_load_idx %arg6[%parallel_loop3A_230] : memref<100000xi32, #tpu.memory_space<vmem>>[vector<16xi32>], vector<16xi32>,
        %parallel_loop3A_232 = arith.constant 1 : i32
        %parallel_loop3A_233 = vector.broadcast %parallel_loop3A_232 : i32 to vector<16xi32>
        %parallel_loop3A_234 = arith.maxsi %parallel_loop3A_231, %parallel_loop3A_233 : vector<16xi32>
        %parallel_loop3A_235 = arith.sitofp %parallel_loop3A_234 : vector<16xi32> to vector<16xf32>
        %parallel_loop3A_236 = arith.index_cast %parallel_loop3A_228 : i32 to index
        %parallel_loop3A_237 = tpu.vector_load %arg11[%parallel_loop3A_236] {strides = array<i32>} : memref<3136xf32, #tpu.memory_space<vmem>>, vector<16xf32>,
        %parallel_loop3A_238 = arith.mulf %parallel_loop3A_235, %parallel_loop3A_237 : vector<16xf32>
        %parallel_loop3A_239 = arith.fptosi %parallel_loop3A_238 : vector<16xf32> to vector<16xi32>
        %parallel_loop3A_240 = arith.sitofp %parallel_loop3A_239 : vector<16xi32> to vector<16xf32>
        %parallel_loop3A_241 = arith.cmpf olt, %parallel_loop3A_240, %parallel_loop3A_238 : vector<16xf32>
        %parallel_loop3A_242 = arith.constant 1 : i32
        %parallel_loop3A_243 = vector.broadcast %parallel_loop3A_242 : i32 to vector<16xi32>
        %parallel_loop3A_244 = arith.subi %parallel_loop3A_239, %parallel_loop3A_243 : vector<16xi32>
        %parallel_loop3A_245 = arith.select %parallel_loop3A_241, %parallel_loop3A_239, %parallel_loop3A_244 : vector<16xi1>, vector<16xi32>
        %parallel_loop3A_246 = arith.constant 1 : i32
        %parallel_loop3A_247 = vector.broadcast %parallel_loop3A_246 : i32 to vector<16xi32>
        %parallel_loop3A_248 = arith.subi %parallel_loop3A_234, %parallel_loop3A_247 : vector<16xi32>
        %parallel_loop3A_249 = arith.minsi %parallel_loop3A_245, %parallel_loop3A_248 : vector<16xi32>
        %parallel_loop3A_250 = arith.constant 0 : i32
        %parallel_loop3A_251 = vector.broadcast %parallel_loop3A_250 : i32 to vector<16xi32>
        %parallel_loop3A_252 = arith.maxsi %parallel_loop3A_249, %parallel_loop3A_251 : vector<16xi32>
        %parallel_loop3A_253 = arith.constant 16 : i32
        %parallel_loop3A_254 = vector.broadcast %parallel_loop3A_253 : i32 to vector<16xi32>
        %parallel_loop3A_255 = arith.muli %parallel_loop3A_230, %parallel_loop3A_254 : vector<16xi32>
        %parallel_loop3A_256 = arith.addi %parallel_loop3A_255, %parallel_loop3A_252 : vector<16xi32>
        %parallel_loop3A_257 = arith.index_cast %parallel_loop3A_228 : i32 to index
        %parallel_loop3A_258 = tpu.vector_load %arg8[%parallel_loop3A_257] {strides = array<i32>} : memref<3136xi32, #tpu.memory_space<vmem>>, vector<16xi32>,
        tpu.vector_store %arg8[%parallel_loop3A_257], %parallel_loop3A_256 {strides = array<i32>} : memref<3136xi32, #tpu.memory_space<vmem>>, vector<16xi32>,
        %parallel_loop3A_259 = arith.index_cast %parallel_loop3A_228 : i32 to index
        %parallel_loop3A_260 = tpu.vector_load %arg9[%parallel_loop3A_259] {strides = array<i32>} : memref<3136xi32, #tpu.memory_space<vmem>>, vector<16xi32>,
        tpu.vector_store %arg9[%parallel_loop3A_259], %parallel_loop3A_231 {strides = array<i32>} : memref<3136xi32, #tpu.memory_space<vmem>>, vector<16xi32>,
      } {sc.loop_unroll_factor = 7 : i64, sc.parallel_access}
      %dma_start3A_184 = arith.constant 0 : i32
      %dma_start3A_185 = tpu.memref_slice %arg12[%dma_start3A_184] : memref<3136xi32, #tpu.memory_space<vmem>> -> memref<1568xi32, #tpu.memory_space<vmem>>
      %dma_start3A_186 = arith.constant 0 : i32
      %dma_start3A_187 = tpu.memref_slice %arg8[%dma_start3A_186] : memref<3136xi32, #tpu.memory_space<vmem>> -> memref<1568xi32, #tpu.memory_space<vmem>>
      %dma_start3A_188 = arith.constant 0 : i32
      %dma_start3A_189 = tpu.memref_slice %arg2[%dma_start3A_188] : memref<1600000xi32, #tpu.memory_space<hbm>> -> memref<1600000xi32, #tpu.memory_space<hbm>>
      tpu.enqueue_indirect_dma source(%dma_start3A_189 : memref<1600000xi32, #tpu.memory_space<hbm>>) target(%dma_start3A_185 : memref<1568xi32, #tpu.memory_space<vmem>>) offsets(%dma_start3A_187 : memref<1568xi32, #tpu.memory_space<vmem>>) semaphore(%arg16 : memref<!tpu.dma_semaphore, #tpu.memory_space<semaphore_mem>>)
      %parallel_loop3A_190 = arith.constant 98 : i32
      %parallel_loop3A_191 = arith.constant 196 : i32
      %parallel_loop3A_192 = arith.constant 1 : i32
      scf.for %parallel_loop3A_226 = %parallel_loop3A_190 to %parallel_loop3A_191 step %parallel_loop3A_192  : i32 {
        %parallel_loop3A_227 = arith.constant 16 : i32
        %parallel_loop3A_228 = arith.muli %parallel_loop3A_226, %parallel_loop3A_227 : i32
        %parallel_loop3A_229 = arith.index_cast %parallel_loop3A_228 : i32 to index
        %parallel_loop3A_230 = tpu.vector_load %arg7[%parallel_loop3A_229] {strides = array<i32>} : memref<3136xi32, #tpu.memory_space<vmem>>, vector<16xi32>,
        %parallel_loop3A_231 = tpu.vector_load_idx %arg6[%parallel_loop3A_230] : memref<100000xi32, #tpu.memory_space<vmem>>[vector<16xi32>], vector<16xi32>,
        %parallel_loop3A_232 = arith.constant 1 : i32
        %parallel_loop3A_233 = vector.broadcast %parallel_loop3A_232 : i32 to vector<16xi32>
        %parallel_loop3A_234 = arith.maxsi %parallel_loop3A_231, %parallel_loop3A_233 : vector<16xi32>
        %parallel_loop3A_235 = arith.sitofp %parallel_loop3A_234 : vector<16xi32> to vector<16xf32>
        %parallel_loop3A_236 = arith.index_cast %parallel_loop3A_228 : i32 to index
        %parallel_loop3A_237 = tpu.vector_load %arg11[%parallel_loop3A_236] {strides = array<i32>} : memref<3136xf32, #tpu.memory_space<vmem>>, vector<16xf32>,
        %parallel_loop3A_238 = arith.mulf %parallel_loop3A_235, %parallel_loop3A_237 : vector<16xf32>
        %parallel_loop3A_239 = arith.fptosi %parallel_loop3A_238 : vector<16xf32> to vector<16xi32>
        %parallel_loop3A_240 = arith.sitofp %parallel_loop3A_239 : vector<16xi32> to vector<16xf32>
        %parallel_loop3A_241 = arith.cmpf olt, %parallel_loop3A_240, %parallel_loop3A_238 : vector<16xf32>
        %parallel_loop3A_242 = arith.constant 1 : i32
        %parallel_loop3A_243 = vector.broadcast %parallel_loop3A_242 : i32 to vector<16xi32>
        %parallel_loop3A_244 = arith.subi %parallel_loop3A_239, %parallel_loop3A_243 : vector<16xi32>
        %parallel_loop3A_245 = arith.select %parallel_loop3A_241, %parallel_loop3A_239, %parallel_loop3A_244 : vector<16xi1>, vector<16xi32>
        %parallel_loop3A_246 = arith.constant 1 : i32
        %parallel_loop3A_247 = vector.broadcast %parallel_loop3A_246 : i32 to vector<16xi32>
        %parallel_loop3A_248 = arith.subi %parallel_loop3A_234, %parallel_loop3A_247 : vector<16xi32>
        %parallel_loop3A_249 = arith.minsi %parallel_loop3A_245, %parallel_loop3A_248 : vector<16xi32>
        %parallel_loop3A_250 = arith.constant 0 : i32
        %parallel_loop3A_251 = vector.broadcast %parallel_loop3A_250 : i32 to vector<16xi32>
        %parallel_loop3A_252 = arith.maxsi %parallel_loop3A_249, %parallel_loop3A_251 : vector<16xi32>
        %parallel_loop3A_253 = arith.constant 16 : i32
        %parallel_loop3A_254 = vector.broadcast %parallel_loop3A_253 : i32 to vector<16xi32>
        %parallel_loop3A_255 = arith.muli %parallel_loop3A_230, %parallel_loop3A_254 : vector<16xi32>
        %parallel_loop3A_256 = arith.addi %parallel_loop3A_255, %parallel_loop3A_252 : vector<16xi32>
        %parallel_loop3A_257 = arith.index_cast %parallel_loop3A_228 : i32 to index
        %parallel_loop3A_258 = tpu.vector_load %arg8[%parallel_loop3A_257] {strides = array<i32>} : memref<3136xi32, #tpu.memory_space<vmem>>, vector<16xi32>,
        tpu.vector_store %arg8[%parallel_loop3A_257], %parallel_loop3A_256 {strides = array<i32>} : memref<3136xi32, #tpu.memory_space<vmem>>, vector<16xi32>,
        %parallel_loop3A_259 = arith.index_cast %parallel_loop3A_228 : i32 to index
        %parallel_loop3A_260 = tpu.vector_load %arg9[%parallel_loop3A_259] {strides = array<i32>} : memref<3136xi32, #tpu.memory_space<vmem>>, vector<16xi32>,
        tpu.vector_store %arg9[%parallel_loop3A_259], %parallel_loop3A_231 {strides = array<i32>} : memref<3136xi32, #tpu.memory_space<vmem>>, vector<16xi32>,
      } {sc.loop_unroll_factor = 7 : i64, sc.parallel_access}
      %dma_start3A_193 = arith.constant 1568 : i32
      %dma_start3A_194 = tpu.memref_slice %arg12[%dma_start3A_193] : memref<3136xi32, #tpu.memory_space<vmem>> -> memref<1568xi32, #tpu.memory_space<vmem>>
      %dma_start3A_195 = arith.constant 1568 : i32
      %dma_start3A_196 = tpu.memref_slice %arg8[%dma_start3A_195] : memref<3136xi32, #tpu.memory_space<vmem>> -> memref<1568xi32, #tpu.memory_space<vmem>>
      %dma_start3A_197 = arith.constant 0 : i32
      %dma_start3A_198 = tpu.memref_slice %arg2[%dma_start3A_197] : memref<1600000xi32, #tpu.memory_space<hbm>> -> memref<1600000xi32, #tpu.memory_space<hbm>>
      tpu.enqueue_indirect_dma source(%dma_start3A_198 : memref<1600000xi32, #tpu.memory_space<hbm>>) target(%dma_start3A_194 : memref<1568xi32, #tpu.memory_space<vmem>>) offsets(%dma_start3A_196 : memref<1568xi32, #tpu.memory_space<vmem>>) semaphore(%arg17 : memref<!tpu.dma_semaphore, #tpu.memory_space<semaphore_mem>>)
      %dma_wait3A_199 = arith.constant 0 : i32
      %dma_wait3A_200 = tpu.memref_slice %arg12[%dma_wait3A_199] : memref<3136xi32, #tpu.memory_space<vmem>> -> memref<1568xi32, #tpu.memory_space<vmem>>
      %dma_wait3A_201 = arith.constant 0 : i32
      %dma_wait3A_202 = tpu.memref_slice %arg8[%dma_wait3A_201] : memref<3136xi32, #tpu.memory_space<vmem>> -> memref<1568xi32, #tpu.memory_space<vmem>>
      %dma_wait3A_203 = arith.constant 0 : i32
      %dma_wait3A_204 = tpu.memref_slice %arg2[%dma_wait3A_203] : memref<1600000xi32, #tpu.memory_space<hbm>> -> memref<1600000xi32, #tpu.memory_space<hbm>>
      tpu.wait_indirect_dma semaphore(%arg16 : memref<!tpu.dma_semaphore, #tpu.memory_space<semaphore_mem>>) src(%dma_wait3A_204 : memref<1600000xi32, #tpu.memory_space<hbm>>) dst(%dma_wait3A_200 : memref<1568xi32, #tpu.memory_space<vmem>>)
      %multiple_of3A_205 = tpu.assume_multiple %min3A_3, 16 : i32
      %dma_wait3A_206 = tpu.memref_slice %arg5[%multiple_of3A_205] : memref<1600000xi32, #tpu.memory_space<hbm>> -> memref<3136xi32, #tpu.memory_space<hbm>>
      %dma_wait3A_207 = tpu.memref_slice %arg5[%multiple_of3A_205] : memref<1600000xi32, #tpu.memory_space<hbm>> -> memref<3136xi32, #tpu.memory_space<hbm>>
      tpu.wait_dma2 semaphore(%arg18 : memref<!tpu.dma_semaphore, #tpu.memory_space<semaphore_mem>>) src(%arg7 : memref<3136xi32, #tpu.memory_space<vmem>>) dst(%dma_wait3A_207 : memref<3136xi32, #tpu.memory_space<hbm>>)
      %parallel_loop3A_208 = arith.constant 0 : i32
      %parallel_loop3A_209 = arith.constant 98 : i32
      %parallel_loop3A_210 = arith.constant 1 : i32
      scf.for %parallel_loop3A_226 = %parallel_loop3A_208 to %parallel_loop3A_209 step %parallel_loop3A_210  : i32 {
        %parallel_loop3A_227 = arith.constant 16 : i32
        %parallel_loop3A_228 = arith.muli %parallel_loop3A_226, %parallel_loop3A_227 : i32
        %parallel_loop3A_229 = arith.constant 16 : i32
        %parallel_loop3A_230 = arith.muli %parallel_loop3A_226, %parallel_loop3A_229 : i32
        %parallel_loop3A_231 = arith.index_cast %parallel_loop3A_230 : i32 to index
        %parallel_loop3A_232 = tpu.vector_load %arg12[%parallel_loop3A_231] {strides = array<i32>} : memref<3136xi32, #tpu.memory_space<vmem>>, vector<16xi32>,
        %parallel_loop3A_233 = arith.index_cast %parallel_loop3A_228 : i32 to index
        %parallel_loop3A_234 = tpu.vector_load %arg9[%parallel_loop3A_233] {strides = array<i32>} : memref<3136xi32, #tpu.memory_space<vmem>>, vector<16xi32>,
        %parallel_loop3A_235 = arith.constant 0 : i32
        %parallel_loop3A_236 = vector.broadcast %parallel_loop3A_235 : i32 to vector<16xi32>
        %parallel_loop3A_237 = arith.cmpi sgt, %parallel_loop3A_234, %parallel_loop3A_236 : vector<16xi32>
        %parallel_loop3A_238 = arith.index_cast %parallel_loop3A_228 : i32 to index
        %parallel_loop3A_239 = tpu.vector_load %arg7[%parallel_loop3A_238] {strides = array<i32>} : memref<3136xi32, #tpu.memory_space<vmem>>, vector<16xi32>,
        %parallel_loop3A_240 = arith.select %parallel_loop3A_237, %parallel_loop3A_232, %parallel_loop3A_239 : vector<16xi1>, vector<16xi32>
        %parallel_loop3A_241 = arith.index_cast %parallel_loop3A_228 : i32 to index
        %parallel_loop3A_242 = tpu.vector_load %arg7[%parallel_loop3A_241] {strides = array<i32>} : memref<3136xi32, #tpu.memory_space<vmem>>, vector<16xi32>,
        tpu.vector_store %arg7[%parallel_loop3A_241], %parallel_loop3A_240 {strides = array<i32>} : memref<3136xi32, #tpu.memory_space<vmem>>, vector<16xi32>,
      } {sc.loop_unroll_factor = 7 : i64, sc.parallel_access}
      %dma_wait3A_211 = arith.constant 1568 : i32
      %dma_wait3A_212 = tpu.memref_slice %arg12[%dma_wait3A_211] : memref<3136xi32, #tpu.memory_space<vmem>> -> memref<1568xi32, #tpu.memory_space<vmem>>
      %dma_wait3A_213 = arith.constant 1568 : i32
      %dma_wait3A_214 = tpu.memref_slice %arg8[%dma_wait3A_213] : memref<3136xi32, #tpu.memory_space<vmem>> -> memref<1568xi32, #tpu.memory_space<vmem>>
      %dma_wait3A_215 = arith.constant 0 : i32
      %dma_wait3A_216 = tpu.memref_slice %arg2[%dma_wait3A_215] : memref<1600000xi32, #tpu.memory_space<hbm>> -> memref<1600000xi32, #tpu.memory_space<hbm>>
      tpu.wait_indirect_dma semaphore(%arg17 : memref<!tpu.dma_semaphore, #tpu.memory_space<semaphore_mem>>) src(%dma_wait3A_216 : memref<1600000xi32, #tpu.memory_space<hbm>>) dst(%dma_wait3A_212 : memref<1568xi32, #tpu.memory_space<vmem>>)
      %parallel_loop3A_217 = arith.constant 98 : i32
      %parallel_loop3A_218 = arith.constant 196 : i32
      %parallel_loop3A_219 = arith.constant 1 : i32
      scf.for %parallel_loop3A_226 = %parallel_loop3A_217 to %parallel_loop3A_218 step %parallel_loop3A_219  : i32 {
        %parallel_loop3A_227 = arith.constant 16 : i32
        %parallel_loop3A_228 = arith.muli %parallel_loop3A_226, %parallel_loop3A_227 : i32
        %parallel_loop3A_229 = arith.constant 16 : i32
        %parallel_loop3A_230 = arith.muli %parallel_loop3A_226, %parallel_loop3A_229 : i32
        %parallel_loop3A_231 = arith.index_cast %parallel_loop3A_230 : i32 to index
        %parallel_loop3A_232 = tpu.vector_load %arg12[%parallel_loop3A_231] {strides = array<i32>} : memref<3136xi32, #tpu.memory_space<vmem>>, vector<16xi32>,
        %parallel_loop3A_233 = arith.index_cast %parallel_loop3A_228 : i32 to index
        %parallel_loop3A_234 = tpu.vector_load %arg9[%parallel_loop3A_233] {strides = array<i32>} : memref<3136xi32, #tpu.memory_space<vmem>>, vector<16xi32>,
        %parallel_loop3A_235 = arith.constant 0 : i32
        %parallel_loop3A_236 = vector.broadcast %parallel_loop3A_235 : i32 to vector<16xi32>
        %parallel_loop3A_237 = arith.cmpi sgt, %parallel_loop3A_234, %parallel_loop3A_236 : vector<16xi32>
        %parallel_loop3A_238 = arith.index_cast %parallel_loop3A_228 : i32 to index
        %parallel_loop3A_239 = tpu.vector_load %arg7[%parallel_loop3A_238] {strides = array<i32>} : memref<3136xi32, #tpu.memory_space<vmem>>, vector<16xi32>,
        %parallel_loop3A_240 = arith.select %parallel_loop3A_237, %parallel_loop3A_232, %parallel_loop3A_239 : vector<16xi1>, vector<16xi32>
        %parallel_loop3A_241 = arith.index_cast %parallel_loop3A_228 : i32 to index
        %parallel_loop3A_242 = tpu.vector_load %arg7[%parallel_loop3A_241] {strides = array<i32>} : memref<3136xi32, #tpu.memory_space<vmem>>, vector<16xi32>,
        tpu.vector_store %arg7[%parallel_loop3A_241], %parallel_loop3A_240 {strides = array<i32>} : memref<3136xi32, #tpu.memory_space<vmem>>, vector<16xi32>,
      } {sc.loop_unroll_factor = 7 : i64, sc.parallel_access}
      %mul3A_220 = arith.constant 100000 : i32
      %mul3A_221 = arith.muli %add3A_121, %mul3A_220 : i32
      %add3A_222 = arith.addi %mul3A_221, %min3A_3 : i32
      %multiple_of3A_223 = tpu.assume_multiple %add3A_222, 16 : i32
      %dma_start3A_224 = tpu.memref_slice %arg5[%multiple_of3A_223] : memref<1600000xi32, #tpu.memory_space<hbm>> -> memref<3136xi32, #tpu.memory_space<hbm>>
      %dma_start3A_225 = tpu.memref_slice %arg5[%multiple_of3A_223] : memref<1600000xi32, #tpu.memory_space<hbm>> -> memref<3136xi32, #tpu.memory_space<hbm>>
      tpu.enqueue_dma source(%arg7 : memref<3136xi32, #tpu.memory_space<vmem>>) target(%dma_start3A_225 : memref<3136xi32, #tpu.memory_space<hbm>>) target_semaphore(%arg18 : memref<!tpu.dma_semaphore, #tpu.memory_space<semaphore_mem>>)
    }
    %scan3A_111 = arith.constant 7 : i32
    %multiple_of3A_112 = tpu.assume_multiple %min3A_3, 16 : i32
    %dma_wait3A_113 = tpu.memref_slice %arg5[%multiple_of3A_112] : memref<1600000xi32, #tpu.memory_space<hbm>> -> memref<3136xi32, #tpu.memory_space<hbm>>
    %dma_wait3A_114 = tpu.memref_slice %arg5[%multiple_of3A_112] : memref<1600000xi32, #tpu.memory_space<hbm>> -> memref<3136xi32, #tpu.memory_space<hbm>>
    tpu.wait_dma2 semaphore(%arg18 : memref<!tpu.dma_semaphore, #tpu.memory_space<semaphore_mem>>) src(%arg7 : memref<3136xi32, #tpu.memory_space<vmem>>) dst(%dma_wait3A_114 : memref<3136xi32, #tpu.memory_space<hbm>>)
    return
  }
}

</mosaic_0001>

<sc_bundles>
// kernel: kernel.3.cloned.1.call-start
scs
__scs_entry_jumppad:
0x0: {  	(pc) =	sbr.rel $0x88, $3  }
0x1: {  	(tag) =	ssettag $0x0;
	lr =	simm.s32 $0x1  }
0x2: {  	[smem:$0x3F9E] =	sst lr;
	_ =	strace $0xD0000000  }
0x3: {  	_ = 	snop  }
0x4: {  	_ = 	snop  }
0x5: {  	_ = 	snop  }
0x6: {  	_ = 	snop  }
0x7: {  	_ = 	snop  }
__scs_overlays_trampoline_lowered:
0x8: {  	[smem:$0x3FAD] =	sst s0  }
0x9: {  	[smem:$0x3FAE] =	sst s1  }
0xa: {  	[smem:$0x3FAF] =	sst s2  }
0xb: {  	[smem:$0x3FB0] =	sst s3  }
0xc: {  	[smem:$0x3FB1] =	sst s4  }
0xd: {  	[smem:$0x3FB2] =	sst s5  }
0xe: {  	[smem:$0x3FB3] =	sst s6  }
0xf: {  	[smem:$0x3FB4] =	sst s7  }
0x10: {  	[smem:$0x3FB5] =	sst s8  }
0x11: {  	[smem:$0x3FB6] =	sst s9;
	s0 =	simm.s32 @!p0 $0x0  }
0x12: {  	s1 =	sld [smem:$0x3F9C];
	s0 =	simm.s32 @p0 $0x1  }
0x13: {  	[smem:$0x3FB7] =	sst s0;
	s0 =	simm.s32 @!p1 $0x0  }
0x14: {  	s2 =	sld [smem:$0x3F9B];
	s0 =	simm.s32 @p1 $0x1  }
0x15: {  	[smem:$0x3FB8] =	sst s0;
	s0 =	simm.s32 @!p2 $0x0  }
0x16: {  	s3 =	sld [smem:$0x3FDB];
	s0 =	simm.s32 @p2 $0x1  }
0x17: {  	s4 =	simm.s32 $0x1BF5;
	[smem:$0x3FBA] =	sst s0  }
0x18: {  	s0 =	sld [smem:$0x3F9D];
	_ =	swait.ge [sflag:s4], $0x0  }
0x19: {  	s7 =	sld [smem:$0x3F9E]  }
0x1a: {  	s8 =	sadd.s32 $0xFFFFE003, lr  }
0x1b: {  	s9 =	sadd.s32 $0xFFFFFEF7, lr;
	s5 =	simm.s32 $0xFFFFFFFF;
	p2 =	slt.u32 s8, $0xFFFFF086  }
0x1c: {  	p1 =	slt.u32 s9, $0xF7A;
	s5 =	simm.s32 @!p2 $0x0  }
0x1d: {  	s5 =	simm.s32 @p1 $0x1;
	p0 =	seq.s32 s7, s2  }
0x1e: {  	s7 =	smul.u32 @!p0 $0xF7A, s2;
	p2 =	seq.s32 @!p0 s5, $0x0  }
0x1f: {  	s9 =	smul.u32 $0xF7A, s1;
	s8 =	simm.s32 @!p0 $0x1BF5;
	p2 =	por !p2, p0  }
0x20: {  	[sflag:s8] =	ssyncset.s32 @!p0 $0xFFFFF086;
	s6 =	sadd.s32 @!p0 s3, s7;
	s7 =	simm.s32 @!p0 $0x108  }
0x21: {  	s3 =	sadd.s32 s3, s9;
	s6 =	sadd.s32 @!p0 $0x88, s6;
	s7 =	simm.s32 @p2 $0x1082  }
0x22: {  	[simem:s7], [sflag:s8] =	dma.local @!p0 [hbm:s6], $0xF7A  }
0x23: {  	s9 =	sor.u32 $0xD0000000, s2;
	s6 =	simm.s32 $0x108;
	_ =	swait.ge @!p0 [sflag:s8], $0x0  }
0x24: {  	s3 =	sadd.s32 $0x88, s3;
	s6 =	simm.s32 @!p1 $0x1082;
	[sflag:s4] =	ssyncset.s32 $0xFFFFF086  }
0x25: {  	[simem:s6], [sflag:s4] =	dma.local [hbm:s3], $0xF7A  }
0x26: {  	[smem:$0x3F9E] =	sst s1;
	(tag) =	ssettag s2;
	_ =	strace s9  }
0x27: {  	s1 =	sld [smem:$0x3FAE]  }
0x28: {  	s2 =	sld [smem:$0x3FAF]  }
0x29: {  	s4 =	sld [smem:$0x3FB1]  }
0x2a: {  	p0 =	seq.s32 s5, $0x0;
	s5 =	sld [smem:$0x3FB2]  }
0x2b: {  	s6 =	sld [smem:$0x3FB3]  }
0x2c: {  	s7 =	sld [smem:$0x3FB4]  }
0x2d: {  	s3 =	simm.s32 $0x108;
	s8 =	sld [smem:$0x3FB5]  }
0x2e: {  	s3 =	simm.s32 @!p0 $0x1082;
	s9 =	sld [smem:$0x3FB6]  }
0x2f: {  	lr =	sadd.s32 s0, s3;
	s0 =	sld [smem:$0x3FAD]  }
0x30: {  	s3 =	sld [smem:$0x3FB0]  }
0x31: {  	[smem:$0x3FB9] =	sst s10  }
0x32: {  	s10 =	sld [smem:$0x3FB7];
	_ =	sdelay $0x3  }
0x33: {  	p0 =	seq.s32 s10, $0x1;
	s10 =	sld [smem:$0x3FB9];
	_ =	sdelay $0x3  }
0x34: {  	[smem:$0x3FB9] =	sst s10  }
0x35: {  	s10 =	sld [smem:$0x3FB8];
	_ =	sdelay $0x3  }
0x36: {  	p1 =	seq.s32 s10, $0x1;
	s10 =	sld [smem:$0x3FB9];
	_ =	sdelay $0x3  }
0x37: {  	[smem:$0x3FB9] =	sst s10  }
0x38: {  	s10 =	sld [smem:$0x3FBA]  }
0x39: {  	_ = 	snop;
	(pc) =	sbr.ind lr, $3  }
0x3a: {  	_ = 	snop  }
0x3b: {  	_ = 	snop  }
0x3c: {  	p2 =	seq.s32 s10, $0x1;
	s10 =	sld [smem:$0x3FB9]  }
0x3d: {  	_ =	shalt  }
0x3e: {  	_ =	shalt  }
0x3f: {  	_ =	shalt  }
0x40: {  	_ =	shalt  }
0x41: {  	_ =	shalt  }
0x42: {  	_ =	shalt  }
0x43: {  	_ =	shalt  }
0x44: {  	_ =	shalt  }
0x45: {  	_ =	shalt  }
0x46: {  	_ =	shalt  }
0x47: {  	_ =	shalt  }
0x48: {  	_ =	shalt  }
0x49: {  	_ =	shalt  }
0x4a: {  	_ =	shalt  }
0x4b: {  	_ =	shalt  }
0x4c: {  	_ =	shalt  }
0x4d: {  	_ =	shalt  }
0x4e: {  	_ =	shalt  }
0x4f: {  	_ =	shalt  }
0x50: {  	_ =	shalt  }
0x51: {  	_ =	shalt  }
0x52: {  	_ =	shalt  }
0x53: {  	_ =	shalt  }
0x54: {  	_ =	shalt  }
0x55: {  	_ =	shalt  }
0x56: {  	_ =	shalt  }
0x57: {  	_ =	shalt  }
0x58: {  	_ =	shalt  }
0x59: {  	_ =	shalt  }
0x5a: {  	_ =	shalt  }
0x5b: {  	_ =	shalt  }
0x5c: {  	_ =	shalt  }
0x5d: {  	_ =	shalt  }
0x5e: {  	_ =	shalt  }
0x5f: {  	_ =	shalt  }
0x60: {  	_ =	shalt  }
0x61: {  	_ =	shalt  }
0x62: {  	_ =	shalt  }
0x63: {  	_ =	shalt  }
0x64: {  	_ =	shalt  }
0x65: {  	_ =	shalt  }
0x66: {  	_ =	shalt  }
0x67: {  	_ =	shalt  }
0x68: {  	_ =	shalt  }
0x69: {  	_ =	shalt  }
0x6a: {  	_ =	shalt  }
0x6b: {  	_ =	shalt  }
0x6c: {  	_ =	shalt  }
0x6d: {  	_ =	shalt  }
0x6e: {  	_ =	shalt  }
0x6f: {  	_ =	shalt  }
0x70: {  	_ =	shalt  }
0x71: {  	_ =	shalt  }
0x72: {  	_ =	shalt  }
0x73: {  	_ =	shalt  }
0x74: {  	_ =	shalt  }
0x75: {  	_ =	shalt  }
0x76: {  	_ =	shalt  }
0x77: {  	_ =	shalt  }
0x78: {  	_ =	shalt  }
0x79: {  	_ =	shalt  }
0x7a: {  	_ =	shalt  }
0x7b: {  	_ =	shalt  }
0x7c: {  	_ =	shalt  }
0x7d: {  	_ =	shalt  }
0x7e: {  	_ =	shalt  }
0x7f: {  	_ =	shalt  }
0x80: {  	_ =	shalt  }
0x81: {  	_ =	shalt  }
0x82: {  	_ =	shalt  }
0x83: {  	_ =	shalt  }
0x84: {  	_ =	shalt  }
0x85: {  	_ =	shalt  }
0x86: {  	_ =	shalt  }
0x87: {  	_ =	shalt  }
.Lfunc_end0:
.L_simem_size_0:
called_computation_lowered:
.L_overlay_start_0:
0x88: {  	s2 =	sld [smem:$0x3FD9]  }
0x89: {  	s3 =	sld [smem:$0x3FFE];
	_ =	sdelay $0x1  }
0x8a: {  	s1 =	srdreg.scid  }
0x8b: {  	s0 =	sand.u32 $0x1, s1  }
0x8c: {  	s17 =	sshll.u32 s0, $0xA;
	s2 =	sadd.s32 s3, s2  }
0x8d: {  	s2 =	sadd.s32 s2, s17  }
0x8e: {  	[smem:$0x3FC5] =	sst s2  }
0x8f: {  	_ = 	snop  }
0x90: {  	s2 =	sld [smem:$0x3FC8]  }
0x91: {  	s18 =	sld [smem:$0x3FD0];
	(tm) =	ssettm $0x1  }
0x92: {  	s4 =	sld [smem:$0x3FFB];
	_ =	sdelay $0x3  }
0x93: {  	_ =	strace s4  }
0x94: {  	s4 =	sld [smem:$0x3FFC];
	_ =	sdelay $0x3  }
0x95: {  	_ =	strace s4  }
0x96: {  	s4 =	sld [smem:$0x3FFD];
	_ =	sdelay $0x3  }
0x97: {  	_ =	strace s4  }
0x98: {  	_ =	strace $0x8FFFFFFF  }
0x99: {  	s19 =	sld [smem:$0x3FDB];
	_ =	sdelay $0x1  }
0x9a: {  	s5 =	simm.s32 $_scs_section_size  }
0x9b: {  	s6 =	simm.s32 $_size__tile_overlayer_lowered;
	s7 =	simm.s32 $_tile_overlayer_lowered  }
0x9c: {  	s22 =	simm.s32 $0x1BFF;
	s21 =	sshll.u32 s7, $0x1;
	s4 =	sadd.s32 s5, s19  }
0x9d: {  	s8 =	simm.s32 $0x0;
	s20 =	sshll.u32 s6, $0x1;
	s6 =	sadd.s32 s21, s4  }
0x9e: {  	[timem:s8], [sflag:s22] =	dma.local [hbm:s6], s20  }
0x9f: {  	_ =	swait.ge [sflag:s22], s20  }
0xa0: {  	s5 =	ssub.s32 $0x0, s20;
	[sflag:s22] =	ssyncset.done $0x0  }
0xa1: {  	[sflag:s22] =	ssyncadd.s32 s5;
	_ =	sdelay $0x1  }
0xa2: {  	s23 =	simm.s32 $0x1B8B  }
0xa3: {  	_ =	swait.ge [sflag:s23], $0x1  }
0xa4: {  	[sflag:s23] =	ssyncset.done $0x0  }
0xa5: {  	s25 =	simm.s32 $0x1B8E;
	s24 =	sld [smem:$0x3FFE];
	[sflag:s23] =	ssyncadd.s32 $0xFFFFFFFF  }
0xa6: {  	s26 =	simm.s32 $execute0_lowered;
	[smem:$0x3FD2] =	sst s25  }
0xa7: {  	s6 =	sshll.u32 s26, $0x1;
	_ =	strace $0x80000046;
	[dreg:$0x1] =	wrdreg $0xFFFFFFFF  }
0xa8: {  	s28 =	simm.s32 $_size_execute0_lowered;
	s4 =	sadd.s32 s4, s6;
	[dreg:$0x0] =	wrdreg $0x0  }
0xa9: {  	s6 =	sshll.u32 s28, $0x1;
	[dreg:$0x2] =	wrdreg s4  }
0xaa: {  	[dreg:$0x3] =	wrdreg s6  }
0xab: {  	[dreg:$0x4] =	wrdreg $0xC0  }
0xac: {  	_ =	task [dreg:s8], $0x5FFFF  }
0xad: {  	[dreg:$0x1] =	wrdreg $0xFFFFFFFF  }
0xae: {  	[dreg:$0x0] =	wrdreg $0x60  }
0xaf: {  	[dreg:$0x2] =	wrdreg s18  }
0xb0: {  	[dreg:$0x3] =	wrdreg s2  }
0xb1: {  	[dreg:$0x4] =	wrdreg s24  }
0xb2: {  	[dreg:$0x5] =	wrdreg $0x9  }
0xb3: {  	_ =	task.clear_ibuf [dreg:s8], $0x6FFFF;
	_ =	strace $0x90000046  }
0xb4: {  	s29 =	simm.s32 $0x9;
	_ =	strace $0x80000048  }
0xb5: {  	_ =	swait.ge [sflag:s29], $0x1  }
0xb6: {  	[sflag:s29] =	ssyncadd.s32 $0xFFFFFFFF  }
0xb7: {  	_ =	strace $0x90000048  }
0xb8: {  	_ =	sfence  }
0xb9: {  	s30 =	sld [smem:$0x0];
	_ =	sdelay $0x2  }
0xba: {  	s31 =	sshll.u32 s1, $0xD;
	s1 =	sshrl.u32 s1, $0x2  }
0xbb: {  	s3 =	sand.u32 $0x4000, s31;
	s1 =	sadd.s32 s1, s30  }
0xbc: {  	s0 =	sor.u32 s3, s0;
	s1 =	sshll.u32 s1, $0x11  }
0xbd: {  	s0 =	sor.u32 s1, s0  }
0xbe: {  	s0 =	sadd.s32 $0x8F2B, s0  }
0xbf: {  	[sflag:s0] =	ssyncadd.remote.s32 $0x1  }
0xc0: {  	_ =	sfence.sel $0xFFFF  }
0xc1: {  	[dreg:$0x0] =	wrdreg $0xFFFFFFFF;
	(pc) =	sbr.abs _section_cstart, $3  }
0xc2: {  	[dreg:$0x1] =	wrdreg $0xFFFFFFFF  }
0xc3: {  	_ =	task.clear_ibuf [dreg:s8], $0x2FFFF;
	_ =	strace $0x9FFFFFFF  }
0xc4: {  	(tm) =	ssettm $0x7FFFFFFF  }
0xc5: {  	_ =	shalt  }
tec
execute0_lowered:
.L_overlay_start_1:
0x0: {  	(tag) =	ssettag $0x1  }
0x1: {  	s1 =	rddreg [dreg:$0x0]  }
0x2: {  	s0 =	srdreg.scid;
	s9 =	stileid.u32  }
0x3: {  	s2 =	rddreg [dreg:$0x2];
	s4 =	simm.s32 $0x0;
	s18 =	simm.s32 $0x1  }
0x4: {  	s19 =	simm.s32 $0x1B900;
	s20 =	simm.s32 $0x2;
	s21 =	simm.s32 $0x620  }
0x5: {  	s28 =	simm.s32 $0x5;
	s29 =	simm.s32 $0x18700;
	s30 =	simm.s32 $0x3  }
0x6: {  	s31 =	simm.s32 $0x6;
	s0 =	sand.u32 $0x1, s0;
	s3 =	sshll.u32 s9, $0x1  }
0x7: {  	[smem:$0x7FF] =	sst s4;
	s10 =	smul.u32 $0x1880, s9;
	s3 =	sor.u32 s0, s3  }
0x8: {  	s5 =	sadd.s32 $0x600, s2;
	s7 =	ssub.s32 $0x2, s0;
	s3 =	smul.u32 $0xC40, s3  }
0x9: {  	s6 =	sadd.s32 $0x31400, s2;
	s0 =	smul.u32 $0xC40, s0;
	s8 =	sshrl.u32 s7, $0x1  }
0xa: {  	s2 =	simm.s32 $0x0;
	s22 =	ssub.s32 s7, s8;
	s7 =	smin.u32 s3, $0x17A60  }
0xb: {  	_ =	strace $0x80000047;
	s0 =	sadd.s32 s0, s10;
	s3 =	sshrl.u32 s7, $0x3  }
0xc: {  	s8 =	sadd.s32 $0x186A0, s7;
	s9 =	sadd.s32 $0x30D40, s7;
	s12 =	sadd.s32 s5, s3  }
0xd: {  	s11 =	sshrl.u32 s8, $0x3;
	s3 =	sadd.s32 s6, s3;
	[dreg:$0x4] =	wrdreg s12  }
0xe: {  	s24 =	sshrl.u32 s9, $0x3;
	s23 =	sadd.s32 s5, s11;
	[dreg:$0x6] =	wrdreg s3  }
0xf: {  	s15 =	smax.u32 s22, $0x1;
	s25 =	sadd.s32 s5, s24;
	[dreg:$0x5] =	wrdreg s23  }
0x10: {  	s16 =	smin.u32 s0, $0x17A60;
	s26 =	sadd.s32 s6, s11;
	[dreg:$0x7] =	wrdreg s25  }
0x11: {  	s22 =	simm.s32 $0x19380;
	s24 =	simm.s32 $0x199A0;
	[dreg:$0x8] =	wrdreg s26  }
0x12: {  	v0 =	vlaneseq.u32;
	v1 =	vimm.s32 $0x0;
	s23 =	simm.s32 $0x1C580;
	s25 =	simm.s32 $0x1CBA0;
	s26 =	simm.s32 $0x4  }
.LBB2_1:
0x13: {  	s0 =	rddreg [dreg:$0x1];
	s10 =	sadd.s32 $0x10, s16  }
0x14: {  	[tilespmem:s4], [sflag:$0x1] =	stream.linear.gather [hbm4b:s0+s4], $0x18700, $0x38;
	[tilespmem:$0x1D200] =	vst v63  }
0x15: {  	v2 =	vor.u32 s16, v0;
	s11 =	sadd.s32 $0x20, s16;
	s12 =	sadd.s32 $0x30, s16;
	s0 =	simm.s32 $0x18720  }
0x16: {  	s3 =	simm.s32 $0x0;
	v3 =	vor.u32 s10, v0;
	v4 =	vor.u32 s12, v0;
	s10 =	smov.u32 s16;
	[tilespmem:s0+$0xFFFFFFE0] =	vst v2;
	v2 =	vor.u32 s11, v0;
	s11 =	simm.s32 $0x18720  }
.LBB2_2:
0x17: {  	s3 =	sadd.s32 $0x4, s3  }
0x18: {  	[tilespmem:s0+$0x10] =	vst v4;
	s10 =	sadd.s32 $0x40, s10;
	s11 =	sadd.s32 $0x40, s11;
	p0 =	slt.u32 s3, $0xC0  }
.Ltmp0:
0x19: {  	[tilespmem:s0+$0xFFFFFFF0] =	vst v3;
	(pc) =	sbr.rel @p0 .LBB2_2-.Ltmp0, $3  }
0x1a: {  	[tilespmem:s0+$0x0] =	vst v2;
	s0 =	smov.u32 s11;
	_ =	sdelay $0x1  }
0x1b: {  	s12 =	sadd.s32 $0x10, s10;
	s13 =	sadd.s32 $0x20, s10;
	s14 =	sadd.s32 $0x30, s10;
	v2 =	vor.u32 s10, v0  }
0x1c: {  	v3 =	vor.u32 s12, v0;
	v4 =	vor.u32 s14, v0;
	[tilespmem:s11+$0xFFFFFFE0] =	vst v2;
	v2 =	vor.u32 s13, v0  }
0x1d: {  	[tilespmem:s0+$0x10] =	vst v4  }
0x1e: {  	[tilespmem:s0+$0xFFFFFFF0] =	vst v3  }
0x1f: {  	[tilespmem:s0+$0x0] =	vst v2  }
0x20: {  	s3 =	simm.s32 $0x1AC80;
	s0 =	rddreg [dreg:$0x4]  }
0x21: {  	[tilespmem:s3], [sflag:$0x2] =	stream.linear.gather [hbm4b:s0+s4], $0xC40, $0x38;
	[tilespmem:$0x1D200] =	vst v63  }
0x22: {  	_ =	swait.ge [sflag:s18], $0x18700  }
0x23: {  	[sflag:s18] =	ssyncset.done $0x0  }
0x24: {  	s14 =	rddreg [dreg:$0x5];
	[sflag:s18] =	ssyncadd.s32 $0xFFFE7900  }
0x25: {  	[tilespmem:s19], [sflag:$0x3] =	stream.linear.gather [hbm4b:s14+s4], $0xC40, $0x38;
	[tilespmem:$0x1D200] =	vst v63  }
0x26: {  	_ =	swait.ge [sflag:s20], $0xC40  }
0x27: {  	[sflag:s20] =	ssyncset.done $0x0  }
0x28: {  	s17 =	simm.s32 $0x18730;
	[sflag:s20] =	ssyncadd.s32 $0xFFFFF3C0  }
0x29: {  	v19 =	vld [tilespmem:s17+$0x30]  }
0x2a: {  	v5 =	vld [tilespmem:s17+$0xFFFFFFE0]  }
0x2b: {  	v7 =	vld [tilespmem:s17+$0xFFFFFFF0]  }
0x2c: {  	v8 =	vld [tilespmem:s17+$0x0]  }
0x2d: {  	v11 =	vld [tilespmem:s17+$0xFFFFFFD0]  }
0x2e: {  	v9 =	vld [tilespmem:s17+$0x10]  }
0x2f: {  	s0 =	simm.s32 $0x1ACB0;
	v14 =	vld [tilespmem:s17+$0x20]  }
0x30: {  	v17 =	vld [tilespmem:s0+$0x30]  }
0x31: {  	v21 =	vld.idx.msk [tilespmem:v19+s4+$0x0], $0xffff  }
0x32: {  	v6 =	vld.idx.msk [tilespmem:v5+s4+$0x0], $0xffff  }
0x33: {  	v4 =	vld.idx.msk [tilespmem:v7+s4+$0x0], $0xffff  }
0x34: {  	v3 =	vld.idx.msk [tilespmem:v8+s4+$0x0], $0xffff  }
0x35: {  	v12 =	vshll.u32 v11, $0x4;
	v11 =	vld.idx.msk [tilespmem:v11+s4+$0x0], $0xffff  }
0x36: {  	v23 =	vld [tilespmem:s0+$0xFFFFFFD0]  }
0x37: {  	v25 =	vld [tilespmem:s0+$0xFFFFFFE0];
	v13 =	vshll.u32 v5, $0x4;
	v10 =	vshll.u32 v7, $0x4  }
0x38: {  	v2 =	vld.idx.msk [tilespmem:v9+s4+$0x0], $0xffff;
	v8 =	vshll.u32 v8, $0x4;
	v7 =	vshll.u32 v9, $0x4;
	v9 =	vshll.u32 v14, $0x4  }
0x39: {  	v26 =	vld [tilespmem:s0+$0xFFFFFFF0];
	v19 =	vshll.u32 v19, $0x4;
	vm0 =	vgt.s32 v21, $0x1;
	vm1 =	vgt.s32 v6, $0x1  }
0x3a: {  	v5 =	vld.idx.msk [tilespmem:v14+s4+$0x0], $0xffff;
	vm6 =	vgt.s32 v4, $0x1;
	vm7 =	vgt.s32 v3, $0x1;
	vm9 =	vgt.s32 v11, $0x1  }
0x3b: {  	v29 =	vld [tilespmem:s0+$0x0];
	v22 =	vnsel vm0, $0x1, v21;
	v14 =	vnsel vm1, $0x1, v6;
	v15 =	vnsel vm6, $0x1, v4  }
0x3c: {  	v20 =	vnsel vm9, $0x1, v11;
	v18 =	vcvt.s32.f32 v22;
	v24 =	vcvt.s32.f32 v14  }
0x3d: {  	v16 =	vnsel vm7, $0x1, v3;
	v27 =	vcvt.s32.f32 v15;
	v34 =	vcvt.s32.f32 v20  }
0x3e: {  	v32 =	vld [tilespmem:s0+$0x10];
	vm8 =	vgt.s32 v2, $0x1;
	v28 =	vcvt.s32.f32 v16;
	v18 =	vmul.f32 v18, v17  }
0x3f: {  	vm10 =	vgt.s32 v5, $0x1;
	v24 =	vmul.f32 v24, v25;
	v23 =	vmul.f32 v34, v23  }
0x40: {  	v17 =	vnsel vm8, $0x1, v2;
	v26 =	vmul.f32 v27, v26;
	v27 =	vmul.f32 v28, v29  }
0x41: {  	v22 =	vadd.s32 $0xFFFFFFFF, v22;
	v30 =	vcvt.s32.f32 v17;
	v31 =	vtrunc.f32 v18  }
0x42: {  	v62 =	vtrunc.f32 v27;
	vm11 =	vgt.f32 v18, v31;
	v31 =	vcvt.f32.s32 v31  }
0x43: {  	v33 =	vld [tilespmem:s0+$0x20];
	v18 =	vnsel vm10, $0x1, v5;
	v28 =	vmul.f32 v30, v32;
	v30 =	vtrunc.f32 v24  }
0x44: {  	vm3 =	vgt.f32 v27, v62;
	v32 =	vcvt.f32.s32 v62;
	vm12 =	vmneg vm11  }
0x45: {  	v35 =	vcvt.s32.f32 v18;
	vm15 =	vgt.f32 v24, v30;
	v36 =	vsel vm12, $0xFFFFFFFF, v1  }
0x46: {  	vm3 =	vmneg vm3;
	vm1 =	vmneg vm15;
	v25 =	vadd.s32 v31, v36  }
0x47: {  	v63 =	vsel vm3, $0xFFFFFFFF, v1;
	v31 =	vtrunc.f32 v26;
	vm13 =	vlt.s32 v25, v22  }
0x48: {  	v29 =	vmul.f32 v35, v33;
	vm2 =	vgt.f32 v26, v31;
	v22 =	vsel vm13, v25, v22  }
0x49: {  	v25 =	vtrunc.f32 v23;
	vm2 =	vmneg vm2;
	vm0 =	vgt.s32 v22, $0x0  }
0x4a: {  	vm14 =	vgt.f32 v23, v25;
	v23 =	vtrunc.f32 v29;
	v24 =	vcvt.f32.s32 v25  }
0x4b: {  	v22 =	vnsel vm0, $0x0, v22;
	vm0 =	vmneg vm14;
	vm5 =	vgt.f32 v29, v23  }
0x4c: {  	v29 =	vcvt.f32.s32 v30;
	v30 =	vcvt.f32.s32 v31;
	v31 =	vsel vm1, $0xFFFFFFFF, v1  }
0x4d: {  	v26 =	vcvt.f32.s32 v23;
	v19 =	vadd.s32 v19, v22;
	v22 =	vtrunc.f32 v28  }
0x4e: {  	vm5 =	vmneg vm5;
	v27 =	vsel vm0, $0xFFFFFFFF, v1;
	vm4 =	vgt.f32 v28, v22  }
0x4f: {  	s3 =	simm.s32 $0x193B0;
	v25 =	vcvt.f32.s32 v22;
	v22 =	vsel vm2, $0xFFFFFFFF, v1;
	v24 =	vadd.s32 v24, v27  }
0x50: {  	s10 =	simm.s32 $0x1A030;
	[tilespmem:s3+$0x30] =	vst v19;
	v27 =	vsel vm5, $0xFFFFFFFF, v1;
	v23 =	vadd.s32 v29, v31;
	vm4 =	vmneg vm4  }
0x51: {  	s11 =	simm.s32 $0x0;
	s12 =	simm.s32 $0x187A0;
	[tilespmem:s10+$0x30] =	vst v21;
	v22 =	vadd.s32 v30, v22;
	v21 =	vadd.s32 v32, v63;
	v28 =	vsel vm4, $0xFFFFFFFF, v1  }
.LBB2_4:
0x52: {  	v19 =	vld [tilespmem:s12+$0x30];
	v20 =	vadd.s32 $0xFFFFFFFF, v20;
	v25 =	vadd.s32 v25, v28;
	v26 =	vadd.s32 v26, v27  }
0x53: {  	s11 =	sadd.s32 $0x7, s11;
	v14 =	vadd.s32 $0xFFFFFFFF, v14;
	v15 =	vadd.s32 $0xFFFFFFFF, v15;
	v16 =	vadd.s32 $0xFFFFFFFF, v16;
	v27 =	vld [tilespmem:s12+$0xFFFFFFE0]  }
0x54: {  	v17 =	vadd.s32 $0xFFFFFFFF, v17;
	v18 =	vadd.s32 $0xFFFFFFFF, v18;
	p0 =	slt.u32 s11, $0x5B;
	vm0 =	vlt.s32 v24, v20;
	v28 =	vld [tilespmem:s12+$0xFFFFFFF0]  }
0x55: {  	vm1 =	vlt.s32 v23, v14;
	vm2 =	vlt.s32 v22, v15;
	vm3 =	vlt.s32 v21, v16;
	v29 =	vld [tilespmem:s12+$0x0]  }
0x56: {  	vm4 =	vlt.s32 v26, v18;
	v20 =	vsel vm0, v24, v20;
	vm0 =	vlt.s32 v25, v17;
	v30 =	vld [tilespmem:s12+$0x10]  }
0x57: {  	v14 =	vsel vm1, v23, v14;
	v15 =	vsel vm2, v22, v15;
	v16 =	vsel vm3, v21, v16;
	v24 =	vld [tilespmem:s12+$0x20]  }
0x58: {  	v18 =	vsel vm4, v26, v18;
	vm1 =	vgt.s32 v20, $0x0;
	v17 =	vsel vm0, v25, v17;
	v22 =	vld [tilespmem:s12+$0xFFFFFFD0]  }
0x59: {  	vm0 =	vgt.s32 v14, $0x0;
	vm2 =	vgt.s32 v15, $0x0;
	vm3 =	vgt.s32 v16, $0x0  }
0x5a: {  	vm4 =	vgt.s32 v18, $0x0;
	v20 =	vnsel vm1, $0x0, v20;
	vm1 =	vgt.s32 v17, $0x0;
	v21 =	vld.idx.msk [tilespmem:v19+s4+$0x0], $0xffff  }
0x5b: {  	v14 =	vnsel vm0, $0x0, v14;
	v15 =	vnsel vm2, $0x0, v15;
	v16 =	vnsel vm3, $0x0, v16;
	v23 =	vld.idx.msk [tilespmem:v27+s4+$0x0], $0xffff  }
0x5c: {  	v18 =	vnsel vm4, $0x0, v18;
	v17 =	vnsel vm1, $0x0, v17;
	v25 =	vshll.u32 v27, $0x4;
	v26 =	vld.idx.msk [tilespmem:v28+s4+$0x0], $0xffff  }
0x5d: {  	v28 =	vshll.u32 v28, $0x4;
	v27 =	vshll.u32 v22, $0x4;
	v31 =	vld.idx.msk [tilespmem:v29+s4+$0x0], $0xffff;
	v29 =	vshll.u32 v29, $0x4  }
0x5e: {  	s0 =	sadd.s32 $0x70, s0;
	v20 =	vadd.s32 v12, v20;
	v33 =	vshll.u32 v24, $0x4;
	v32 =	vld.idx.msk [tilespmem:v30+s4+$0x0], $0xffff;
	v30 =	vshll.u32 v30, $0x4;
	v12 =	vmovc v27  }
0x5f: {  	v14 =	vadd.s32 v13, v14;
	v34 =	vadd.s32 v8, v16;
	v27 =	vld [tilespmem:s0+$0x30];
	[tilespmem:s3+$0xFFFFFFD0] =	vst v20;
	v20 =	vadd.s32 v10, v15  }
0x60: {  	v35 =	vadd.s32 v9, v18;
	vm0 =	vgt.s32 v21, $0x1;
	[tilespmem:s10+$0xFFFFFFD0] =	vst v11;
	v11 =	vld.idx.msk [tilespmem:v22+s4+$0x0], $0xffff;
	v22 =	vadd.s32 v7, v17  }
0x61: {  	v13 =	vmovc v25;
	v8 =	vmovc v29;
	v10 =	vmov v28;
	vm1 =	vgt.s32 v23, $0x1;
	v36 =	vnsel vm0, $0x1, v21;
	v24 =	vld.idx.msk [tilespmem:v24+s4+$0x0], $0xffff;
	[tilespmem:s3+$0xFFFFFFE0] =	vst v14  }
0x62: {  	v7 =	vmovc v30;
	v14 =	vnsel vm1, $0x1, v23;
	vm0 =	vgt.s32 v26, $0x1;
	v17 =	vcvt.s32.f32 v36;
	v25 =	vld [tilespmem:s0+$0xFFFFFFD0];
	[tilespmem:s10+$0xFFFFFFE0] =	vst v6;
	v6 =	vmovc v23  }
0x63: {  	v9 =	vmovc v33;
	v23 =	vcvt.s32.f32 v14;
	v15 =	vnsel vm0, $0x1, v26;
	vm0 =	vgt.s32 v31, $0x1;
	v28 =	vld [tilespmem:s0+$0xFFFFFFE0];
	[tilespmem:s3+$0xFFFFFFF0] =	vst v20  }
0x64: {  	v16 =	vnsel vm0, $0x1, v31;
	vm0 =	vgt.s32 v32, $0x1;
	v29 =	vld [tilespmem:s0+$0xFFFFFFF0];
	v18 =	vmul.f32 v17, v27;
	[tilespmem:s10+$0xFFFFFFF0] =	vst v4;
	v4 =	vmovc v26  }
0x65: {  	v26 =	vcvt.s32.f32 v15;
	v27 =	vcvt.s32.f32 v16;
	v17 =	vnsel vm0, $0x1, v32;
	v30 =	vld [tilespmem:s0+$0x0];
	[tilespmem:s3+$0x0] =	vst v34  }
0x66: {  	vm0 =	vgt.s32 v11, $0x1;
	v33 =	vcvt.s32.f32 v17;
	v34 =	vld [tilespmem:s0+$0x10];
	v37 =	vtrunc.f32 v18;
	[tilespmem:s10+$0x0] =	vst v3;
	v3 =	vmovc v31  }
0x67: {  	v20 =	vnsel vm0, $0x1, v11;
	vm0 =	vgt.s32 v24, $0x1;
	v31 =	vld [tilespmem:s0+$0x20];
	vm1 =	vgt.f32 v18, v37;
	[tilespmem:s3+$0x10] =	vst v22  }
0x68: {  	v18 =	vnsel vm0, $0x1, v24;
	v22 =	vcvt.f32.s32 v37;
	vm0 =	vmneg vm1;
	[tilespmem:s10+$0x10] =	vst v2;
	v2 =	vmovc v32  }
0x69: {  	v32 =	vcvt.s32.f32 v20;
	v37 =	vcvt.s32.f32 v18;
	v38 =	vsel vm0, $0xFFFFFFFF, v1;
	[tilespmem:s3+$0x20] =	vst v35  }
0x6a: {  	v23 =	vmul.f32 v23, v28;
	v28 =	vadd.s32 $0xFFFFFFFF, v36;
	v22 =	vadd.s32 v22, v38;
	[tilespmem:s10+$0x20] =	vst v5;
	v5 =	vmovc v24  }
0x6b: {  	v24 =	vmul.f32 v32, v25;
	v25 =	vmul.f32 v26, v29;
	vm0 =	vlt.s32 v22, v28  }
0x6c: {  	v26 =	vmul.f32 v27, v30;
	v27 =	vmul.f32 v33, v34;
	v22 =	vsel vm0, v22, v28  }
0x6d: {  	v28 =	vtrunc.f32 v24;
	v29 =	vmul.f32 v37, v31;
	vm0 =	vgt.s32 v22, $0x0  }
0x6e: {  	v19 =	vshll.u32 v19, $0x4;
	v30 =	vtrunc.f32 v23;
	v22 =	vnsel vm0, $0x0, v22  }
0x6f: {  	s3 =	sadd.s32 $0x70, s3;
	v31 =	vtrunc.f32 v25;
	v32 =	vtrunc.f32 v26;
	v19 =	vadd.s32 v19, v22  }
0x70: {  	s10 =	sadd.s32 $0x70, s10;
	vm0 =	vgt.f32 v24, v28;
	v24 =	vtrunc.f32 v29;
	v22 =	vtrunc.f32 v27;
	[tilespmem:s3+$0x30] =	vst v19  }
0x71: {  	vm1 =	vgt.f32 v23, v30;
	vm2 =	vgt.f32 v25, v31;
	vm3 =	vgt.f32 v26, v32;
	[tilespmem:s10+$0x30] =	vst v21  }
0x72: {  	vm0 =	vmneg vm0;
	vm5 =	vgt.f32 v29, v24;
	vm4 =	vgt.f32 v27, v22  }
0x73: {  	vm1 =	vmneg vm1;
	vm2 =	vmneg vm2;
	vm3 =	vmneg vm3  }
0x74: {  	v19 =	vcvt.f32.s32 v28;
	vm5 =	vmneg vm5;
	vm4 =	vmneg vm4  }
.Ltmp1:
0x75: {  	v23 =	vcvt.f32.s32 v30;
	v29 =	vcvt.f32.s32 v31;
	v21 =	vsel vm0, $0xFFFFFFFF, v1;
	(pc) =	sbr.rel @p0 .LBB2_4-.Ltmp1, $4  }
0x76: {  	v30 =	vsel vm1, $0xFFFFFFFF, v1;
	v31 =	vcvt.f32.s32 v32;
	v25 =	vcvt.f32.s32 v22  }
0x77: {  	v32 =	vsel vm3, $0xFFFFFFFF, v1;
	v26 =	vcvt.f32.s32 v24;
	v22 =	vsel vm2, $0xFFFFFFFF, v1  }
0x78: {  	v27 =	vsel vm5, $0xFFFFFFFF, v1;
	v24 =	vadd.s32 v19, v21;
	v28 =	vsel vm4, $0xFFFFFFFF, v1  }
0x79: {  	s12 =	sadd.s32 $0x70, s12;
	v23 =	vadd.s32 v23, v30;
	v22 =	vadd.s32 v29, v22;
	v21 =	vadd.s32 v31, v32  }
0x7a: {  	v19 =	vadd.s32 $0xFFFFFFFF, v20  }
0x7b: {  	vm0 =	vlt.s32 v24, v19  }
0x7c: {  	v20 =	vadd.s32 v25, v28;
	v14 =	vadd.s32 $0xFFFFFFFF, v14;
	v19 =	vsel vm0, v24, v19  }
0x7d: {  	v15 =	vadd.s32 $0xFFFFFFFF, v15;
	vm7 =	vlt.s32 v23, v14;
	vm1 =	vgt.s32 v19, $0x0  }
0x7e: {  	v16 =	vadd.s32 $0xFFFFFFFF, v16;
	v14 =	vsel vm7, v23, v14;
	v19 =	vnsel vm1, $0x0, v19  }
0x7f: {  	vm8 =	vlt.s32 v22, v15;
	vm9 =	vgt.s32 v14, $0x0;
	v12 =	vadd.s32 v12, v19  }
0x80: {  	vm10 =	vlt.s32 v21, v16;
	v15 =	vsel vm8, v22, v15;
	v14 =	vnsel vm9, $0x0, v14;
	[tilespmem:s3+$0xFFFFFFD0] =	vst v12  }
0x81: {  	v24 =	vadd.s32 v26, v27;
	vm11 =	vgt.s32 v15, $0x0;
	v12 =	vadd.s32 v13, v14;
	[tilespmem:s10+$0xFFFFFFD0] =	vst v11  }
0x82: {  	v13 =	vsel vm10, v21, v16;
	v14 =	vnsel vm11, $0x0, v15;
	v11 =	vadd.s32 $0xFFFFFFFF, v17;
	[tilespmem:s3+$0xFFFFFFE0] =	vst v12  }
0x83: {  	vm13 =	vgt.s32 v13, $0x0;
	v10 =	vadd.s32 v10, v14;
	vm12 =	vlt.s32 v20, v11;
	[tilespmem:s10+$0xFFFFFFE0] =	vst v6  }
0x84: {  	v6 =	vadd.s32 $0xFFFFFFFF, v18;
	v12 =	vnsel vm13, $0x0, v13;
	[tilespmem:s3+$0xFFFFFFF0] =	vst v10;
	v11 =	vsel vm12, v20, v11  }
0x85: {  	vm14 =	vlt.s32 v24, v6;
	v8 =	vadd.s32 v8, v12;
	[tilespmem:s10+$0xFFFFFFF0] =	vst v4;
	vm15 =	vgt.s32 v11, $0x0  }
0x86: {  	v4 =	vsel vm14, v24, v6;
	[tilespmem:s3+$0x0] =	vst v8;
	v6 =	vnsel vm15, $0x0, v11  }
0x87: {  	vm0 =	vgt.s32 v4, $0x0;
	[tilespmem:s10+$0x0] =	vst v3;
	v6 =	vadd.s32 v7, v6  }
0x88: {  	v3 =	vnsel vm0, $0x0, v4;
	[tilespmem:s3+$0x10] =	vst v6  }
0x89: {  	v3 =	vadd.s32 v9, v3;
	[tilespmem:s10+$0x10] =	vst v2  }
0x8a: {  	[tilespmem:s3+$0x20] =	vst v3  }
0x8b: {  	s0 =	simm.s32 $0x18D80;
	[tilespmem:s10+$0x20] =	vst v5  }
0x8c: {  	[tilespmem:s23], [sflag:$0x4] =	stream.indirect.gather [hbm4b:s1+s21], $0x1, s22, s21, $0xb8;
	[tilespmem:$0x1D200] =	vst v63  }
0x8d: {  	v19 =	vld [tilespmem:s0+$0x0]  }
0x8e: {  	v5 =	vld [tilespmem:s0+$0xFFFFFFB0]  }
0x8f: {  	v7 =	vld [tilespmem:s0+$0xFFFFFFC0]  }
0x90: {  	v8 =	vld [tilespmem:s0+$0xFFFFFFD0]  }
0x91: {  	v11 =	vld [tilespmem:s0+$0xFFFFFFA0]  }
0x92: {  	v9 =	vld [tilespmem:s0+$0xFFFFFFE0]  }
0x93: {  	v14 =	vld [tilespmem:s0+$0xFFFFFFF0];
	s0 =	simm.s32 $0x1B300  }
0x94: {  	v17 =	vld [tilespmem:s0+$0x0]  }
0x95: {  	v21 =	vld.idx.msk [tilespmem:v19+s4+$0x0], $0xffff  }
0x96: {  	v6 =	vld.idx.msk [tilespmem:v5+s4+$0x0], $0xffff  }
0x97: {  	v4 =	vld.idx.msk [tilespmem:v7+s4+$0x0], $0xffff  }
0x98: {  	v3 =	vld.idx.msk [tilespmem:v8+s4+$0x0], $0xffff  }
0x99: {  	v12 =	vshll.u32 v11, $0x4;
	v11 =	vld.idx.msk [tilespmem:v11+s4+$0x0], $0xffff  }
0x9a: {  	v23 =	vld [tilespmem:s0+$0xFFFFFFA0]  }
0x9b: {  	v25 =	vld [tilespmem:s0+$0xFFFFFFB0];
	v13 =	vshll.u32 v5, $0x4;
	v10 =	vshll.u32 v7, $0x4  }
0x9c: {  	v2 =	vld.idx.msk [tilespmem:v9+s4+$0x0], $0xffff;
	v8 =	vshll.u32 v8, $0x4;
	v7 =	vshll.u32 v9, $0x4;
	v9 =	vshll.u32 v14, $0x4  }
0x9d: {  	v26 =	vld [tilespmem:s0+$0xFFFFFFC0];
	v19 =	vshll.u32 v19, $0x4;
	vm4 =	vgt.s32 v21, $0x1;
	vm5 =	vgt.s32 v6, $0x1  }
0x9e: {  	v5 =	vld.idx.msk [tilespmem:v14+s4+$0x0], $0xffff;
	vm6 =	vgt.s32 v4, $0x1;
	vm7 =	vgt.s32 v3, $0x1;
	vm9 =	vgt.s32 v11, $0x1  }
0x9f: {  	v29 =	vld [tilespmem:s0+$0xFFFFFFD0];
	v22 =	vnsel vm4, $0x1, v21;
	v14 =	vnsel vm5, $0x1, v6;
	v15 =	vnsel vm6, $0x1, v4  }
0xa0: {  	v20 =	vnsel vm9, $0x1, v11;
	v18 =	vcvt.s32.f32 v22;
	v24 =	vcvt.s32.f32 v14  }
0xa1: {  	v16 =	vnsel vm7, $0x1, v3;
	v27 =	vcvt.s32.f32 v15;
	v34 =	vcvt.s32.f32 v20  }
0xa2: {  	v32 =	vld [tilespmem:s0+$0xFFFFFFE0];
	vm8 =	vgt.s32 v2, $0x1;
	v28 =	vcvt.s32.f32 v16;
	v18 =	vmul.f32 v18, v17  }
0xa3: {  	vm10 =	vgt.s32 v5, $0x1;
	v24 =	vmul.f32 v24, v25;
	v23 =	vmul.f32 v34, v23  }
0xa4: {  	v17 =	vnsel vm8, $0x1, v2;
	v26 =	vmul.f32 v27, v26;
	v27 =	vmul.f32 v28, v29  }
0xa5: {  	v22 =	vadd.s32 $0xFFFFFFFF, v22;
	v30 =	vcvt.s32.f32 v17;
	v31 =	vtrunc.f32 v18  }
0xa6: {  	v62 =	vtrunc.f32 v27;
	vm11 =	vgt.f32 v18, v31;
	v31 =	vcvt.f32.s32 v31  }
0xa7: {  	v33 =	vld [tilespmem:s0+$0xFFFFFFF0];
	v18 =	vnsel vm10, $0x1, v5;
	v28 =	vmul.f32 v30, v32;
	v30 =	vtrunc.f32 v24  }
0xa8: {  	vm3 =	vgt.f32 v27, v62;
	v32 =	vcvt.f32.s32 v62;
	vm12 =	vmneg vm11  }
0xa9: {  	v35 =	vcvt.s32.f32 v18;
	vm15 =	vgt.f32 v24, v30;
	v36 =	vsel vm12, $0xFFFFFFFF, v1  }
0xaa: {  	vm3 =	vmneg vm3;
	vm1 =	vmneg vm15;
	v25 =	vadd.s32 v31, v36  }
0xab: {  	v63 =	vsel vm3, $0xFFFFFFFF, v1;
	v31 =	vtrunc.f32 v26;
	vm13 =	vlt.s32 v25, v22  }
0xac: {  	v29 =	vmul.f32 v35, v33;
	vm2 =	vgt.f32 v26, v31;
	v22 =	vsel vm13, v25, v22  }
0xad: {  	v25 =	vtrunc.f32 v23;
	vm2 =	vmneg vm2;
	vm0 =	vgt.s32 v22, $0x0  }
0xae: {  	vm14 =	vgt.f32 v23, v25;
	v23 =	vtrunc.f32 v29;
	v24 =	vcvt.f32.s32 v25  }
0xaf: {  	v22 =	vnsel vm0, $0x0, v22;
	vm0 =	vmneg vm14;
	vm5 =	vgt.f32 v29, v23  }
0xb0: {  	v29 =	vcvt.f32.s32 v30;
	v30 =	vcvt.f32.s32 v31;
	v31 =	vsel vm1, $0xFFFFFFFF, v1  }
0xb1: {  	v26 =	vcvt.f32.s32 v23;
	v19 =	vadd.s32 v19, v22;
	v22 =	vtrunc.f32 v28  }
0xb2: {  	vm5 =	vmneg vm5;
	v27 =	vsel vm0, $0xFFFFFFFF, v1;
	vm4 =	vgt.f32 v28, v22  }
0xb3: {  	s3 =	simm.s32 $0x19A00;
	v25 =	vcvt.f32.s32 v22;
	v22 =	vsel vm2, $0xFFFFFFFF, v1;
	v24 =	vadd.s32 v24, v27  }
0xb4: {  	s10 =	simm.s32 $0x1A680;
	[tilespmem:s3+$0x0] =	vst v19;
	v27 =	vsel vm5, $0xFFFFFFFF, v1;
	v23 =	vadd.s32 v29, v31;
	vm4 =	vmneg vm4  }
0xb5: {  	s11 =	simm.s32 $0x62;
	s12 =	simm.s32 $0x18DF0;
	[tilespmem:s10+$0x0] =	vst v21;
	v22 =	vadd.s32 v30, v22;
	v21 =	vadd.s32 v32, v63;
	v28 =	vsel vm4, $0xFFFFFFFF, v1  }
.LBB2_6:
0xb6: {  	v19 =	vld [tilespmem:s12+$0x0];
	v20 =	vadd.s32 $0xFFFFFFFF, v20;
	v25 =	vadd.s32 v25, v28;
	v26 =	vadd.s32 v26, v27  }
0xb7: {  	s11 =	sadd.s32 $0x7, s11;
	v14 =	vadd.s32 $0xFFFFFFFF, v14;
	v15 =	vadd.s32 $0xFFFFFFFF, v15;
	v16 =	vadd.s32 $0xFFFFFFFF, v16;
	v27 =	vld [tilespmem:s12+$0xFFFFFFB0]  }
0xb8: {  	v17 =	vadd.s32 $0xFFFFFFFF, v17;
	v18 =	vadd.s32 $0xFFFFFFFF, v18;
	p0 =	slt.u32 s11, $0xBD;
	vm0 =	vlt.s32 v24, v20;
	v28 =	vld [tilespmem:s12+$0xFFFFFFC0]  }
0xb9: {  	vm1 =	vlt.s32 v23, v14;
	vm2 =	vlt.s32 v22, v15;
	vm3 =	vlt.s32 v21, v16;
	v29 =	vld [tilespmem:s12+$0xFFFFFFD0]  }
0xba: {  	vm4 =	vlt.s32 v26, v18;
	v20 =	vsel vm0, v24, v20;
	vm0 =	vlt.s32 v25, v17;
	v30 =	vld [tilespmem:s12+$0xFFFFFFE0]  }
0xbb: {  	v14 =	vsel vm1, v23, v14;
	v15 =	vsel vm2, v22, v15;
	v16 =	vsel vm3, v21, v16;
	v24 =	vld [tilespmem:s12+$0xFFFFFFF0]  }
0xbc: {  	v18 =	vsel vm4, v26, v18;
	vm1 =	vgt.s32 v20, $0x0;
	v17 =	vsel vm0, v25, v17;
	v22 =	vld [tilespmem:s12+$0xFFFFFFA0]  }
0xbd: {  	vm0 =	vgt.s32 v14, $0x0;
	vm2 =	vgt.s32 v15, $0x0;
	vm3 =	vgt.s32 v16, $0x0  }
0xbe: {  	vm4 =	vgt.s32 v18, $0x0;
	v20 =	vnsel vm1, $0x0, v20;
	vm1 =	vgt.s32 v17, $0x0;
	v21 =	vld.idx.msk [tilespmem:v19+s4+$0x0], $0xffff  }
0xbf: {  	v14 =	vnsel vm0, $0x0, v14;
	v15 =	vnsel vm2, $0x0, v15;
	v16 =	vnsel vm3, $0x0, v16;
	v23 =	vld.idx.msk [tilespmem:v27+s4+$0x0], $0xffff  }
0xc0: {  	v18 =	vnsel vm4, $0x0, v18;
	v17 =	vnsel vm1, $0x0, v17;
	v25 =	vshll.u32 v27, $0x4;
	v26 =	vld.idx.msk [tilespmem:v28+s4+$0x0], $0xffff  }
0xc1: {  	v28 =	vshll.u32 v28, $0x4;
	v27 =	vshll.u32 v22, $0x4;
	v31 =	vld.idx.msk [tilespmem:v29+s4+$0x0], $0xffff;
	v29 =	vshll.u32 v29, $0x4  }
0xc2: {  	s0 =	sadd.s32 $0x70, s0;
	v20 =	vadd.s32 v12, v20;
	v33 =	vshll.u32 v24, $0x4;
	v32 =	vld.idx.msk [tilespmem:v30+s4+$0x0], $0xffff;
	v30 =	vshll.u32 v30, $0x4;
	v12 =	vmovc v27  }
0xc3: {  	v14 =	vadd.s32 v13, v14;
	v34 =	vadd.s32 v8, v16;
	v27 =	vld [tilespmem:s0+$0x0];
	[tilespmem:s3+$0xFFFFFFA0] =	vst v20;
	v20 =	vadd.s32 v10, v15  }
0xc4: {  	v35 =	vadd.s32 v9, v18;
	vm0 =	vgt.s32 v21, $0x1;
	[tilespmem:s10+$0xFFFFFFA0] =	vst v11;
	v11 =	vld.idx.msk [tilespmem:v22+s4+$0x0], $0xffff;
	v22 =	vadd.s32 v7, v17  }
0xc5: {  	v13 =	vmovc v25;
	v8 =	vmovc v29;
	v10 =	vmov v28;
	vm1 =	vgt.s32 v23, $0x1;
	v36 =	vnsel vm0, $0x1, v21;
	v24 =	vld.idx.msk [tilespmem:v24+s4+$0x0], $0xffff;
	[tilespmem:s3+$0xFFFFFFB0] =	vst v14  }
0xc6: {  	v7 =	vmovc v30;
	v14 =	vnsel vm1, $0x1, v23;
	vm0 =	vgt.s32 v26, $0x1;
	v17 =	vcvt.s32.f32 v36;
	v25 =	vld [tilespmem:s0+$0xFFFFFFA0];
	[tilespmem:s10+$0xFFFFFFB0] =	vst v6;
	v6 =	vmovc v23  }
0xc7: {  	v9 =	vmovc v33;
	v23 =	vcvt.s32.f32 v14;
	v15 =	vnsel vm0, $0x1, v26;
	vm0 =	vgt.s32 v31, $0x1;
	v28 =	vld [tilespmem:s0+$0xFFFFFFB0];
	[tilespmem:s3+$0xFFFFFFC0] =	vst v20  }
0xc8: {  	v16 =	vnsel vm0, $0x1, v31;
	vm0 =	vgt.s32 v32, $0x1;
	v29 =	vld [tilespmem:s0+$0xFFFFFFC0];
	v18 =	vmul.f32 v17, v27;
	[tilespmem:s10+$0xFFFFFFC0] =	vst v4;
	v4 =	vmovc v26  }
0xc9: {  	v26 =	vcvt.s32.f32 v15;
	v27 =	vcvt.s32.f32 v16;
	v17 =	vnsel vm0, $0x1, v32;
	v30 =	vld [tilespmem:s0+$0xFFFFFFD0];
	[tilespmem:s3+$0xFFFFFFD0] =	vst v34  }
0xca: {  	vm0 =	vgt.s32 v11, $0x1;
	v33 =	vcvt.s32.f32 v17;
	v34 =	vld [tilespmem:s0+$0xFFFFFFE0];
	v37 =	vtrunc.f32 v18;
	[tilespmem:s10+$0xFFFFFFD0] =	vst v3;
	v3 =	vmovc v31  }
0xcb: {  	v20 =	vnsel vm0, $0x1, v11;
	vm0 =	vgt.s32 v24, $0x1;
	v31 =	vld [tilespmem:s0+$0xFFFFFFF0];
	vm1 =	vgt.f32 v18, v37;
	[tilespmem:s3+$0xFFFFFFE0] =	vst v22  }
0xcc: {  	v18 =	vnsel vm0, $0x1, v24;
	v22 =	vcvt.f32.s32 v37;
	vm0 =	vmneg vm1;
	[tilespmem:s10+$0xFFFFFFE0] =	vst v2;
	v2 =	vmovc v32  }
0xcd: {  	v32 =	vcvt.s32.f32 v20;
	v37 =	vcvt.s32.f32 v18;
	v38 =	vsel vm0, $0xFFFFFFFF, v1;
	[tilespmem:s3+$0xFFFFFFF0] =	vst v35  }
0xce: {  	v23 =	vmul.f32 v23, v28;
	v28 =	vadd.s32 $0xFFFFFFFF, v36;
	v22 =	vadd.s32 v22, v38;
	[tilespmem:s10+$0xFFFFFFF0] =	vst v5;
	v5 =	vmovc v24  }
0xcf: {  	v24 =	vmul.f32 v32, v25;
	v25 =	vmul.f32 v26, v29;
	vm0 =	vlt.s32 v22, v28  }
0xd0: {  	v26 =	vmul.f32 v27, v30;
	v27 =	vmul.f32 v33, v34;
	v22 =	vsel vm0, v22, v28  }
0xd1: {  	v28 =	vtrunc.f32 v24;
	v29 =	vmul.f32 v37, v31;
	vm0 =	vgt.s32 v22, $0x0  }
0xd2: {  	v19 =	vshll.u32 v19, $0x4;
	v30 =	vtrunc.f32 v23;
	v22 =	vnsel vm0, $0x0, v22  }
0xd3: {  	s3 =	sadd.s32 $0x70, s3;
	v31 =	vtrunc.f32 v25;
	v32 =	vtrunc.f32 v26;
	v19 =	vadd.s32 v19, v22  }
0xd4: {  	s10 =	sadd.s32 $0x70, s10;
	vm0 =	vgt.f32 v24, v28;
	v24 =	vtrunc.f32 v29;
	v22 =	vtrunc.f32 v27;
	[tilespmem:s3+$0x0] =	vst v19  }
0xd5: {  	vm1 =	vgt.f32 v23, v30;
	vm2 =	vgt.f32 v25, v31;
	vm3 =	vgt.f32 v26, v32;
	[tilespmem:s10+$0x0] =	vst v21  }
0xd6: {  	vm0 =	vmneg vm0;
	vm5 =	vgt.f32 v29, v24;
	vm4 =	vgt.f32 v27, v22  }
0xd7: {  	vm1 =	vmneg vm1;
	vm2 =	vmneg vm2;
	vm3 =	vmneg vm3  }
0xd8: {  	v19 =	vcvt.f32.s32 v28;
	vm5 =	vmneg vm5;
	vm4 =	vmneg vm4  }
.Ltmp2:
0xd9: {  	v23 =	vcvt.f32.s32 v30;
	v29 =	vcvt.f32.s32 v31;
	v21 =	vsel vm0, $0xFFFFFFFF, v1;
	(pc) =	sbr.rel @p0 .LBB2_6-.Ltmp2, $4  }
0xda: {  	v30 =	vsel vm1, $0xFFFFFFFF, v1;
	v31 =	vcvt.f32.s32 v32;
	v25 =	vcvt.f32.s32 v22  }
0xdb: {  	v32 =	vsel vm3, $0xFFFFFFFF, v1;
	v26 =	vcvt.f32.s32 v24;
	v22 =	vsel vm2, $0xFFFFFFFF, v1  }
0xdc: {  	v27 =	vsel vm5, $0xFFFFFFFF, v1;
	v24 =	vadd.s32 v19, v21;
	v28 =	vsel vm4, $0xFFFFFFFF, v1  }
0xdd: {  	s12 =	sadd.s32 $0x70, s12;
	v23 =	vadd.s32 v23, v30;
	v22 =	vadd.s32 v29, v22;
	v21 =	vadd.s32 v31, v32  }
0xde: {  	v19 =	vadd.s32 $0xFFFFFFFF, v20  }
0xdf: {  	vm0 =	vlt.s32 v24, v19  }
0xe0: {  	v52 =	vadd.s32 v25, v28;
	v14 =	vadd.s32 $0xFFFFFFFF, v14;
	v19 =	vsel vm0, v24, v19  }
0xe1: {  	v53 =	vadd.s32 v26, v27;
	vm0 =	vlt.s32 v23, v14;
	vm1 =	vgt.s32 v19, $0x0  }
0xe2: {  	v15 =	vadd.s32 $0xFFFFFFFF, v15;
	v14 =	vsel vm0, v23, v14;
	v19 =	vnsel vm1, $0x0, v19  }
0xe3: {  	vm0 =	vlt.s32 v22, v15;
	vm1 =	vgt.s32 v14, $0x0;
	v12 =	vadd.s32 v12, v19  }
0xe4: {  	v16 =	vadd.s32 $0xFFFFFFFF, v16;
	v15 =	vsel vm0, v22, v15;
	v14 =	vnsel vm1, $0x0, v14;
	[tilespmem:s3+$0xFFFFFFA0] =	vst v12  }
0xe5: {  	vm0 =	vlt.s32 v21, v16;
	vm1 =	vgt.s32 v15, $0x0;
	v54 =	vadd.s32 v13, v14;
	[tilespmem:s10+$0xFFFFFFA0] =	vst v11  }
0xe6: {  	v55 =	vsel vm0, v21, v16;
	v56 =	vnsel vm1, $0x0, v15;
	v11 =	vadd.s32 $0xFFFFFFFF, v17;
	[tilespmem:s3+$0xFFFFFFB0] =	vst v54  }
0xe7: {  	vm1 =	vgt.s32 v55, $0x0;
	v10 =	vadd.s32 v10, v56;
	vm0 =	vlt.s32 v52, v11;
	[tilespmem:s10+$0xFFFFFFB0] =	vst v6  }
0xe8: {  	v57 =	vnsel vm1, $0x0, v55;
	v6 =	vadd.s32 $0xFFFFFFFF, v18;
	[tilespmem:s3+$0xFFFFFFC0] =	vst v10;
	v11 =	vsel vm0, v52, v11  }
0xe9: {  	v8 =	vadd.s32 v8, v57;
	vm0 =	vlt.s32 v53, v6;
	[tilespmem:s10+$0xFFFFFFC0] =	vst v4;
	vm1 =	vgt.s32 v11, $0x0  }
0xea: {  	[tilespmem:s3+$0xFFFFFFD0] =	vst v8;
	v4 =	vsel vm0, v53, v6;
	v6 =	vnsel vm1, $0x0, v11  }
0xeb: {  	[tilespmem:s10+$0xFFFFFFD0] =	vst v3;
	vm0 =	vgt.s32 v4, $0x0;
	v6 =	vadd.s32 v7, v6  }
0xec: {  	v3 =	vnsel vm0, $0x0, v4;
	[tilespmem:s3+$0xFFFFFFE0] =	vst v6  }
0xed: {  	v3 =	vadd.s32 v9, v3;
	[tilespmem:s10+$0xFFFFFFE0] =	vst v2  }
0xee: {  	[tilespmem:s3+$0xFFFFFFF0] =	vst v3  }
0xef: {  	[tilespmem:s10+$0xFFFFFFF0] =	vst v5  }
0xf0: {  	[tilespmem:s25], [sflag:$0x5] =	stream.indirect.gather [hbm4b:s1+s21], $0x1, s24, s21, $0xb8;
	[tilespmem:$0x1D200] =	vst v63  }
0xf1: {  	_ =	swait.ge [sflag:s26], $0x620  }
0xf2: {  	[sflag:s26] =	ssyncset.done $0x0  }
0xf3: {  	s11 =	simm.s32 $0x1C5B0;
	[sflag:s26] =	ssyncadd.s32 $0xFFFFF9E0  }
0xf4: {  	s0 =	simm.s32 $0x1A030;
	v4 =	vld [tilespmem:s11+$0x30]  }
0xf5: {  	s3 =	simm.s32 $0x18730;
	v3 =	vld [tilespmem:s0+$0x30]  }
0xf6: {  	v5 =	vld [tilespmem:s3+$0x30]  }
0xf7: {  	v6 =	vld [tilespmem:s0+$0xFFFFFFD0]  }
0xf8: {  	v7 =	vld [tilespmem:s0+$0xFFFFFFE0]  }
0xf9: {  	v8 =	vld [tilespmem:s0+$0xFFFFFFF0]  }
0xfa: {  	v9 =	vld [tilespmem:s0+$0x0]  }
0xfb: {  	v10 =	vld [tilespmem:s0+$0x10]  }
0xfc: {  	v11 =	vld [tilespmem:s0+$0x20]  }
0xfd: {  	v2 =	vld [tilespmem:s3+$0xFFFFFFD0]  }
0xfe: {  	v58 =	vld [tilespmem:s11+$0xFFFFFFE0]  }
0xff: {  	v59 =	vld [tilespmem:s3+$0xFFFFFFE0]  }
0x100: {  	v60 =	vld [tilespmem:s11+$0xFFFFFFF0]  }
0x101: {  	v61 =	vld [tilespmem:s3+$0xFFFFFFF0]  }
0x102: {  	v62 =	vld [tilespmem:s11+$0x0]  }
0x103: {  	v63 =	vld [tilespmem:s3+$0x0]  }
0x104: {  	vm0 =	vgt.s32 v3, $0x0;
	v3 =	vld [tilespmem:s11+$0x10]  }
0x105: {  	v4 =	vsel vm0, v4, v5;
	vm0 =	vgt.s32 v7, $0x0;
	v5 =	vld [tilespmem:s3+$0x10]  }
0x106: {  	vm1 =	vgt.s32 v8, $0x0;
	[tilespmem:s3+$0x30] =	vst v4;
	v7 =	vsel vm0, v58, v59;
	v4 =	vld [tilespmem:s11+$0x20]  }
0x107: {  	vm3 =	vgt.s32 v9, $0x0;
	vm0 =	vgt.s32 v6, $0x0;
	v6 =	vld [tilespmem:s3+$0x20];
	[tilespmem:s3+$0xFFFFFFE0] =	vst v7;
	v7 =	vsel vm1, v60, v61  }
0x108: {  	s12 =	simm.s32 $0x1C620;
	s10 =	simm.s32 $0x0;
	vm2 =	vgt.s32 v10, $0x0;
	v8 =	vsel vm3, v62, v63;
	vm1 =	vgt.s32 v11, $0x0;
	[tilespmem:s3+$0xFFFFFFF0] =	vst v7;
	v7 =	vld [tilespmem:s11+$0xFFFFFFD0];
	s11 =	simm.s32 $0x18730  }
.LBB2_8:
0x109: {  	v9 =	vld [tilespmem:s12+$0x30];
	[tilespmem:s3+$0x0] =	vst v8;
	s0 =	sadd.s32 $0x70, s0  }
0x10a: {  	s10 =	sadd.s32 $0x7, s10;
	s3 =	sadd.s32 $0x70, s3;
	v8 =	vld [tilespmem:s0+$0x30];
	v3 =	vsel vm2, v3, v5  }
0x10b: {  	p0 =	slt.u32 s10, $0x5B;
	v5 =	vld [tilespmem:s3+$0x30];
	[tilespmem:s11+$0x10] =	vst v3  }
0x10c: {  	v3 =	vld [tilespmem:s0+$0xFFFFFFD0];
	v4 =	vsel vm1, v4, v6  }
0x10d: {  	v6 =	vld [tilespmem:s0+$0xFFFFFFE0];
	v2 =	vsel vm0, v7, v2;
	[tilespmem:s11+$0x20] =	vst v4  }
0x10e: {  	v4 =	vld [tilespmem:s0+$0xFFFFFFF0];
	[tilespmem:s11+$0xFFFFFFD0] =	vst v2;
	s11 =	smov.u32 s3  }
0x10f: {  	v7 =	vld [tilespmem:s0+$0x0];
	vm0 =	vgt.s32 v8, $0x0  }
0x110: {  	v8 =	vld [tilespmem:s0+$0x10];
	v2 =	vsel vm0, v9, v5  }
0x111: {  	vm0 =	vgt.s32 v3, $0x0;
	v3 =	vld [tilespmem:s0+$0x20];
	[tilespmem:s3+$0x30] =	vst v2  }
0x112: {  	v2 =	vld [tilespmem:s3+$0xFFFFFFD0];
	vm3 =	vgt.s32 v6, $0x0  }
0x113: {  	v5 =	vld [tilespmem:s12+$0xFFFFFFE0];
	vm4 =	vgt.s32 v4, $0x0  }
0x114: {  	v4 =	vld [tilespmem:s3+$0xFFFFFFE0];
	vm5 =	vgt.s32 v7, $0x0  }
0x115: {  	v6 =	vld [tilespmem:s12+$0xFFFFFFF0];
	vm2 =	vgt.s32 v8, $0x0  }
0x116: {  	v7 =	vld [tilespmem:s3+$0xFFFFFFF0];
	vm1 =	vgt.s32 v3, $0x0  }
0x117: {  	v8 =	vld [tilespmem:s12+$0x0]  }
0x118: {  	v9 =	vld [tilespmem:s3+$0x0]  }
.Ltmp3:
0x119: {  	v4 =	vsel vm3, v5, v4;
	v3 =	vld [tilespmem:s12+$0x10];
	(pc) =	sbr.rel @p0 .LBB2_8-.Ltmp3, $4  }
0x11a: {  	[tilespmem:s3+$0xFFFFFFE0] =	vst v4;
	v5 =	vld [tilespmem:s3+$0x10]  }
0x11b: {  	v6 =	vsel vm4, v6, v7;
	v4 =	vld [tilespmem:s12+$0x20]  }
0x11c: {  	[tilespmem:s3+$0xFFFFFFF0] =	vst v6;
	v6 =	vld [tilespmem:s3+$0x20]  }
0x11d: {  	v7 =	vld [tilespmem:s12+$0xFFFFFFD0];
	v8 =	vsel vm5, v8, v9;
	s12 =	sadd.s32 $0x70, s12  }
0x11e: {  	_ =	sdelay $0x1  }
0x11f: {  	[tilespmem:s3+$0x0] =	vst v8;
	v3 =	vsel vm2, v3, v5  }
0x120: {  	[tilespmem:s11+$0x10] =	vst v3;
	v3 =	vsel vm1, v4, v6  }
0x121: {  	v2 =	vsel vm0, v7, v2;
	[tilespmem:s11+$0x20] =	vst v3  }
0x122: {  	[tilespmem:s11+$0xFFFFFFD0] =	vst v2  }
0x123: {  	_ =	swait.ge [sflag:s28], $0x620  }
0x124: {  	[sflag:s28] =	ssyncset.done $0x0  }
0x125: {  	s10 =	simm.s32 $0x1CC00;
	[sflag:s28] =	ssyncadd.s32 $0xFFFFF9E0  }
0x126: {  	s0 =	simm.s32 $0x1A680;
	v4 =	vld [tilespmem:s10+$0x0]  }
0x127: {  	s3 =	simm.s32 $0x18D80;
	v3 =	vld [tilespmem:s0+$0x0]  }
0x128: {  	v5 =	vld [tilespmem:s3+$0x0]  }
0x129: {  	v6 =	vld [tilespmem:s0+$0xFFFFFFA0]  }
0x12a: {  	v7 =	vld [tilespmem:s0+$0xFFFFFFB0]  }
0x12b: {  	v8 =	vld [tilespmem:s0+$0xFFFFFFC0]  }
0x12c: {  	v9 =	vld [tilespmem:s0+$0xFFFFFFD0]  }
0x12d: {  	v10 =	vld [tilespmem:s0+$0xFFFFFFE0]  }
0x12e: {  	v11 =	vld [tilespmem:s0+$0xFFFFFFF0]  }
0x12f: {  	v2 =	vld [tilespmem:s3+$0xFFFFFFA0]  }
0x130: {  	v12 =	vld [tilespmem:s10+$0xFFFFFFB0]  }
0x131: {  	v13 =	vld [tilespmem:s3+$0xFFFFFFB0]  }
0x132: {  	v14 =	vld [tilespmem:s10+$0xFFFFFFC0]  }
0x133: {  	v15 =	vld [tilespmem:s3+$0xFFFFFFC0]  }
0x134: {  	v16 =	vld [tilespmem:s10+$0xFFFFFFD0]  }
0x135: {  	v17 =	vld [tilespmem:s3+$0xFFFFFFD0]  }
0x136: {  	vm0 =	vgt.s32 v3, $0x0;
	v3 =	vld [tilespmem:s10+$0xFFFFFFE0]  }
0x137: {  	v4 =	vsel vm0, v4, v5;
	vm0 =	vgt.s32 v7, $0x0;
	v5 =	vld [tilespmem:s3+$0xFFFFFFE0]  }
0x138: {  	vm1 =	vgt.s32 v8, $0x0;
	[tilespmem:s3+$0x0] =	vst v4;
	v7 =	vsel vm0, v12, v13;
	v4 =	vld [tilespmem:s10+$0xFFFFFFF0]  }
0x139: {  	vm3 =	vgt.s32 v9, $0x0;
	vm0 =	vgt.s32 v6, $0x0;
	v6 =	vld [tilespmem:s3+$0xFFFFFFF0];
	[tilespmem:s3+$0xFFFFFFB0] =	vst v7;
	v7 =	vsel vm1, v14, v15  }
0x13a: {  	s12 =	simm.s32 $0x1CC70;
	s11 =	simm.s32 $0x62;
	vm2 =	vgt.s32 v10, $0x0;
	v8 =	vsel vm3, v16, v17;
	vm1 =	vgt.s32 v11, $0x0;
	[tilespmem:s3+$0xFFFFFFC0] =	vst v7;
	v7 =	vld [tilespmem:s10+$0xFFFFFFA0];
	s10 =	simm.s32 $0x18D80  }
.LBB2_10:
0x13b: {  	v9 =	vld [tilespmem:s12+$0x0];
	[tilespmem:s3+$0xFFFFFFD0] =	vst v8;
	s0 =	sadd.s32 $0x70, s0  }
0x13c: {  	s11 =	sadd.s32 $0x7, s11;
	s3 =	sadd.s32 $0x70, s3;
	v8 =	vld [tilespmem:s0+$0x0];
	v3 =	vsel vm2, v3, v5  }
0x13d: {  	p0 =	slt.u32 s11, $0xBD;
	v5 =	vld [tilespmem:s3+$0x0];
	[tilespmem:s10+$0xFFFFFFE0] =	vst v3  }
0x13e: {  	v3 =	vld [tilespmem:s0+$0xFFFFFFA0];
	v4 =	vsel vm1, v4, v6  }
0x13f: {  	v6 =	vld [tilespmem:s0+$0xFFFFFFB0];
	v2 =	vsel vm0, v7, v2;
	[tilespmem:s10+$0xFFFFFFF0] =	vst v4  }
0x140: {  	v4 =	vld [tilespmem:s0+$0xFFFFFFC0];
	[tilespmem:s10+$0xFFFFFFA0] =	vst v2;
	s10 =	smov.u32 s3  }
0x141: {  	v7 =	vld [tilespmem:s0+$0xFFFFFFD0];
	vm0 =	vgt.s32 v8, $0x0  }
0x142: {  	v8 =	vld [tilespmem:s0+$0xFFFFFFE0];
	v2 =	vsel vm0, v9, v5  }
0x143: {  	vm0 =	vgt.s32 v3, $0x0;
	v3 =	vld [tilespmem:s0+$0xFFFFFFF0];
	[tilespmem:s3+$0x0] =	vst v2  }
0x144: {  	v2 =	vld [tilespmem:s3+$0xFFFFFFA0];
	vm3 =	vgt.s32 v6, $0x0  }
0x145: {  	v5 =	vld [tilespmem:s12+$0xFFFFFFB0];
	vm4 =	vgt.s32 v4, $0x0  }
0x146: {  	v4 =	vld [tilespmem:s3+$0xFFFFFFB0];
	vm5 =	vgt.s32 v7, $0x0  }
0x147: {  	v6 =	vld [tilespmem:s12+$0xFFFFFFC0];
	vm2 =	vgt.s32 v8, $0x0  }
0x148: {  	v7 =	vld [tilespmem:s3+$0xFFFFFFC0];
	vm1 =	vgt.s32 v3, $0x0  }
0x149: {  	v8 =	vld [tilespmem:s12+$0xFFFFFFD0]  }
0x14a: {  	v9 =	vld [tilespmem:s3+$0xFFFFFFD0]  }
.Ltmp4:
0x14b: {  	v4 =	vsel vm3, v5, v4;
	v3 =	vld [tilespmem:s12+$0xFFFFFFE0];
	(pc) =	sbr.rel @p0 .LBB2_10-.Ltmp4, $4  }
0x14c: {  	[tilespmem:s3+$0xFFFFFFB0] =	vst v4;
	v5 =	vld [tilespmem:s3+$0xFFFFFFE0]  }
0x14d: {  	v6 =	vsel vm4, v6, v7;
	v4 =	vld [tilespmem:s12+$0xFFFFFFF0]  }
0x14e: {  	[tilespmem:s3+$0xFFFFFFC0] =	vst v6;
	v6 =	vld [tilespmem:s3+$0xFFFFFFF0]  }
0x14f: {  	v7 =	vld [tilespmem:s12+$0xFFFFFFA0];
	v8 =	vsel vm5, v8, v9;
	s12 =	sadd.s32 $0x70, s12  }
0x150: {  	_ =	sdelay $0x1  }
0x151: {  	[tilespmem:s3+$0xFFFFFFD0] =	vst v8;
	v3 =	vsel vm2, v3, v5  }
0x152: {  	[tilespmem:s10+$0xFFFFFFE0] =	vst v3;
	v3 =	vsel vm1, v4, v6  }
0x153: {  	v2 =	vsel vm0, v7, v2;
	[tilespmem:s10+$0xFFFFFFF0] =	vst v3  }
0x154: {  	[tilespmem:s10+$0xFFFFFFA0] =	vst v2  }
0x155: {  	s0 =	rddreg [dreg:$0x6]  }
0x156: {  	[hbm4b:s0+s4] =	stream.linear.scatter [tilespmem:s29], [sflag:$0x6], $0xC40, $0x38;
	[tilespmem:$0x1D200] =	vst v63  }
0x157: {  	s14 =	simm.s32 $0x1AC80;
	s13 =	rddreg [dreg:$0x7]  }
0x158: {  	[tilespmem:s14], [sflag:$0x2] =	stream.linear.gather [hbm4b:s13+s4], $0xC40, $0x38;
	[tilespmem:$0x1D200] =	vst v63  }
0x159: {  	_ =	swait.ge [sflag:s30], $0xC40  }
0x15a: {  	[sflag:s30] =	ssyncset.done $0x0  }
0x15b: {  	s17 =	simm.s32 $0x18730;
	[sflag:s30] =	ssyncadd.s32 $0xFFFFF3C0  }
0x15c: {  	v19 =	vld [tilespmem:s17+$0x30]  }
0x15d: {  	v5 =	vld [tilespmem:s17+$0xFFFFFFE0]  }
0x15e: {  	v7 =	vld [tilespmem:s17+$0xFFFFFFF0]  }
0x15f: {  	v8 =	vld [tilespmem:s17+$0x0]  }
0x160: {  	v11 =	vld [tilespmem:s17+$0xFFFFFFD0]  }
0x161: {  	v9 =	vld [tilespmem:s17+$0x10]  }
0x162: {  	s0 =	simm.s32 $0x1B930;
	v14 =	vld [tilespmem:s17+$0x20]  }
0x163: {  	v17 =	vld [tilespmem:s0+$0x30]  }
0x164: {  	v21 =	vld.idx.msk [tilespmem:v19+s4+$0x0], $0xffff  }
0x165: {  	v6 =	vld.idx.msk [tilespmem:v5+s4+$0x0], $0xffff  }
0x166: {  	v4 =	vld.idx.msk [tilespmem:v7+s4+$0x0], $0xffff  }
0x167: {  	v3 =	vld.idx.msk [tilespmem:v8+s4+$0x0], $0xffff  }
0x168: {  	v12 =	vshll.u32 v11, $0x4;
	v11 =	vld.idx.msk [tilespmem:v11+s4+$0x0], $0xffff  }
0x169: {  	v23 =	vld [tilespmem:s0+$0xFFFFFFD0]  }
0x16a: {  	v25 =	vld [tilespmem:s0+$0xFFFFFFE0];
	v13 =	vshll.u32 v5, $0x4;
	v10 =	vshll.u32 v7, $0x4  }
0x16b: {  	v2 =	vld.idx.msk [tilespmem:v9+s4+$0x0], $0xffff;
	v8 =	vshll.u32 v8, $0x4;
	v7 =	vshll.u32 v9, $0x4;
	v9 =	vshll.u32 v14, $0x4  }
0x16c: {  	v26 =	vld [tilespmem:s0+$0xFFFFFFF0];
	v19 =	vshll.u32 v19, $0x4;
	vm15 =	vgt.s32 v21, $0x1;
	vm4 =	vgt.s32 v6, $0x1  }
0x16d: {  	v5 =	vld.idx.msk [tilespmem:v14+s4+$0x0], $0xffff;
	vm5 =	vgt.s32 v4, $0x1;
	vm6 =	vgt.s32 v3, $0x1;
	vm8 =	vgt.s32 v11, $0x1  }
0x16e: {  	v29 =	vld [tilespmem:s0+$0x0];
	v22 =	vnsel vm15, $0x1, v21;
	v14 =	vnsel vm4, $0x1, v6;
	v15 =	vnsel vm5, $0x1, v4  }
0x16f: {  	v20 =	vnsel vm8, $0x1, v11;
	v18 =	vcvt.s32.f32 v22;
	v24 =	vcvt.s32.f32 v14  }
0x170: {  	v16 =	vnsel vm6, $0x1, v3;
	v27 =	vcvt.s32.f32 v15;
	v34 =	vcvt.s32.f32 v20  }
0x171: {  	v32 =	vld [tilespmem:s0+$0x10];
	vm7 =	vgt.s32 v2, $0x1;
	v28 =	vcvt.s32.f32 v16;
	v18 =	vmul.f32 v18, v17  }
0x172: {  	vm9 =	vgt.s32 v5, $0x1;
	v24 =	vmul.f32 v24, v25;
	v23 =	vmul.f32 v34, v23  }
0x173: {  	v17 =	vnsel vm7, $0x1, v2;
	v26 =	vmul.f32 v27, v26;
	v27 =	vmul.f32 v28, v29  }
0x174: {  	v22 =	vadd.s32 $0xFFFFFFFF, v22;
	v30 =	vcvt.s32.f32 v17;
	v31 =	vtrunc.f32 v18  }
0x175: {  	v62 =	vtrunc.f32 v27;
	vm10 =	vgt.f32 v18, v31;
	v31 =	vcvt.f32.s32 v31  }
0x176: {  	v33 =	vld [tilespmem:s0+$0x20];
	v18 =	vnsel vm9, $0x1, v5;
	v28 =	vmul.f32 v30, v32;
	v30 =	vtrunc.f32 v24  }
0x177: {  	vm3 =	vgt.f32 v27, v62;
	v32 =	vcvt.f32.s32 v62;
	vm11 =	vmneg vm10  }
0x178: {  	v35 =	vcvt.s32.f32 v18;
	vm14 =	vgt.f32 v24, v30;
	v36 =	vsel vm11, $0xFFFFFFFF, v1  }
0x179: {  	vm3 =	vmneg vm3;
	vm1 =	vmneg vm14;
	v25 =	vadd.s32 v31, v36  }
0x17a: {  	v63 =	vsel vm3, $0xFFFFFFFF, v1;
	v31 =	vtrunc.f32 v26;
	vm12 =	vlt.s32 v25, v22  }
0x17b: {  	v29 =	vmul.f32 v35, v33;
	vm15 =	vgt.f32 v26, v31;
	v22 =	vsel vm12, v25, v22  }
0x17c: {  	v25 =	vtrunc.f32 v23;
	vm2 =	vmneg vm15;
	vm0 =	vgt.s32 v22, $0x0  }
0x17d: {  	vm13 =	vgt.f32 v23, v25;
	v23 =	vtrunc.f32 v29;
	v24 =	vcvt.f32.s32 v25  }
0x17e: {  	v22 =	vnsel vm0, $0x0, v22;
	vm0 =	vmneg vm13;
	vm5 =	vgt.f32 v29, v23  }
0x17f: {  	v29 =	vcvt.f32.s32 v30;
	v30 =	vcvt.f32.s32 v31;
	v31 =	vsel vm1, $0xFFFFFFFF, v1  }
0x180: {  	v26 =	vcvt.f32.s32 v23;
	v19 =	vadd.s32 v19, v22;
	v22 =	vtrunc.f32 v28  }
0x181: {  	vm5 =	vmneg vm5;
	v27 =	vsel vm0, $0xFFFFFFFF, v1;
	vm4 =	vgt.f32 v28, v22  }
0x182: {  	s3 =	simm.s32 $0x193B0;
	v25 =	vcvt.f32.s32 v22;
	v22 =	vsel vm2, $0xFFFFFFFF, v1;
	v24 =	vadd.s32 v24, v27  }
0x183: {  	s10 =	simm.s32 $0x1A030;
	[tilespmem:s3+$0x30] =	vst v19;
	v27 =	vsel vm5, $0xFFFFFFFF, v1;
	v23 =	vadd.s32 v29, v31;
	vm4 =	vmneg vm4  }
0x184: {  	s11 =	simm.s32 $0x0;
	s12 =	simm.s32 $0x187A0;
	[tilespmem:s10+$0x30] =	vst v21;
	v22 =	vadd.s32 v30, v22;
	v21 =	vadd.s32 v32, v63;
	v28 =	vsel vm4, $0xFFFFFFFF, v1  }
.LBB2_12:
0x185: {  	v19 =	vld [tilespmem:s12+$0x30];
	v20 =	vadd.s32 $0xFFFFFFFF, v20;
	v25 =	vadd.s32 v25, v28;
	v26 =	vadd.s32 v26, v27  }
0x186: {  	s11 =	sadd.s32 $0x7, s11;
	v14 =	vadd.s32 $0xFFFFFFFF, v14;
	v15 =	vadd.s32 $0xFFFFFFFF, v15;
	v16 =	vadd.s32 $0xFFFFFFFF, v16;
	v27 =	vld [tilespmem:s12+$0xFFFFFFE0]  }
0x187: {  	v17 =	vadd.s32 $0xFFFFFFFF, v17;
	v18 =	vadd.s32 $0xFFFFFFFF, v18;
	p0 =	slt.u32 s11, $0x5B;
	vm0 =	vlt.s32 v24, v20;
	v28 =	vld [tilespmem:s12+$0xFFFFFFF0]  }
0x188: {  	vm1 =	vlt.s32 v23, v14;
	vm2 =	vlt.s32 v22, v15;
	vm3 =	vlt.s32 v21, v16;
	v29 =	vld [tilespmem:s12+$0x0]  }
0x189: {  	vm4 =	vlt.s32 v26, v18;
	v20 =	vsel vm0, v24, v20;
	vm0 =	vlt.s32 v25, v17;
	v30 =	vld [tilespmem:s12+$0x10]  }
0x18a: {  	v14 =	vsel vm1, v23, v14;
	v15 =	vsel vm2, v22, v15;
	v16 =	vsel vm3, v21, v16;
	v24 =	vld [tilespmem:s12+$0x20]  }
0x18b: {  	v18 =	vsel vm4, v26, v18;
	vm1 =	vgt.s32 v20, $0x0;
	v17 =	vsel vm0, v25, v17;
	v22 =	vld [tilespmem:s12+$0xFFFFFFD0]  }
0x18c: {  	vm0 =	vgt.s32 v14, $0x0;
	vm2 =	vgt.s32 v15, $0x0;
	vm3 =	vgt.s32 v16, $0x0  }
0x18d: {  	vm4 =	vgt.s32 v18, $0x0;
	v20 =	vnsel vm1, $0x0, v20;
	vm1 =	vgt.s32 v17, $0x0;
	v21 =	vld.idx.msk [tilespmem:v19+s4+$0x0], $0xffff  }
0x18e: {  	v14 =	vnsel vm0, $0x0, v14;
	v15 =	vnsel vm2, $0x0, v15;
	v16 =	vnsel vm3, $0x0, v16;
	v23 =	vld.idx.msk [tilespmem:v27+s4+$0x0], $0xffff  }
0x18f: {  	v18 =	vnsel vm4, $0x0, v18;
	v17 =	vnsel vm1, $0x0, v17;
	v25 =	vshll.u32 v27, $0x4;
	v26 =	vld.idx.msk [tilespmem:v28+s4+$0x0], $0xffff  }
0x190: {  	v28 =	vshll.u32 v28, $0x4;
	v27 =	vshll.u32 v22, $0x4;
	v31 =	vld.idx.msk [tilespmem:v29+s4+$0x0], $0xffff;
	v29 =	vshll.u32 v29, $0x4  }
0x191: {  	s0 =	sadd.s32 $0x70, s0;
	v20 =	vadd.s32 v12, v20;
	v33 =	vshll.u32 v24, $0x4;
	v32 =	vld.idx.msk [tilespmem:v30+s4+$0x0], $0xffff;
	v30 =	vshll.u32 v30, $0x4;
	v12 =	vmovc v27  }
0x192: {  	v14 =	vadd.s32 v13, v14;
	v34 =	vadd.s32 v8, v16;
	v27 =	vld [tilespmem:s0+$0x30];
	[tilespmem:s3+$0xFFFFFFD0] =	vst v20;
	v20 =	vadd.s32 v10, v15  }
0x193: {  	v35 =	vadd.s32 v9, v18;
	vm0 =	vgt.s32 v21, $0x1;
	[tilespmem:s10+$0xFFFFFFD0] =	vst v11;
	v11 =	vld.idx.msk [tilespmem:v22+s4+$0x0], $0xffff;
	v22 =	vadd.s32 v7, v17  }
0x194: {  	v13 =	vmovc v25;
	v8 =	vmovc v29;
	v10 =	vmov v28;
	vm1 =	vgt.s32 v23, $0x1;
	v36 =	vnsel vm0, $0x1, v21;
	v24 =	vld.idx.msk [tilespmem:v24+s4+$0x0], $0xffff;
	[tilespmem:s3+$0xFFFFFFE0] =	vst v14  }
0x195: {  	v7 =	vmovc v30;
	v14 =	vnsel vm1, $0x1, v23;
	vm0 =	vgt.s32 v26, $0x1;
	v17 =	vcvt.s32.f32 v36;
	v25 =	vld [tilespmem:s0+$0xFFFFFFD0];
	[tilespmem:s10+$0xFFFFFFE0] =	vst v6;
	v6 =	vmovc v23  }
0x196: {  	v9 =	vmovc v33;
	v23 =	vcvt.s32.f32 v14;
	v15 =	vnsel vm0, $0x1, v26;
	vm0 =	vgt.s32 v31, $0x1;
	v28 =	vld [tilespmem:s0+$0xFFFFFFE0];
	[tilespmem:s3+$0xFFFFFFF0] =	vst v20  }
0x197: {  	v16 =	vnsel vm0, $0x1, v31;
	vm0 =	vgt.s32 v32, $0x1;
	v29 =	vld [tilespmem:s0+$0xFFFFFFF0];
	v18 =	vmul.f32 v17, v27;
	[tilespmem:s10+$0xFFFFFFF0] =	vst v4;
	v4 =	vmovc v26  }
0x198: {  	v26 =	vcvt.s32.f32 v15;
	v27 =	vcvt.s32.f32 v16;
	v17 =	vnsel vm0, $0x1, v32;
	v30 =	vld [tilespmem:s0+$0x0];
	[tilespmem:s3+$0x0] =	vst v34  }
0x199: {  	vm0 =	vgt.s32 v11, $0x1;
	v33 =	vcvt.s32.f32 v17;
	v34 =	vld [tilespmem:s0+$0x10];
	v37 =	vtrunc.f32 v18;
	[tilespmem:s10+$0x0] =	vst v3;
	v3 =	vmovc v31  }
0x19a: {  	v20 =	vnsel vm0, $0x1, v11;
	vm0 =	vgt.s32 v24, $0x1;
	v31 =	vld [tilespmem:s0+$0x20];
	vm1 =	vgt.f32 v18, v37;
	[tilespmem:s3+$0x10] =	vst v22  }
0x19b: {  	v18 =	vnsel vm0, $0x1, v24;
	v22 =	vcvt.f32.s32 v37;
	vm0 =	vmneg vm1;
	[tilespmem:s10+$0x10] =	vst v2;
	v2 =	vmovc v32  }
0x19c: {  	v32 =	vcvt.s32.f32 v20;
	v37 =	vcvt.s32.f32 v18;
	v38 =	vsel vm0, $0xFFFFFFFF, v1;
	[tilespmem:s3+$0x20] =	vst v35  }
0x19d: {  	v23 =	vmul.f32 v23, v28;
	v28 =	vadd.s32 $0xFFFFFFFF, v36;
	v22 =	vadd.s32 v22, v38;
	[tilespmem:s10+$0x20] =	vst v5;
	v5 =	vmovc v24  }
0x19e: {  	v24 =	vmul.f32 v32, v25;
	v25 =	vmul.f32 v26, v29;
	vm0 =	vlt.s32 v22, v28  }
0x19f: {  	v26 =	vmul.f32 v27, v30;
	v27 =	vmul.f32 v33, v34;
	v22 =	vsel vm0, v22, v28  }
0x1a0: {  	v28 =	vtrunc.f32 v24;
	v29 =	vmul.f32 v37, v31;
	vm0 =	vgt.s32 v22, $0x0  }
0x1a1: {  	v19 =	vshll.u32 v19, $0x4;
	v30 =	vtrunc.f32 v23;
	v22 =	vnsel vm0, $0x0, v22  }
0x1a2: {  	s3 =	sadd.s32 $0x70, s3;
	v31 =	vtrunc.f32 v25;
	v32 =	vtrunc.f32 v26;
	v19 =	vadd.s32 v19, v22  }
0x1a3: {  	s10 =	sadd.s32 $0x70, s10;
	vm0 =	vgt.f32 v24, v28;
	v24 =	vtrunc.f32 v29;
	v22 =	vtrunc.f32 v27;
	[tilespmem:s3+$0x30] =	vst v19  }
0x1a4: {  	vm1 =	vgt.f32 v23, v30;
	vm2 =	vgt.f32 v25, v31;
	vm3 =	vgt.f32 v26, v32;
	[tilespmem:s10+$0x30] =	vst v21  }
0x1a5: {  	vm0 =	vmneg vm0;
	vm5 =	vgt.f32 v29, v24;
	vm4 =	vgt.f32 v27, v22  }
0x1a6: {  	vm1 =	vmneg vm1;
	vm2 =	vmneg vm2;
	vm3 =	vmneg vm3  }
0x1a7: {  	v19 =	vcvt.f32.s32 v28;
	vm5 =	vmneg vm5;
	vm4 =	vmneg vm4  }
.Ltmp5:
0x1a8: {  	v23 =	vcvt.f32.s32 v30;
	v29 =	vcvt.f32.s32 v31;
	v21 =	vsel vm0, $0xFFFFFFFF, v1;
	(pc) =	sbr.rel @p0 .LBB2_12-.Ltmp5, $4  }
0x1a9: {  	v30 =	vsel vm1, $0xFFFFFFFF, v1;
	v31 =	vcvt.f32.s32 v32;
	v25 =	vcvt.f32.s32 v22  }
0x1aa: {  	v32 =	vsel vm3, $0xFFFFFFFF, v1;
	v26 =	vcvt.f32.s32 v24;
	v22 =	vsel vm2, $0xFFFFFFFF, v1  }
0x1ab: {  	v27 =	vsel vm5, $0xFFFFFFFF, v1;
	v24 =	vadd.s32 v19, v21;
	v28 =	vsel vm4, $0xFFFFFFFF, v1  }
0x1ac: {  	s12 =	sadd.s32 $0x70, s12;
	v23 =	vadd.s32 v23, v30;
	v22 =	vadd.s32 v29, v22;
	v21 =	vadd.s32 v31, v32  }
0x1ad: {  	v19 =	vadd.s32 $0xFFFFFFFF, v20  }
0x1ae: {  	vm0 =	vlt.s32 v24, v19  }
0x1af: {  	v20 =	vadd.s32 v25, v28;
	v14 =	vadd.s32 $0xFFFFFFFF, v14;
	v19 =	vsel vm0, v24, v19  }
0x1b0: {  	v15 =	vadd.s32 $0xFFFFFFFF, v15;
	vm7 =	vlt.s32 v23, v14;
	vm1 =	vgt.s32 v19, $0x0  }
0x1b1: {  	v16 =	vadd.s32 $0xFFFFFFFF, v16;
	v14 =	vsel vm7, v23, v14;
	v19 =	vnsel vm1, $0x0, v19  }
0x1b2: {  	vm8 =	vlt.s32 v22, v15;
	vm9 =	vgt.s32 v14, $0x0;
	v12 =	vadd.s32 v12, v19  }
0x1b3: {  	vm10 =	vlt.s32 v21, v16;
	v15 =	vsel vm8, v22, v15;
	v14 =	vnsel vm9, $0x0, v14;
	[tilespmem:s3+$0xFFFFFFD0] =	vst v12  }
0x1b4: {  	v24 =	vadd.s32 v26, v27;
	vm11 =	vgt.s32 v15, $0x0;
	v12 =	vadd.s32 v13, v14;
	[tilespmem:s10+$0xFFFFFFD0] =	vst v11  }
0x1b5: {  	v13 =	vsel vm10, v21, v16;
	v14 =	vnsel vm11, $0x0, v15;
	v11 =	vadd.s32 $0xFFFFFFFF, v17;
	[tilespmem:s3+$0xFFFFFFE0] =	vst v12  }
0x1b6: {  	vm13 =	vgt.s32 v13, $0x0;
	v10 =	vadd.s32 v10, v14;
	vm12 =	vlt.s32 v20, v11;
	[tilespmem:s10+$0xFFFFFFE0] =	vst v6  }
0x1b7: {  	v6 =	vadd.s32 $0xFFFFFFFF, v18;
	v12 =	vnsel vm13, $0x0, v13;
	[tilespmem:s3+$0xFFFFFFF0] =	vst v10;
	v11 =	vsel vm12, v20, v11  }
0x1b8: {  	vm14 =	vlt.s32 v24, v6;
	v8 =	vadd.s32 v8, v12;
	[tilespmem:s10+$0xFFFFFFF0] =	vst v4;
	vm15 =	vgt.s32 v11, $0x0  }
0x1b9: {  	v4 =	vsel vm14, v24, v6;
	[tilespmem:s3+$0x0] =	vst v8;
	v6 =	vnsel vm15, $0x0, v11  }
0x1ba: {  	vm0 =	vgt.s32 v4, $0x0;
	[tilespmem:s10+$0x0] =	vst v3;
	v6 =	vadd.s32 v7, v6  }
0x1bb: {  	v3 =	vnsel vm0, $0x0, v4;
	[tilespmem:s3+$0x10] =	vst v6  }
0x1bc: {  	v3 =	vadd.s32 v9, v3;
	[tilespmem:s10+$0x10] =	vst v2  }
0x1bd: {  	[tilespmem:s3+$0x20] =	vst v3  }
0x1be: {  	s0 =	simm.s32 $0x18D80;
	[tilespmem:s10+$0x20] =	vst v5  }
0x1bf: {  	[tilespmem:s23], [sflag:$0x4] =	stream.indirect.gather [hbm4b:s1+s21], $0x1, s22, s21, $0xb8;
	[tilespmem:$0x1D200] =	vst v63  }
0x1c0: {  	v19 =	vld [tilespmem:s0+$0x0]  }
0x1c1: {  	v5 =	vld [tilespmem:s0+$0xFFFFFFB0]  }
0x1c2: {  	v7 =	vld [tilespmem:s0+$0xFFFFFFC0]  }
0x1c3: {  	v8 =	vld [tilespmem:s0+$0xFFFFFFD0]  }
0x1c4: {  	v11 =	vld [tilespmem:s0+$0xFFFFFFA0]  }
0x1c5: {  	v9 =	vld [tilespmem:s0+$0xFFFFFFE0]  }
0x1c6: {  	v14 =	vld [tilespmem:s0+$0xFFFFFFF0];
	s0 =	simm.s32 $0x1BF80  }
0x1c7: {  	v17 =	vld [tilespmem:s0+$0x0]  }
0x1c8: {  	v21 =	vld.idx.msk [tilespmem:v19+s4+$0x0], $0xffff  }
0x1c9: {  	v6 =	vld.idx.msk [tilespmem:v5+s4+$0x0], $0xffff  }
0x1ca: {  	v4 =	vld.idx.msk [tilespmem:v7+s4+$0x0], $0xffff  }
0x1cb: {  	v3 =	vld.idx.msk [tilespmem:v8+s4+$0x0], $0xffff  }
0x1cc: {  	v12 =	vshll.u32 v11, $0x4;
	v11 =	vld.idx.msk [tilespmem:v11+s4+$0x0], $0xffff  }
0x1cd: {  	v23 =	vld [tilespmem:s0+$0xFFFFFFA0]  }
0x1ce: {  	v25 =	vld [tilespmem:s0+$0xFFFFFFB0];
	v13 =	vshll.u32 v5, $0x4;
	v10 =	vshll.u32 v7, $0x4  }
0x1cf: {  	v2 =	vld.idx.msk [tilespmem:v9+s4+$0x0], $0xffff;
	v8 =	vshll.u32 v8, $0x4;
	v7 =	vshll.u32 v9, $0x4;
	v9 =	vshll.u32 v14, $0x4  }
0x1d0: {  	v26 =	vld [tilespmem:s0+$0xFFFFFFC0];
	v19 =	vshll.u32 v19, $0x4;
	vm4 =	vgt.s32 v21, $0x1;
	vm5 =	vgt.s32 v6, $0x1  }
0x1d1: {  	v5 =	vld.idx.msk [tilespmem:v14+s4+$0x0], $0xffff;
	vm6 =	vgt.s32 v4, $0x1;
	vm7 =	vgt.s32 v3, $0x1;
	vm9 =	vgt.s32 v11, $0x1  }
0x1d2: {  	v29 =	vld [tilespmem:s0+$0xFFFFFFD0];
	v22 =	vnsel vm4, $0x1, v21;
	v14 =	vnsel vm5, $0x1, v6;
	v15 =	vnsel vm6, $0x1, v4  }
0x1d3: {  	v20 =	vnsel vm9, $0x1, v11;
	v18 =	vcvt.s32.f32 v22;
	v24 =	vcvt.s32.f32 v14  }
0x1d4: {  	v16 =	vnsel vm7, $0x1, v3;
	v27 =	vcvt.s32.f32 v15;
	v34 =	vcvt.s32.f32 v20  }
0x1d5: {  	v32 =	vld [tilespmem:s0+$0xFFFFFFE0];
	vm8 =	vgt.s32 v2, $0x1;
	v28 =	vcvt.s32.f32 v16;
	v18 =	vmul.f32 v18, v17  }
0x1d6: {  	vm10 =	vgt.s32 v5, $0x1;
	v24 =	vmul.f32 v24, v25;
	v23 =	vmul.f32 v34, v23  }
0x1d7: {  	v17 =	vnsel vm8, $0x1, v2;
	v26 =	vmul.f32 v27, v26;
	v27 =	vmul.f32 v28, v29  }
0x1d8: {  	v22 =	vadd.s32 $0xFFFFFFFF, v22;
	v30 =	vcvt.s32.f32 v17;
	v31 =	vtrunc.f32 v18  }
0x1d9: {  	v62 =	vtrunc.f32 v27;
	vm11 =	vgt.f32 v18, v31;
	v31 =	vcvt.f32.s32 v31  }
0x1da: {  	v33 =	vld [tilespmem:s0+$0xFFFFFFF0];
	v18 =	vnsel vm10, $0x1, v5;
	v28 =	vmul.f32 v30, v32;
	v30 =	vtrunc.f32 v24  }
0x1db: {  	vm3 =	vgt.f32 v27, v62;
	v32 =	vcvt.f32.s32 v62;
	vm12 =	vmneg vm11  }
0x1dc: {  	v35 =	vcvt.s32.f32 v18;
	vm15 =	vgt.f32 v24, v30;
	v36 =	vsel vm12, $0xFFFFFFFF, v1  }
0x1dd: {  	vm3 =	vmneg vm3;
	vm1 =	vmneg vm15;
	v25 =	vadd.s32 v31, v36  }
0x1de: {  	v63 =	vsel vm3, $0xFFFFFFFF, v1;
	v31 =	vtrunc.f32 v26;
	vm13 =	vlt.s32 v25, v22  }
0x1df: {  	v29 =	vmul.f32 v35, v33;
	vm2 =	vgt.f32 v26, v31;
	v22 =	vsel vm13, v25, v22  }
0x1e0: {  	v25 =	vtrunc.f32 v23;
	vm2 =	vmneg vm2;
	vm0 =	vgt.s32 v22, $0x0  }
0x1e1: {  	vm14 =	vgt.f32 v23, v25;
	v23 =	vtrunc.f32 v29;
	v24 =	vcvt.f32.s32 v25  }
0x1e2: {  	v22 =	vnsel vm0, $0x0, v22;
	vm0 =	vmneg vm14;
	vm5 =	vgt.f32 v29, v23  }
0x1e3: {  	v29 =	vcvt.f32.s32 v30;
	v30 =	vcvt.f32.s32 v31;
	v31 =	vsel vm1, $0xFFFFFFFF, v1  }
0x1e4: {  	v26 =	vcvt.f32.s32 v23;
	v19 =	vadd.s32 v19, v22;
	v22 =	vtrunc.f32 v28  }
0x1e5: {  	vm5 =	vmneg vm5;
	v27 =	vsel vm0, $0xFFFFFFFF, v1;
	vm4 =	vgt.f32 v28, v22  }
0x1e6: {  	s3 =	simm.s32 $0x19A00;
	v25 =	vcvt.f32.s32 v22;
	v22 =	vsel vm2, $0xFFFFFFFF, v1;
	v24 =	vadd.s32 v24, v27  }
0x1e7: {  	s10 =	simm.s32 $0x1A680;
	[tilespmem:s3+$0x0] =	vst v19;
	v27 =	vsel vm5, $0xFFFFFFFF, v1;
	v23 =	vadd.s32 v29, v31;
	vm4 =	vmneg vm4  }
0x1e8: {  	s11 =	simm.s32 $0x62;
	s12 =	simm.s32 $0x18DF0;
	[tilespmem:s10+$0x0] =	vst v21;
	v22 =	vadd.s32 v30, v22;
	v21 =	vadd.s32 v32, v63;
	v28 =	vsel vm4, $0xFFFFFFFF, v1  }
.LBB2_14:
0x1e9: {  	v19 =	vld [tilespmem:s12+$0x0];
	v20 =	vadd.s32 $0xFFFFFFFF, v20;
	v25 =	vadd.s32 v25, v28;
	v26 =	vadd.s32 v26, v27  }
0x1ea: {  	s11 =	sadd.s32 $0x7, s11;
	v14 =	vadd.s32 $0xFFFFFFFF, v14;
	v15 =	vadd.s32 $0xFFFFFFFF, v15;
	v16 =	vadd.s32 $0xFFFFFFFF, v16;
	v27 =	vld [tilespmem:s12+$0xFFFFFFB0]  }
0x1eb: {  	v17 =	vadd.s32 $0xFFFFFFFF, v17;
	v18 =	vadd.s32 $0xFFFFFFFF, v18;
	p0 =	slt.u32 s11, $0xBD;
	vm0 =	vlt.s32 v24, v20;
	v28 =	vld [tilespmem:s12+$0xFFFFFFC0]  }
0x1ec: {  	vm1 =	vlt.s32 v23, v14;
	vm2 =	vlt.s32 v22, v15;
	vm3 =	vlt.s32 v21, v16;
	v29 =	vld [tilespmem:s12+$0xFFFFFFD0]  }
0x1ed: {  	vm4 =	vlt.s32 v26, v18;
	v20 =	vsel vm0, v24, v20;
	vm0 =	vlt.s32 v25, v17;
	v30 =	vld [tilespmem:s12+$0xFFFFFFE0]  }
0x1ee: {  	v14 =	vsel vm1, v23, v14;
	v15 =	vsel vm2, v22, v15;
	v16 =	vsel vm3, v21, v16;
	v24 =	vld [tilespmem:s12+$0xFFFFFFF0]  }
0x1ef: {  	v18 =	vsel vm4, v26, v18;
	vm1 =	vgt.s32 v20, $0x0;
	v17 =	vsel vm0, v25, v17;
	v22 =	vld [tilespmem:s12+$0xFFFFFFA0]  }
0x1f0: {  	vm0 =	vgt.s32 v14, $0x0;
	vm2 =	vgt.s32 v15, $0x0;
	vm3 =	vgt.s32 v16, $0x0  }
0x1f1: {  	vm4 =	vgt.s32 v18, $0x0;
	v20 =	vnsel vm1, $0x0, v20;
	vm1 =	vgt.s32 v17, $0x0;
	v21 =	vld.idx.msk [tilespmem:v19+s4+$0x0], $0xffff  }
0x1f2: {  	v14 =	vnsel vm0, $0x0, v14;
	v15 =	vnsel vm2, $0x0, v15;
	v16 =	vnsel vm3, $0x0, v16;
	v23 =	vld.idx.msk [tilespmem:v27+s4+$0x0], $0xffff  }
0x1f3: {  	v18 =	vnsel vm4, $0x0, v18;
	v17 =	vnsel vm1, $0x0, v17;
	v25 =	vshll.u32 v27, $0x4;
	v26 =	vld.idx.msk [tilespmem:v28+s4+$0x0], $0xffff  }
0x1f4: {  	v28 =	vshll.u32 v28, $0x4;
	v27 =	vshll.u32 v22, $0x4;
	v31 =	vld.idx.msk [tilespmem:v29+s4+$0x0], $0xffff;
	v29 =	vshll.u32 v29, $0x4  }
0x1f5: {  	s0 =	sadd.s32 $0x70, s0;
	v20 =	vadd.s32 v12, v20;
	v33 =	vshll.u32 v24, $0x4;
	v32 =	vld.idx.msk [tilespmem:v30+s4+$0x0], $0xffff;
	v30 =	vshll.u32 v30, $0x4;
	v12 =	vmovc v27  }
0x1f6: {  	v14 =	vadd.s32 v13, v14;
	v34 =	vadd.s32 v8, v16;
	v27 =	vld [tilespmem:s0+$0x0];
	[tilespmem:s3+$0xFFFFFFA0] =	vst v20;
	v20 =	vadd.s32 v10, v15  }
0x1f7: {  	v35 =	vadd.s32 v9, v18;
	vm0 =	vgt.s32 v21, $0x1;
	[tilespmem:s10+$0xFFFFFFA0] =	vst v11;
	v11 =	vld.idx.msk [tilespmem:v22+s4+$0x0], $0xffff;
	v22 =	vadd.s32 v7, v17  }
0x1f8: {  	v13 =	vmovc v25;
	v8 =	vmovc v29;
	v10 =	vmov v28;
	vm1 =	vgt.s32 v23, $0x1;
	v36 =	vnsel vm0, $0x1, v21;
	v24 =	vld.idx.msk [tilespmem:v24+s4+$0x0], $0xffff;
	[tilespmem:s3+$0xFFFFFFB0] =	vst v14  }
0x1f9: {  	v7 =	vmovc v30;
	v14 =	vnsel vm1, $0x1, v23;
	vm0 =	vgt.s32 v26, $0x1;
	v17 =	vcvt.s32.f32 v36;
	v25 =	vld [tilespmem:s0+$0xFFFFFFA0];
	[tilespmem:s10+$0xFFFFFFB0] =	vst v6;
	v6 =	vmovc v23  }
0x1fa: {  	v9 =	vmovc v33;
	v23 =	vcvt.s32.f32 v14;
	v15 =	vnsel vm0, $0x1, v26;
	vm0 =	vgt.s32 v31, $0x1;
	v28 =	vld [tilespmem:s0+$0xFFFFFFB0];
	[tilespmem:s3+$0xFFFFFFC0] =	vst v20  }
0x1fb: {  	v16 =	vnsel vm0, $0x1, v31;
	vm0 =	vgt.s32 v32, $0x1;
	v29 =	vld [tilespmem:s0+$0xFFFFFFC0];
	v18 =	vmul.f32 v17, v27;
	[tilespmem:s10+$0xFFFFFFC0] =	vst v4;
	v4 =	vmovc v26  }
0x1fc: {  	v26 =	vcvt.s32.f32 v15;
	v27 =	vcvt.s32.f32 v16;
	v17 =	vnsel vm0, $0x1, v32;
	v30 =	vld [tilespmem:s0+$0xFFFFFFD0];
	[tilespmem:s3+$0xFFFFFFD0] =	vst v34  }
0x1fd: {  	vm0 =	vgt.s32 v11, $0x1;
	v33 =	vcvt.s32.f32 v17;
	v34 =	vld [tilespmem:s0+$0xFFFFFFE0];
	v37 =	vtrunc.f32 v18;
	[tilespmem:s10+$0xFFFFFFD0] =	vst v3;
	v3 =	vmovc v31  }
0x1fe: {  	v20 =	vnsel vm0, $0x1, v11;
	vm0 =	vgt.s32 v24, $0x1;
	v31 =	vld [tilespmem:s0+$0xFFFFFFF0];
	vm1 =	vgt.f32 v18, v37;
	[tilespmem:s3+$0xFFFFFFE0] =	vst v22  }
0x1ff: {  	v18 =	vnsel vm0, $0x1, v24;
	v22 =	vcvt.f32.s32 v37;
	vm0 =	vmneg vm1;
	[tilespmem:s10+$0xFFFFFFE0] =	vst v2;
	v2 =	vmovc v32  }
0x200: {  	v32 =	vcvt.s32.f32 v20;
	v37 =	vcvt.s32.f32 v18;
	v38 =	vsel vm0, $0xFFFFFFFF, v1;
	[tilespmem:s3+$0xFFFFFFF0] =	vst v35  }
0x201: {  	v23 =	vmul.f32 v23, v28;
	v28 =	vadd.s32 $0xFFFFFFFF, v36;
	v22 =	vadd.s32 v22, v38;
	[tilespmem:s10+$0xFFFFFFF0] =	vst v5;
	v5 =	vmovc v24  }
0x202: {  	v24 =	vmul.f32 v32, v25;
	v25 =	vmul.f32 v26, v29;
	vm0 =	vlt.s32 v22, v28  }
0x203: {  	v26 =	vmul.f32 v27, v30;
	v27 =	vmul.f32 v33, v34;
	v22 =	vsel vm0, v22, v28  }
0x204: {  	v28 =	vtrunc.f32 v24;
	v29 =	vmul.f32 v37, v31;
	vm0 =	vgt.s32 v22, $0x0  }
0x205: {  	v19 =	vshll.u32 v19, $0x4;
	v30 =	vtrunc.f32 v23;
	v22 =	vnsel vm0, $0x0, v22  }
0x206: {  	s3 =	sadd.s32 $0x70, s3;
	v31 =	vtrunc.f32 v25;
	v32 =	vtrunc.f32 v26;
	v19 =	vadd.s32 v19, v22  }
0x207: {  	s10 =	sadd.s32 $0x70, s10;
	vm0 =	vgt.f32 v24, v28;
	v24 =	vtrunc.f32 v29;
	v22 =	vtrunc.f32 v27;
	[tilespmem:s3+$0x0] =	vst v19  }
0x208: {  	vm1 =	vgt.f32 v23, v30;
	vm2 =	vgt.f32 v25, v31;
	vm3 =	vgt.f32 v26, v32;
	[tilespmem:s10+$0x0] =	vst v21  }
0x209: {  	vm0 =	vmneg vm0;
	vm5 =	vgt.f32 v29, v24;
	vm4 =	vgt.f32 v27, v22  }
0x20a: {  	vm1 =	vmneg vm1;
	vm2 =	vmneg vm2;
	vm3 =	vmneg vm3  }
0x20b: {  	v19 =	vcvt.f32.s32 v28;
	vm5 =	vmneg vm5;
	vm4 =	vmneg vm4  }
.Ltmp6:
0x20c: {  	v23 =	vcvt.f32.s32 v30;
	v29 =	vcvt.f32.s32 v31;
	v21 =	vsel vm0, $0xFFFFFFFF, v1;
	(pc) =	sbr.rel @p0 .LBB2_14-.Ltmp6, $4  }
0x20d: {  	v30 =	vsel vm1, $0xFFFFFFFF, v1;
	v31 =	vcvt.f32.s32 v32;
	v25 =	vcvt.f32.s32 v22  }
0x20e: {  	v32 =	vsel vm3, $0xFFFFFFFF, v1;
	v26 =	vcvt.f32.s32 v24;
	v22 =	vsel vm2, $0xFFFFFFFF, v1  }
0x20f: {  	v27 =	vsel vm5, $0xFFFFFFFF, v1;
	v24 =	vadd.s32 v19, v21;
	v28 =	vsel vm4, $0xFFFFFFFF, v1  }
0x210: {  	s12 =	sadd.s32 $0x70, s12;
	v23 =	vadd.s32 v23, v30;
	v22 =	vadd.s32 v29, v22;
	v21 =	vadd.s32 v31, v32  }
0x211: {  	v19 =	vadd.s32 $0xFFFFFFFF, v20  }
0x212: {  	vm0 =	vlt.s32 v24, v19  }
0x213: {  	v52 =	vadd.s32 v25, v28;
	v14 =	vadd.s32 $0xFFFFFFFF, v14;
	v19 =	vsel vm0, v24, v19  }
0x214: {  	v53 =	vadd.s32 v26, v27;
	vm0 =	vlt.s32 v23, v14;
	vm1 =	vgt.s32 v19, $0x0  }
0x215: {  	v15 =	vadd.s32 $0xFFFFFFFF, v15;
	v14 =	vsel vm0, v23, v14;
	v19 =	vnsel vm1, $0x0, v19  }
0x216: {  	vm0 =	vlt.s32 v22, v15;
	vm1 =	vgt.s32 v14, $0x0;
	v12 =	vadd.s32 v12, v19  }
0x217: {  	v16 =	vadd.s32 $0xFFFFFFFF, v16;
	v15 =	vsel vm0, v22, v15;
	v14 =	vnsel vm1, $0x0, v14;
	[tilespmem:s3+$0xFFFFFFA0] =	vst v12  }
0x218: {  	vm0 =	vlt.s32 v21, v16;
	vm1 =	vgt.s32 v15, $0x0;
	v54 =	vadd.s32 v13, v14;
	[tilespmem:s10+$0xFFFFFFA0] =	vst v11  }
0x219: {  	v55 =	vsel vm0, v21, v16;
	v56 =	vnsel vm1, $0x0, v15;
	v11 =	vadd.s32 $0xFFFFFFFF, v17;
	[tilespmem:s3+$0xFFFFFFB0] =	vst v54  }
0x21a: {  	vm1 =	vgt.s32 v55, $0x0;
	v10 =	vadd.s32 v10, v56;
	vm0 =	vlt.s32 v52, v11;
	[tilespmem:s10+$0xFFFFFFB0] =	vst v6  }
0x21b: {  	v57 =	vnsel vm1, $0x0, v55;
	v6 =	vadd.s32 $0xFFFFFFFF, v18;
	[tilespmem:s3+$0xFFFFFFC0] =	vst v10;
	v11 =	vsel vm0, v52, v11  }
0x21c: {  	v8 =	vadd.s32 v8, v57;
	vm0 =	vlt.s32 v53, v6;
	[tilespmem:s10+$0xFFFFFFC0] =	vst v4;
	vm1 =	vgt.s32 v11, $0x0  }
0x21d: {  	[tilespmem:s3+$0xFFFFFFD0] =	vst v8;
	v4 =	vsel vm0, v53, v6;
	v6 =	vnsel vm1, $0x0, v11  }
0x21e: {  	[tilespmem:s10+$0xFFFFFFD0] =	vst v3;
	vm0 =	vgt.s32 v4, $0x0;
	v6 =	vadd.s32 v7, v6  }
0x21f: {  	v3 =	vnsel vm0, $0x0, v4;
	[tilespmem:s3+$0xFFFFFFE0] =	vst v6  }
0x220: {  	v3 =	vadd.s32 v9, v3;
	[tilespmem:s10+$0xFFFFFFE0] =	vst v2  }
0x221: {  	[tilespmem:s3+$0xFFFFFFF0] =	vst v3  }
0x222: {  	[tilespmem:s10+$0xFFFFFFF0] =	vst v5  }
0x223: {  	[tilespmem:s25], [sflag:$0x5] =	stream.indirect.gather [hbm4b:s1+s21], $0x1, s24, s21, $0xb8;
	[tilespmem:$0x1D200] =	vst v63  }
0x224: {  	_ =	swait.ge [sflag:s26], $0x620  }
0x225: {  	[sflag:s26] =	ssyncset.done $0x0  }
0x226: {  	[sflag:s26] =	ssyncadd.s32 $0xFFFFF9E0  }
0x227: {  	_ =	swait.ge [sflag:s31], $0xC40  }
0x228: {  	[sflag:s31] =	ssyncset.done $0x0  }
0x229: {  	s11 =	simm.s32 $0x1C5B0;
	[sflag:s31] =	ssyncadd.s32 $0xFFFFF3C0  }
0x22a: {  	s0 =	simm.s32 $0x1A030;
	v4 =	vld [tilespmem:s11+$0x30]  }
0x22b: {  	s3 =	simm.s32 $0x18730;
	v3 =	vld [tilespmem:s0+$0x30]  }
0x22c: {  	v5 =	vld [tilespmem:s3+$0x30]  }
0x22d: {  	v6 =	vld [tilespmem:s0+$0xFFFFFFD0]  }
0x22e: {  	v7 =	vld [tilespmem:s0+$0xFFFFFFE0]  }
0x22f: {  	v8 =	vld [tilespmem:s0+$0xFFFFFFF0]  }
0x230: {  	v9 =	vld [tilespmem:s0+$0x0]  }
0x231: {  	v10 =	vld [tilespmem:s0+$0x10]  }
0x232: {  	v11 =	vld [tilespmem:s0+$0x20]  }
0x233: {  	v2 =	vld [tilespmem:s3+$0xFFFFFFD0]  }
0x234: {  	v58 =	vld [tilespmem:s11+$0xFFFFFFE0]  }
0x235: {  	v59 =	vld [tilespmem:s3+$0xFFFFFFE0]  }
0x236: {  	v60 =	vld [tilespmem:s11+$0xFFFFFFF0]  }
0x237: {  	v61 =	vld [tilespmem:s3+$0xFFFFFFF0]  }
0x238: {  	v62 =	vld [tilespmem:s11+$0x0]  }
0x239: {  	v63 =	vld [tilespmem:s3+$0x0]  }
0x23a: {  	vm0 =	vgt.s32 v3, $0x0;
	v3 =	vld [tilespmem:s11+$0x10]  }
0x23b: {  	v4 =	vsel vm0, v4, v5;
	vm0 =	vgt.s32 v7, $0x0;
	v5 =	vld [tilespmem:s3+$0x10]  }
0x23c: {  	vm1 =	vgt.s32 v8, $0x0;
	[tilespmem:s3+$0x30] =	vst v4;
	v7 =	vsel vm0, v58, v59;
	v4 =	vld [tilespmem:s11+$0x20]  }
0x23d: {  	vm3 =	vgt.s32 v9, $0x0;
	vm0 =	vgt.s32 v6, $0x0;
	v6 =	vld [tilespmem:s3+$0x20];
	[tilespmem:s3+$0xFFFFFFE0] =	vst v7;
	v7 =	vsel vm1, v60, v61  }
0x23e: {  	s12 =	simm.s32 $0x1C620;
	s10 =	simm.s32 $0x0;
	vm2 =	vgt.s32 v10, $0x0;
	v8 =	vsel vm3, v62, v63;
	vm1 =	vgt.s32 v11, $0x0;
	[tilespmem:s3+$0xFFFFFFF0] =	vst v7;
	v7 =	vld [tilespmem:s11+$0xFFFFFFD0];
	s11 =	simm.s32 $0x18730  }
.LBB2_16:
0x23f: {  	v9 =	vld [tilespmem:s12+$0x30];
	[tilespmem:s3+$0x0] =	vst v8;
	s0 =	sadd.s32 $0x70, s0  }
0x240: {  	s10 =	sadd.s32 $0x7, s10;
	s3 =	sadd.s32 $0x70, s3;
	v8 =	vld [tilespmem:s0+$0x30];
	v3 =	vsel vm2, v3, v5  }
0x241: {  	p0 =	slt.u32 s10, $0x5B;
	v5 =	vld [tilespmem:s3+$0x30];
	[tilespmem:s11+$0x10] =	vst v3  }
0x242: {  	v3 =	vld [tilespmem:s0+$0xFFFFFFD0];
	v4 =	vsel vm1, v4, v6  }
0x243: {  	v6 =	vld [tilespmem:s0+$0xFFFFFFE0];
	v2 =	vsel vm0, v7, v2;
	[tilespmem:s11+$0x20] =	vst v4  }
0x244: {  	v4 =	vld [tilespmem:s0+$0xFFFFFFF0];
	[tilespmem:s11+$0xFFFFFFD0] =	vst v2;
	s11 =	smov.u32 s3  }
0x245: {  	v7 =	vld [tilespmem:s0+$0x0];
	vm0 =	vgt.s32 v8, $0x0  }
0x246: {  	v8 =	vld [tilespmem:s0+$0x10];
	v2 =	vsel vm0, v9, v5  }
0x247: {  	vm0 =	vgt.s32 v3, $0x0;
	v3 =	vld [tilespmem:s0+$0x20];
	[tilespmem:s3+$0x30] =	vst v2  }
0x248: {  	v2 =	vld [tilespmem:s3+$0xFFFFFFD0];
	vm3 =	vgt.s32 v6, $0x0  }
0x249: {  	v5 =	vld [tilespmem:s12+$0xFFFFFFE0];
	vm4 =	vgt.s32 v4, $0x0  }
0x24a: {  	v4 =	vld [tilespmem:s3+$0xFFFFFFE0];
	vm5 =	vgt.s32 v7, $0x0  }
0x24b: {  	v6 =	vld [tilespmem:s12+$0xFFFFFFF0];
	vm2 =	vgt.s32 v8, $0x0  }
0x24c: {  	v7 =	vld [tilespmem:s3+$0xFFFFFFF0];
	vm1 =	vgt.s32 v3, $0x0  }
0x24d: {  	v8 =	vld [tilespmem:s12+$0x0]  }
0x24e: {  	v9 =	vld [tilespmem:s3+$0x0]  }
.Ltmp7:
0x24f: {  	v4 =	vsel vm3, v5, v4;
	v3 =	vld [tilespmem:s12+$0x10];
	(pc) =	sbr.rel @p0 .LBB2_16-.Ltmp7, $4  }
0x250: {  	[tilespmem:s3+$0xFFFFFFE0] =	vst v4;
	v5 =	vld [tilespmem:s3+$0x10]  }
0x251: {  	v6 =	vsel vm4, v6, v7;
	v4 =	vld [tilespmem:s12+$0x20]  }
0x252: {  	[tilespmem:s3+$0xFFFFFFF0] =	vst v6;
	v6 =	vld [tilespmem:s3+$0x20]  }
0x253: {  	v7 =	vld [tilespmem:s12+$0xFFFFFFD0];
	v8 =	vsel vm5, v8, v9;
	s12 =	sadd.s32 $0x70, s12  }
0x254: {  	_ =	sdelay $0x1  }
0x255: {  	[tilespmem:s3+$0x0] =	vst v8;
	v3 =	vsel vm2, v3, v5  }
0x256: {  	[tilespmem:s11+$0x10] =	vst v3;
	v3 =	vsel vm1, v4, v6  }
0x257: {  	v2 =	vsel vm0, v7, v2;
	[tilespmem:s11+$0x20] =	vst v3  }
0x258: {  	[tilespmem:s11+$0xFFFFFFD0] =	vst v2  }
0x259: {  	_ =	swait.ge [sflag:s28], $0x620  }
0x25a: {  	[sflag:s28] =	ssyncset.done $0x0  }
0x25b: {  	s10 =	simm.s32 $0x1CC00;
	[sflag:s28] =	ssyncadd.s32 $0xFFFFF9E0  }
0x25c: {  	s0 =	simm.s32 $0x1A680;
	v4 =	vld [tilespmem:s10+$0x0]  }
0x25d: {  	s3 =	simm.s32 $0x18D80;
	v3 =	vld [tilespmem:s0+$0x0]  }
0x25e: {  	v5 =	vld [tilespmem:s3+$0x0]  }
0x25f: {  	v6 =	vld [tilespmem:s0+$0xFFFFFFA0]  }
0x260: {  	v7 =	vld [tilespmem:s0+$0xFFFFFFB0]  }
0x261: {  	v8 =	vld [tilespmem:s0+$0xFFFFFFC0]  }
0x262: {  	v9 =	vld [tilespmem:s0+$0xFFFFFFD0]  }
0x263: {  	v10 =	vld [tilespmem:s0+$0xFFFFFFE0]  }
0x264: {  	v11 =	vld [tilespmem:s0+$0xFFFFFFF0]  }
0x265: {  	v2 =	vld [tilespmem:s3+$0xFFFFFFA0]  }
0x266: {  	v12 =	vld [tilespmem:s10+$0xFFFFFFB0]  }
0x267: {  	v13 =	vld [tilespmem:s3+$0xFFFFFFB0]  }
0x268: {  	v14 =	vld [tilespmem:s10+$0xFFFFFFC0]  }
0x269: {  	v15 =	vld [tilespmem:s3+$0xFFFFFFC0]  }
0x26a: {  	v16 =	vld [tilespmem:s10+$0xFFFFFFD0]  }
0x26b: {  	v17 =	vld [tilespmem:s3+$0xFFFFFFD0]  }
0x26c: {  	vm0 =	vgt.s32 v3, $0x0;
	v3 =	vld [tilespmem:s10+$0xFFFFFFE0]  }
0x26d: {  	v4 =	vsel vm0, v4, v5;
	vm0 =	vgt.s32 v7, $0x0;
	v5 =	vld [tilespmem:s3+$0xFFFFFFE0]  }
0x26e: {  	vm1 =	vgt.s32 v8, $0x0;
	[tilespmem:s3+$0x0] =	vst v4;
	v7 =	vsel vm0, v12, v13;
	v4 =	vld [tilespmem:s10+$0xFFFFFFF0]  }
0x26f: {  	vm3 =	vgt.s32 v9, $0x0;
	vm0 =	vgt.s32 v6, $0x0;
	v6 =	vld [tilespmem:s3+$0xFFFFFFF0];
	[tilespmem:s3+$0xFFFFFFB0] =	vst v7;
	v7 =	vsel vm1, v14, v15  }
0x270: {  	s12 =	simm.s32 $0x1CC70;
	s11 =	simm.s32 $0x62;
	vm2 =	vgt.s32 v10, $0x0;
	v8 =	vsel vm3, v16, v17;
	vm1 =	vgt.s32 v11, $0x0;
	[tilespmem:s3+$0xFFFFFFC0] =	vst v7;
	v7 =	vld [tilespmem:s10+$0xFFFFFFA0];
	s10 =	simm.s32 $0x18D80  }
.LBB2_18:
0x271: {  	v9 =	vld [tilespmem:s12+$0x0];
	[tilespmem:s3+$0xFFFFFFD0] =	vst v8;
	s0 =	sadd.s32 $0x70, s0  }
0x272: {  	s11 =	sadd.s32 $0x7, s11;
	s3 =	sadd.s32 $0x70, s3;
	v8 =	vld [tilespmem:s0+$0x0];
	v3 =	vsel vm2, v3, v5  }
0x273: {  	p0 =	slt.u32 s11, $0xBD;
	v5 =	vld [tilespmem:s3+$0x0];
	[tilespmem:s10+$0xFFFFFFE0] =	vst v3  }
0x274: {  	v3 =	vld [tilespmem:s0+$0xFFFFFFA0];
	v4 =	vsel vm1, v4, v6  }
0x275: {  	v6 =	vld [tilespmem:s0+$0xFFFFFFB0];
	v2 =	vsel vm0, v7, v2;
	[tilespmem:s10+$0xFFFFFFF0] =	vst v4  }
0x276: {  	v4 =	vld [tilespmem:s0+$0xFFFFFFC0];
	[tilespmem:s10+$0xFFFFFFA0] =	vst v2;
	s10 =	smov.u32 s3  }
0x277: {  	v7 =	vld [tilespmem:s0+$0xFFFFFFD0];
	vm0 =	vgt.s32 v8, $0x0  }
0x278: {  	v8 =	vld [tilespmem:s0+$0xFFFFFFE0];
	v2 =	vsel vm0, v9, v5  }
0x279: {  	vm0 =	vgt.s32 v3, $0x0;
	v3 =	vld [tilespmem:s0+$0xFFFFFFF0];
	[tilespmem:s3+$0x0] =	vst v2  }
0x27a: {  	v2 =	vld [tilespmem:s3+$0xFFFFFFA0];
	vm3 =	vgt.s32 v6, $0x0  }
0x27b: {  	v5 =	vld [tilespmem:s12+$0xFFFFFFB0];
	vm4 =	vgt.s32 v4, $0x0  }
0x27c: {  	v4 =	vld [tilespmem:s3+$0xFFFFFFB0];
	vm5 =	vgt.s32 v7, $0x0  }
0x27d: {  	v6 =	vld [tilespmem:s12+$0xFFFFFFC0];
	vm2 =	vgt.s32 v8, $0x0  }
0x27e: {  	v7 =	vld [tilespmem:s3+$0xFFFFFFC0];
	vm1 =	vgt.s32 v3, $0x0  }
0x27f: {  	v8 =	vld [tilespmem:s12+$0xFFFFFFD0]  }
0x280: {  	v9 =	vld [tilespmem:s3+$0xFFFFFFD0]  }
.Ltmp8:
0x281: {  	v4 =	vsel vm3, v5, v4;
	v3 =	vld [tilespmem:s12+$0xFFFFFFE0];
	(pc) =	sbr.rel @p0 .LBB2_18-.Ltmp8, $4  }
0x282: {  	[tilespmem:s3+$0xFFFFFFB0] =	vst v4;
	v5 =	vld [tilespmem:s3+$0xFFFFFFE0]  }
0x283: {  	v6 =	vsel vm4, v6, v7;
	v4 =	vld [tilespmem:s12+$0xFFFFFFF0]  }
0x284: {  	[tilespmem:s3+$0xFFFFFFC0] =	vst v6;
	v6 =	vld [tilespmem:s3+$0xFFFFFFF0]  }
0x285: {  	v7 =	vld [tilespmem:s12+$0xFFFFFFA0];
	v8 =	vsel vm5, v8, v9;
	s12 =	sadd.s32 $0x70, s12  }
0x286: {  	_ =	sdelay $0x1  }
0x287: {  	[tilespmem:s3+$0xFFFFFFD0] =	vst v8;
	v3 =	vsel vm2, v3, v5  }
0x288: {  	[tilespmem:s10+$0xFFFFFFE0] =	vst v3;
	v3 =	vsel vm1, v4, v6  }
0x289: {  	v2 =	vsel vm0, v7, v2;
	[tilespmem:s10+$0xFFFFFFF0] =	vst v3  }
0x28a: {  	[tilespmem:s10+$0xFFFFFFA0] =	vst v2  }
0x28b: {  	s0 =	rddreg [dreg:$0x8]  }
0x28c: {  	[hbm4b:s0+s4] =	stream.linear.scatter [tilespmem:s29], [sflag:$0x6], $0xC40, $0x38;
	[tilespmem:$0x1D200] =	vst v63  }
0x28d: {  	s0 =	simm.s32 $0x1  }
.LBB2_20:
0x28e: {  	s17 =	smul.u32 $0x30D40, s0;
	_ =	sdelay $0x1  }
0x28f: {  	s3 =	sadd.s32 s17, s8  }
0x290: {  	s3 =	sshrl.u32 s3, $0x3  }
0x291: {  	s10 =	sadd.s32 s5, s3  }
0x292: {  	[tilespmem:s19], [sflag:$0x3] =	stream.linear.gather [hbm4b:s10+s4], $0xC40, $0x38;
	[tilespmem:$0x1D200] =	vst v63  }
0x293: {  	_ =	swait.ge [sflag:s20], $0xC40  }
0x294: {  	[sflag:s20] =	ssyncset.done $0x0  }
0x295: {  	s14 =	simm.s32 $0x18730;
	[sflag:s20] =	ssyncadd.s32 $0xFFFFF3C0  }
0x296: {  	v19 =	vld [tilespmem:s14+$0x30]  }
0x297: {  	v5 =	vld [tilespmem:s14+$0xFFFFFFE0]  }
0x298: {  	v7 =	vld [tilespmem:s14+$0xFFFFFFF0]  }
0x299: {  	v8 =	vld [tilespmem:s14+$0x0]  }
0x29a: {  	v11 =	vld [tilespmem:s14+$0xFFFFFFD0]  }
0x29b: {  	v9 =	vld [tilespmem:s14+$0x10]  }
0x29c: {  	s10 =	simm.s32 $0x1ACB0;
	v14 =	vld [tilespmem:s14+$0x20]  }
0x29d: {  	v17 =	vld [tilespmem:s10+$0x30]  }
0x29e: {  	v21 =	vld.idx.msk [tilespmem:v19+s4+$0x0], $0xffff  }
0x29f: {  	v6 =	vld.idx.msk [tilespmem:v5+s4+$0x0], $0xffff  }
0x2a0: {  	v4 =	vld.idx.msk [tilespmem:v7+s4+$0x0], $0xffff  }
0x2a1: {  	v3 =	vld.idx.msk [tilespmem:v8+s4+$0x0], $0xffff  }
0x2a2: {  	v12 =	vshll.u32 v11, $0x4;
	v11 =	vld.idx.msk [tilespmem:v11+s4+$0x0], $0xffff  }
0x2a3: {  	v23 =	vld [tilespmem:s10+$0xFFFFFFD0]  }
0x2a4: {  	v25 =	vld [tilespmem:s10+$0xFFFFFFE0];
	v13 =	vshll.u32 v5, $0x4;
	v10 =	vshll.u32 v7, $0x4  }
0x2a5: {  	v2 =	vld.idx.msk [tilespmem:v9+s4+$0x0], $0xffff;
	v8 =	vshll.u32 v8, $0x4;
	v7 =	vshll.u32 v9, $0x4;
	v9 =	vshll.u32 v14, $0x4  }
0x2a6: {  	v26 =	vld [tilespmem:s10+$0xFFFFFFF0];
	v19 =	vshll.u32 v19, $0x4;
	vm0 =	vgt.s32 v21, $0x1;
	vm1 =	vgt.s32 v6, $0x1  }
0x2a7: {  	v5 =	vld.idx.msk [tilespmem:v14+s4+$0x0], $0xffff;
	vm6 =	vgt.s32 v4, $0x1;
	vm7 =	vgt.s32 v3, $0x1;
	vm9 =	vgt.s32 v11, $0x1  }
0x2a8: {  	v29 =	vld [tilespmem:s10+$0x0];
	v22 =	vnsel vm0, $0x1, v21;
	v14 =	vnsel vm1, $0x1, v6;
	v15 =	vnsel vm6, $0x1, v4  }
0x2a9: {  	v20 =	vnsel vm9, $0x1, v11;
	v18 =	vcvt.s32.f32 v22;
	v24 =	vcvt.s32.f32 v14  }
0x2aa: {  	v16 =	vnsel vm7, $0x1, v3;
	v27 =	vcvt.s32.f32 v15;
	v34 =	vcvt.s32.f32 v20  }
0x2ab: {  	v32 =	vld [tilespmem:s10+$0x10];
	vm8 =	vgt.s32 v2, $0x1;
	v28 =	vcvt.s32.f32 v16;
	v18 =	vmul.f32 v18, v17  }
0x2ac: {  	vm10 =	vgt.s32 v5, $0x1;
	v24 =	vmul.f32 v24, v25;
	v23 =	vmul.f32 v34, v23  }
0x2ad: {  	v17 =	vnsel vm8, $0x1, v2;
	v26 =	vmul.f32 v27, v26;
	v27 =	vmul.f32 v28, v29  }
0x2ae: {  	v22 =	vadd.s32 $0xFFFFFFFF, v22;
	v30 =	vcvt.s32.f32 v17;
	v31 =	vtrunc.f32 v18  }
0x2af: {  	v62 =	vtrunc.f32 v27;
	vm11 =	vgt.f32 v18, v31;
	v31 =	vcvt.f32.s32 v31  }
0x2b0: {  	v33 =	vld [tilespmem:s10+$0x20];
	v18 =	vnsel vm10, $0x1, v5;
	v28 =	vmul.f32 v30, v32;
	v30 =	vtrunc.f32 v24  }
0x2b1: {  	vm3 =	vgt.f32 v27, v62;
	v32 =	vcvt.f32.s32 v62;
	vm12 =	vmneg vm11  }
0x2b2: {  	v35 =	vcvt.s32.f32 v18;
	vm15 =	vgt.f32 v24, v30;
	v36 =	vsel vm12, $0xFFFFFFFF, v1  }
0x2b3: {  	vm3 =	vmneg vm3;
	vm1 =	vmneg vm15;
	v25 =	vadd.s32 v31, v36  }
0x2b4: {  	v63 =	vsel vm3, $0xFFFFFFFF, v1;
	v31 =	vtrunc.f32 v26;
	vm13 =	vlt.s32 v25, v22  }
0x2b5: {  	v29 =	vmul.f32 v35, v33;
	vm2 =	vgt.f32 v26, v31;
	v22 =	vsel vm13, v25, v22  }
0x2b6: {  	v25 =	vtrunc.f32 v23;
	vm2 =	vmneg vm2;
	vm0 =	vgt.s32 v22, $0x0  }
0x2b7: {  	vm14 =	vgt.f32 v23, v25;
	v23 =	vtrunc.f32 v29;
	v24 =	vcvt.f32.s32 v25  }
0x2b8: {  	v22 =	vnsel vm0, $0x0, v22;
	vm0 =	vmneg vm14;
	vm5 =	vgt.f32 v29, v23  }
0x2b9: {  	v29 =	vcvt.f32.s32 v30;
	v30 =	vcvt.f32.s32 v31;
	v31 =	vsel vm1, $0xFFFFFFFF, v1  }
0x2ba: {  	v26 =	vcvt.f32.s32 v23;
	v19 =	vadd.s32 v19, v22;
	v22 =	vtrunc.f32 v28  }
0x2bb: {  	vm5 =	vmneg vm5;
	v27 =	vsel vm0, $0xFFFFFFFF, v1;
	vm4 =	vgt.f32 v28, v22  }
0x2bc: {  	s11 =	simm.s32 $0x193B0;
	v25 =	vcvt.f32.s32 v22;
	v22 =	vsel vm2, $0xFFFFFFFF, v1;
	v24 =	vadd.s32 v24, v27  }
0x2bd: {  	s12 =	simm.s32 $0x1A030;
	[tilespmem:s11+$0x30] =	vst v19;
	v27 =	vsel vm5, $0xFFFFFFFF, v1;
	v23 =	vadd.s32 v29, v31;
	vm4 =	vmneg vm4  }
0x2be: {  	s13 =	simm.s32 $0x0;
	s14 =	simm.s32 $0x187A0;
	[tilespmem:s12+$0x30] =	vst v21;
	v22 =	vadd.s32 v30, v22;
	v21 =	vadd.s32 v32, v63;
	v28 =	vsel vm4, $0xFFFFFFFF, v1  }
.LBB2_21:
0x2bf: {  	v19 =	vld [tilespmem:s14+$0x30];
	v20 =	vadd.s32 $0xFFFFFFFF, v20;
	v25 =	vadd.s32 v25, v28;
	v26 =	vadd.s32 v26, v27  }
0x2c0: {  	s13 =	sadd.s32 $0x7, s13;
	v14 =	vadd.s32 $0xFFFFFFFF, v14;
	v15 =	vadd.s32 $0xFFFFFFFF, v15;
	v16 =	vadd.s32 $0xFFFFFFFF, v16;
	v27 =	vld [tilespmem:s14+$0xFFFFFFE0]  }
0x2c1: {  	v17 =	vadd.s32 $0xFFFFFFFF, v17;
	v18 =	vadd.s32 $0xFFFFFFFF, v18;
	p0 =	slt.u32 s13, $0x5B;
	vm0 =	vlt.s32 v24, v20;
	v28 =	vld [tilespmem:s14+$0xFFFFFFF0]  }
0x2c2: {  	vm1 =	vlt.s32 v23, v14;
	vm2 =	vlt.s32 v22, v15;
	vm3 =	vlt.s32 v21, v16;
	v29 =	vld [tilespmem:s14+$0x0]  }
0x2c3: {  	vm4 =	vlt.s32 v26, v18;
	v20 =	vsel vm0, v24, v20;
	vm0 =	vlt.s32 v25, v17;
	v30 =	vld [tilespmem:s14+$0x10]  }
0x2c4: {  	v14 =	vsel vm1, v23, v14;
	v15 =	vsel vm2, v22, v15;
	v16 =	vsel vm3, v21, v16;
	v24 =	vld [tilespmem:s14+$0x20]  }
0x2c5: {  	v18 =	vsel vm4, v26, v18;
	vm1 =	vgt.s32 v20, $0x0;
	v17 =	vsel vm0, v25, v17;
	v22 =	vld [tilespmem:s14+$0xFFFFFFD0]  }
0x2c6: {  	vm0 =	vgt.s32 v14, $0x0;
	vm2 =	vgt.s32 v15, $0x0;
	vm3 =	vgt.s32 v16, $0x0  }
0x2c7: {  	vm4 =	vgt.s32 v18, $0x0;
	v20 =	vnsel vm1, $0x0, v20;
	vm1 =	vgt.s32 v17, $0x0;
	v21 =	vld.idx.msk [tilespmem:v19+s4+$0x0], $0xffff  }
0x2c8: {  	v14 =	vnsel vm0, $0x0, v14;
	v15 =	vnsel vm2, $0x0, v15;
	v16 =	vnsel vm3, $0x0, v16;
	v23 =	vld.idx.msk [tilespmem:v27+s4+$0x0], $0xffff  }
0x2c9: {  	v18 =	vnsel vm4, $0x0, v18;
	v17 =	vnsel vm1, $0x0, v17;
	v25 =	vshll.u32 v27, $0x4;
	v26 =	vld.idx.msk [tilespmem:v28+s4+$0x0], $0xffff  }
0x2ca: {  	v28 =	vshll.u32 v28, $0x4;
	v27 =	vshll.u32 v22, $0x4;
	v31 =	vld.idx.msk [tilespmem:v29+s4+$0x0], $0xffff;
	v29 =	vshll.u32 v29, $0x4  }
0x2cb: {  	s10 =	sadd.s32 $0x70, s10;
	v20 =	vadd.s32 v12, v20;
	v33 =	vshll.u32 v24, $0x4;
	v32 =	vld.idx.msk [tilespmem:v30+s4+$0x0], $0xffff;
	v30 =	vshll.u32 v30, $0x4;
	v12 =	vmovc v27  }
0x2cc: {  	v14 =	vadd.s32 v13, v14;
	v34 =	vadd.s32 v8, v16;
	v27 =	vld [tilespmem:s10+$0x30];
	[tilespmem:s11+$0xFFFFFFD0] =	vst v20;
	v20 =	vadd.s32 v10, v15  }
0x2cd: {  	v35 =	vadd.s32 v9, v18;
	vm0 =	vgt.s32 v21, $0x1;
	[tilespmem:s12+$0xFFFFFFD0] =	vst v11;
	v11 =	vld.idx.msk [tilespmem:v22+s4+$0x0], $0xffff;
	v22 =	vadd.s32 v7, v17  }
0x2ce: {  	v13 =	vmovc v25;
	v8 =	vmovc v29;
	v10 =	vmov v28;
	vm1 =	vgt.s32 v23, $0x1;
	v36 =	vnsel vm0, $0x1, v21;
	v24 =	vld.idx.msk [tilespmem:v24+s4+$0x0], $0xffff;
	[tilespmem:s11+$0xFFFFFFE0] =	vst v14  }
0x2cf: {  	v7 =	vmovc v30;
	v14 =	vnsel vm1, $0x1, v23;
	vm0 =	vgt.s32 v26, $0x1;
	v17 =	vcvt.s32.f32 v36;
	v25 =	vld [tilespmem:s10+$0xFFFFFFD0];
	[tilespmem:s12+$0xFFFFFFE0] =	vst v6;
	v6 =	vmovc v23  }
0x2d0: {  	v9 =	vmovc v33;
	v23 =	vcvt.s32.f32 v14;
	v15 =	vnsel vm0, $0x1, v26;
	vm0 =	vgt.s32 v31, $0x1;
	v28 =	vld [tilespmem:s10+$0xFFFFFFE0];
	[tilespmem:s11+$0xFFFFFFF0] =	vst v20  }
0x2d1: {  	v16 =	vnsel vm0, $0x1, v31;
	vm0 =	vgt.s32 v32, $0x1;
	v29 =	vld [tilespmem:s10+$0xFFFFFFF0];
	v18 =	vmul.f32 v17, v27;
	[tilespmem:s12+$0xFFFFFFF0] =	vst v4;
	v4 =	vmovc v26  }
0x2d2: {  	v26 =	vcvt.s32.f32 v15;
	v27 =	vcvt.s32.f32 v16;
	v17 =	vnsel vm0, $0x1, v32;
	v30 =	vld [tilespmem:s10+$0x0];
	[tilespmem:s11+$0x0] =	vst v34  }
0x2d3: {  	vm0 =	vgt.s32 v11, $0x1;
	v33 =	vcvt.s32.f32 v17;
	v34 =	vld [tilespmem:s10+$0x10];
	v37 =	vtrunc.f32 v18;
	[tilespmem:s12+$0x0] =	vst v3;
	v3 =	vmovc v31  }
0x2d4: {  	v20 =	vnsel vm0, $0x1, v11;
	vm0 =	vgt.s32 v24, $0x1;
	v31 =	vld [tilespmem:s10+$0x20];
	vm1 =	vgt.f32 v18, v37;
	[tilespmem:s11+$0x10] =	vst v22  }
0x2d5: {  	v18 =	vnsel vm0, $0x1, v24;
	v22 =	vcvt.f32.s32 v37;
	vm0 =	vmneg vm1;
	[tilespmem:s12+$0x10] =	vst v2;
	v2 =	vmovc v32  }
0x2d6: {  	v32 =	vcvt.s32.f32 v20;
	v37 =	vcvt.s32.f32 v18;
	v38 =	vsel vm0, $0xFFFFFFFF, v1;
	[tilespmem:s11+$0x20] =	vst v35  }
0x2d7: {  	v23 =	vmul.f32 v23, v28;
	v28 =	vadd.s32 $0xFFFFFFFF, v36;
	v22 =	vadd.s32 v22, v38;
	[tilespmem:s12+$0x20] =	vst v5;
	v5 =	vmovc v24  }
0x2d8: {  	v24 =	vmul.f32 v32, v25;
	v25 =	vmul.f32 v26, v29;
	vm0 =	vlt.s32 v22, v28  }
0x2d9: {  	v26 =	vmul.f32 v27, v30;
	v27 =	vmul.f32 v33, v34;
	v22 =	vsel vm0, v22, v28  }
0x2da: {  	v28 =	vtrunc.f32 v24;
	v29 =	vmul.f32 v37, v31;
	vm0 =	vgt.s32 v22, $0x0  }
0x2db: {  	v19 =	vshll.u32 v19, $0x4;
	v30 =	vtrunc.f32 v23;
	v22 =	vnsel vm0, $0x0, v22  }
0x2dc: {  	s11 =	sadd.s32 $0x70, s11;
	v31 =	vtrunc.f32 v25;
	v32 =	vtrunc.f32 v26;
	v19 =	vadd.s32 v19, v22  }
0x2dd: {  	s12 =	sadd.s32 $0x70, s12;
	vm0 =	vgt.f32 v24, v28;
	v24 =	vtrunc.f32 v29;
	v22 =	vtrunc.f32 v27;
	[tilespmem:s11+$0x30] =	vst v19  }
0x2de: {  	vm1 =	vgt.f32 v23, v30;
	vm2 =	vgt.f32 v25, v31;
	vm3 =	vgt.f32 v26, v32;
	[tilespmem:s12+$0x30] =	vst v21  }
0x2df: {  	vm0 =	vmneg vm0;
	vm5 =	vgt.f32 v29, v24;
	vm4 =	vgt.f32 v27, v22  }
0x2e0: {  	vm1 =	vmneg vm1;
	vm2 =	vmneg vm2;
	vm3 =	vmneg vm3  }
0x2e1: {  	v19 =	vcvt.f32.s32 v28;
	vm5 =	vmneg vm5;
	vm4 =	vmneg vm4  }
.Ltmp9:
0x2e2: {  	v23 =	vcvt.f32.s32 v30;
	v29 =	vcvt.f32.s32 v31;
	v21 =	vsel vm0, $0xFFFFFFFF, v1;
	(pc) =	sbr.rel @p0 .LBB2_21-.Ltmp9, $4  }
0x2e3: {  	v30 =	vsel vm1, $0xFFFFFFFF, v1;
	v31 =	vcvt.f32.s32 v32;
	v25 =	vcvt.f32.s32 v22  }
0x2e4: {  	v32 =	vsel vm3, $0xFFFFFFFF, v1;
	v26 =	vcvt.f32.s32 v24;
	v22 =	vsel vm2, $0xFFFFFFFF, v1  }
0x2e5: {  	v27 =	vsel vm5, $0xFFFFFFFF, v1;
	v24 =	vadd.s32 v19, v21;
	v28 =	vsel vm4, $0xFFFFFFFF, v1  }
0x2e6: {  	s14 =	sadd.s32 $0x70, s14;
	v23 =	vadd.s32 v23, v30;
	v22 =	vadd.s32 v29, v22;
	v21 =	vadd.s32 v31, v32  }
0x2e7: {  	v19 =	vadd.s32 $0xFFFFFFFF, v20  }
0x2e8: {  	vm0 =	vlt.s32 v24, v19  }
0x2e9: {  	v20 =	vadd.s32 v25, v28;
	v14 =	vadd.s32 $0xFFFFFFFF, v14;
	v19 =	vsel vm0, v24, v19  }
0x2ea: {  	v15 =	vadd.s32 $0xFFFFFFFF, v15;
	vm7 =	vlt.s32 v23, v14;
	vm1 =	vgt.s32 v19, $0x0  }
0x2eb: {  	v16 =	vadd.s32 $0xFFFFFFFF, v16;
	v14 =	vsel vm7, v23, v14;
	v19 =	vnsel vm1, $0x0, v19  }
0x2ec: {  	vm8 =	vlt.s32 v22, v15;
	vm9 =	vgt.s32 v14, $0x0;
	v12 =	vadd.s32 v12, v19  }
0x2ed: {  	vm10 =	vlt.s32 v21, v16;
	v15 =	vsel vm8, v22, v15;
	v14 =	vnsel vm9, $0x0, v14;
	[tilespmem:s11+$0xFFFFFFD0] =	vst v12  }
0x2ee: {  	v24 =	vadd.s32 v26, v27;
	vm11 =	vgt.s32 v15, $0x0;
	v12 =	vadd.s32 v13, v14;
	[tilespmem:s12+$0xFFFFFFD0] =	vst v11  }
0x2ef: {  	v13 =	vsel vm10, v21, v16;
	v14 =	vnsel vm11, $0x0, v15;
	v11 =	vadd.s32 $0xFFFFFFFF, v17;
	[tilespmem:s11+$0xFFFFFFE0] =	vst v12  }
0x2f0: {  	vm13 =	vgt.s32 v13, $0x0;
	v10 =	vadd.s32 v10, v14;
	vm12 =	vlt.s32 v20, v11;
	[tilespmem:s12+$0xFFFFFFE0] =	vst v6  }
0x2f1: {  	v6 =	vadd.s32 $0xFFFFFFFF, v18;
	v12 =	vnsel vm13, $0x0, v13;
	[tilespmem:s11+$0xFFFFFFF0] =	vst v10;
	v11 =	vsel vm12, v20, v11  }
0x2f2: {  	vm14 =	vlt.s32 v24, v6;
	v8 =	vadd.s32 v8, v12;
	[tilespmem:s12+$0xFFFFFFF0] =	vst v4;
	vm15 =	vgt.s32 v11, $0x0  }
0x2f3: {  	v4 =	vsel vm14, v24, v6;
	[tilespmem:s11+$0x0] =	vst v8;
	v6 =	vnsel vm15, $0x0, v11  }
0x2f4: {  	vm0 =	vgt.s32 v4, $0x0;
	[tilespmem:s12+$0x0] =	vst v3;
	v6 =	vadd.s32 v7, v6  }
0x2f5: {  	v3 =	vnsel vm0, $0x0, v4;
	[tilespmem:s11+$0x10] =	vst v6  }
0x2f6: {  	v3 =	vadd.s32 v9, v3;
	[tilespmem:s12+$0x10] =	vst v2  }
0x2f7: {  	[tilespmem:s11+$0x20] =	vst v3  }
0x2f8: {  	s10 =	simm.s32 $0x18D80;
	[tilespmem:s12+$0x20] =	vst v5  }
0x2f9: {  	[tilespmem:s23], [sflag:$0x4] =	stream.indirect.gather [hbm4b:s1+s21], $0x1, s22, s21, $0xb8;
	[tilespmem:$0x1D200] =	vst v63  }
0x2fa: {  	v19 =	vld [tilespmem:s10+$0x0]  }
0x2fb: {  	v5 =	vld [tilespmem:s10+$0xFFFFFFB0]  }
0x2fc: {  	v7 =	vld [tilespmem:s10+$0xFFFFFFC0]  }
0x2fd: {  	v8 =	vld [tilespmem:s10+$0xFFFFFFD0]  }
0x2fe: {  	v11 =	vld [tilespmem:s10+$0xFFFFFFA0]  }
0x2ff: {  	v9 =	vld [tilespmem:s10+$0xFFFFFFE0]  }
0x300: {  	v14 =	vld [tilespmem:s10+$0xFFFFFFF0];
	s10 =	simm.s32 $0x1B300  }
0x301: {  	v17 =	vld [tilespmem:s10+$0x0]  }
0x302: {  	v21 =	vld.idx.msk [tilespmem:v19+s4+$0x0], $0xffff  }
0x303: {  	v6 =	vld.idx.msk [tilespmem:v5+s4+$0x0], $0xffff  }
0x304: {  	v4 =	vld.idx.msk [tilespmem:v7+s4+$0x0], $0xffff  }
0x305: {  	v3 =	vld.idx.msk [tilespmem:v8+s4+$0x0], $0xffff  }
0x306: {  	v12 =	vshll.u32 v11, $0x4;
	v11 =	vld.idx.msk [tilespmem:v11+s4+$0x0], $0xffff  }
0x307: {  	v23 =	vld [tilespmem:s10+$0xFFFFFFA0]  }
0x308: {  	v25 =	vld [tilespmem:s10+$0xFFFFFFB0];
	v13 =	vshll.u32 v5, $0x4;
	v10 =	vshll.u32 v7, $0x4  }
0x309: {  	v2 =	vld.idx.msk [tilespmem:v9+s4+$0x0], $0xffff;
	v8 =	vshll.u32 v8, $0x4;
	v7 =	vshll.u32 v9, $0x4;
	v9 =	vshll.u32 v14, $0x4  }
0x30a: {  	v26 =	vld [tilespmem:s10+$0xFFFFFFC0];
	v19 =	vshll.u32 v19, $0x4;
	vm4 =	vgt.s32 v21, $0x1;
	vm5 =	vgt.s32 v6, $0x1  }
0x30b: {  	v5 =	vld.idx.msk [tilespmem:v14+s4+$0x0], $0xffff;
	vm6 =	vgt.s32 v4, $0x1;
	vm7 =	vgt.s32 v3, $0x1;
	vm9 =	vgt.s32 v11, $0x1  }
0x30c: {  	v29 =	vld [tilespmem:s10+$0xFFFFFFD0];
	v22 =	vnsel vm4, $0x1, v21;
	v14 =	vnsel vm5, $0x1, v6;
	v15 =	vnsel vm6, $0x1, v4  }
0x30d: {  	v20 =	vnsel vm9, $0x1, v11;
	v18 =	vcvt.s32.f32 v22;
	v24 =	vcvt.s32.f32 v14  }
0x30e: {  	v16 =	vnsel vm7, $0x1, v3;
	v27 =	vcvt.s32.f32 v15;
	v34 =	vcvt.s32.f32 v20  }
0x30f: {  	v32 =	vld [tilespmem:s10+$0xFFFFFFE0];
	vm8 =	vgt.s32 v2, $0x1;
	v28 =	vcvt.s32.f32 v16;
	v18 =	vmul.f32 v18, v17  }
0x310: {  	vm10 =	vgt.s32 v5, $0x1;
	v24 =	vmul.f32 v24, v25;
	v23 =	vmul.f32 v34, v23  }
0x311: {  	v17 =	vnsel vm8, $0x1, v2;
	v26 =	vmul.f32 v27, v26;
	v27 =	vmul.f32 v28, v29  }
0x312: {  	v22 =	vadd.s32 $0xFFFFFFFF, v22;
	v30 =	vcvt.s32.f32 v17;
	v31 =	vtrunc.f32 v18  }
0x313: {  	v62 =	vtrunc.f32 v27;
	vm11 =	vgt.f32 v18, v31;
	v31 =	vcvt.f32.s32 v31  }
0x314: {  	v33 =	vld [tilespmem:s10+$0xFFFFFFF0];
	v18 =	vnsel vm10, $0x1, v5;
	v28 =	vmul.f32 v30, v32;
	v30 =	vtrunc.f32 v24  }
0x315: {  	vm3 =	vgt.f32 v27, v62;
	v32 =	vcvt.f32.s32 v62;
	vm12 =	vmneg vm11  }
0x316: {  	v35 =	vcvt.s32.f32 v18;
	vm15 =	vgt.f32 v24, v30;
	v36 =	vsel vm12, $0xFFFFFFFF, v1  }
0x317: {  	vm3 =	vmneg vm3;
	vm1 =	vmneg vm15;
	v25 =	vadd.s32 v31, v36  }
0x318: {  	v63 =	vsel vm3, $0xFFFFFFFF, v1;
	v31 =	vtrunc.f32 v26;
	vm13 =	vlt.s32 v25, v22  }
0x319: {  	v29 =	vmul.f32 v35, v33;
	vm2 =	vgt.f32 v26, v31;
	v22 =	vsel vm13, v25, v22  }
0x31a: {  	v25 =	vtrunc.f32 v23;
	vm2 =	vmneg vm2;
	vm0 =	vgt.s32 v22, $0x0  }
0x31b: {  	vm14 =	vgt.f32 v23, v25;
	v23 =	vtrunc.f32 v29;
	v24 =	vcvt.f32.s32 v25  }
0x31c: {  	v22 =	vnsel vm0, $0x0, v22;
	vm0 =	vmneg vm14;
	vm5 =	vgt.f32 v29, v23  }
0x31d: {  	v29 =	vcvt.f32.s32 v30;
	v30 =	vcvt.f32.s32 v31;
	v31 =	vsel vm1, $0xFFFFFFFF, v1  }
0x31e: {  	v26 =	vcvt.f32.s32 v23;
	v19 =	vadd.s32 v19, v22;
	v22 =	vtrunc.f32 v28  }
0x31f: {  	vm5 =	vmneg vm5;
	v27 =	vsel vm0, $0xFFFFFFFF, v1;
	vm4 =	vgt.f32 v28, v22  }
0x320: {  	s11 =	simm.s32 $0x19A00;
	v25 =	vcvt.f32.s32 v22;
	v22 =	vsel vm2, $0xFFFFFFFF, v1;
	v24 =	vadd.s32 v24, v27  }
0x321: {  	s12 =	simm.s32 $0x1A680;
	[tilespmem:s11+$0x0] =	vst v19;
	v27 =	vsel vm5, $0xFFFFFFFF, v1;
	v23 =	vadd.s32 v29, v31;
	vm4 =	vmneg vm4  }
0x322: {  	s13 =	simm.s32 $0x62;
	s14 =	simm.s32 $0x18DF0;
	[tilespmem:s12+$0x0] =	vst v21;
	v22 =	vadd.s32 v30, v22;
	v21 =	vadd.s32 v32, v63;
	v28 =	vsel vm4, $0xFFFFFFFF, v1  }
.LBB2_23:
0x323: {  	v19 =	vld [tilespmem:s14+$0x0];
	v20 =	vadd.s32 $0xFFFFFFFF, v20;
	v25 =	vadd.s32 v25, v28;
	v26 =	vadd.s32 v26, v27  }
0x324: {  	s13 =	sadd.s32 $0x7, s13;
	v14 =	vadd.s32 $0xFFFFFFFF, v14;
	v15 =	vadd.s32 $0xFFFFFFFF, v15;
	v16 =	vadd.s32 $0xFFFFFFFF, v16;
	v27 =	vld [tilespmem:s14+$0xFFFFFFB0]  }
0x325: {  	v17 =	vadd.s32 $0xFFFFFFFF, v17;
	v18 =	vadd.s32 $0xFFFFFFFF, v18;
	p0 =	slt.u32 s13, $0xBD;
	vm0 =	vlt.s32 v24, v20;
	v28 =	vld [tilespmem:s14+$0xFFFFFFC0]  }
0x326: {  	vm1 =	vlt.s32 v23, v14;
	vm2 =	vlt.s32 v22, v15;
	vm3 =	vlt.s32 v21, v16;
	v29 =	vld [tilespmem:s14+$0xFFFFFFD0]  }
0x327: {  	vm4 =	vlt.s32 v26, v18;
	v20 =	vsel vm0, v24, v20;
	vm0 =	vlt.s32 v25, v17;
	v30 =	vld [tilespmem:s14+$0xFFFFFFE0]  }
0x328: {  	v14 =	vsel vm1, v23, v14;
	v15 =	vsel vm2, v22, v15;
	v16 =	vsel vm3, v21, v16;
	v24 =	vld [tilespmem:s14+$0xFFFFFFF0]  }
0x329: {  	v18 =	vsel vm4, v26, v18;
	vm1 =	vgt.s32 v20, $0x0;
	v17 =	vsel vm0, v25, v17;
	v22 =	vld [tilespmem:s14+$0xFFFFFFA0]  }
0x32a: {  	vm0 =	vgt.s32 v14, $0x0;
	vm2 =	vgt.s32 v15, $0x0;
	vm3 =	vgt.s32 v16, $0x0  }
0x32b: {  	vm4 =	vgt.s32 v18, $0x0;
	v20 =	vnsel vm1, $0x0, v20;
	vm1 =	vgt.s32 v17, $0x0;
	v21 =	vld.idx.msk [tilespmem:v19+s4+$0x0], $0xffff  }
0x32c: {  	v14 =	vnsel vm0, $0x0, v14;
	v15 =	vnsel vm2, $0x0, v15;
	v16 =	vnsel vm3, $0x0, v16;
	v23 =	vld.idx.msk [tilespmem:v27+s4+$0x0], $0xffff  }
0x32d: {  	v18 =	vnsel vm4, $0x0, v18;
	v17 =	vnsel vm1, $0x0, v17;
	v25 =	vshll.u32 v27, $0x4;
	v26 =	vld.idx.msk [tilespmem:v28+s4+$0x0], $0xffff  }
0x32e: {  	v28 =	vshll.u32 v28, $0x4;
	v27 =	vshll.u32 v22, $0x4;
	v31 =	vld.idx.msk [tilespmem:v29+s4+$0x0], $0xffff;
	v29 =	vshll.u32 v29, $0x4  }
0x32f: {  	s10 =	sadd.s32 $0x70, s10;
	v20 =	vadd.s32 v12, v20;
	v33 =	vshll.u32 v24, $0x4;
	v32 =	vld.idx.msk [tilespmem:v30+s4+$0x0], $0xffff;
	v30 =	vshll.u32 v30, $0x4;
	v12 =	vmovc v27  }
0x330: {  	v14 =	vadd.s32 v13, v14;
	v34 =	vadd.s32 v8, v16;
	v27 =	vld [tilespmem:s10+$0x0];
	[tilespmem:s11+$0xFFFFFFA0] =	vst v20;
	v20 =	vadd.s32 v10, v15  }
0x331: {  	v35 =	vadd.s32 v9, v18;
	vm0 =	vgt.s32 v21, $0x1;
	[tilespmem:s12+$0xFFFFFFA0] =	vst v11;
	v11 =	vld.idx.msk [tilespmem:v22+s4+$0x0], $0xffff;
	v22 =	vadd.s32 v7, v17  }
0x332: {  	v13 =	vmovc v25;
	v8 =	vmovc v29;
	v10 =	vmov v28;
	vm1 =	vgt.s32 v23, $0x1;
	v36 =	vnsel vm0, $0x1, v21;
	v24 =	vld.idx.msk [tilespmem:v24+s4+$0x0], $0xffff;
	[tilespmem:s11+$0xFFFFFFB0] =	vst v14  }
0x333: {  	v7 =	vmovc v30;
	v14 =	vnsel vm1, $0x1, v23;
	vm0 =	vgt.s32 v26, $0x1;
	v17 =	vcvt.s32.f32 v36;
	v25 =	vld [tilespmem:s10+$0xFFFFFFA0];
	[tilespmem:s12+$0xFFFFFFB0] =	vst v6;
	v6 =	vmovc v23  }
0x334: {  	v9 =	vmovc v33;
	v23 =	vcvt.s32.f32 v14;
	v15 =	vnsel vm0, $0x1, v26;
	vm0 =	vgt.s32 v31, $0x1;
	v28 =	vld [tilespmem:s10+$0xFFFFFFB0];
	[tilespmem:s11+$0xFFFFFFC0] =	vst v20  }
0x335: {  	v16 =	vnsel vm0, $0x1, v31;
	vm0 =	vgt.s32 v32, $0x1;
	v29 =	vld [tilespmem:s10+$0xFFFFFFC0];
	v18 =	vmul.f32 v17, v27;
	[tilespmem:s12+$0xFFFFFFC0] =	vst v4;
	v4 =	vmovc v26  }
0x336: {  	v26 =	vcvt.s32.f32 v15;
	v27 =	vcvt.s32.f32 v16;
	v17 =	vnsel vm0, $0x1, v32;
	v30 =	vld [tilespmem:s10+$0xFFFFFFD0];
	[tilespmem:s11+$0xFFFFFFD0] =	vst v34  }
0x337: {  	vm0 =	vgt.s32 v11, $0x1;
	v33 =	vcvt.s32.f32 v17;
	v34 =	vld [tilespmem:s10+$0xFFFFFFE0];
	v37 =	vtrunc.f32 v18;
	[tilespmem:s12+$0xFFFFFFD0] =	vst v3;
	v3 =	vmovc v31  }
0x338: {  	v20 =	vnsel vm0, $0x1, v11;
	vm0 =	vgt.s32 v24, $0x1;
	v31 =	vld [tilespmem:s10+$0xFFFFFFF0];
	vm1 =	vgt.f32 v18, v37;
	[tilespmem:s11+$0xFFFFFFE0] =	vst v22  }
0x339: {  	v18 =	vnsel vm0, $0x1, v24;
	v22 =	vcvt.f32.s32 v37;
	vm0 =	vmneg vm1;
	[tilespmem:s12+$0xFFFFFFE0] =	vst v2;
	v2 =	vmovc v32  }
0x33a: {  	v32 =	vcvt.s32.f32 v20;
	v37 =	vcvt.s32.f32 v18;
	v38 =	vsel vm0, $0xFFFFFFFF, v1;
	[tilespmem:s11+$0xFFFFFFF0] =	vst v35  }
0x33b: {  	v23 =	vmul.f32 v23, v28;
	v28 =	vadd.s32 $0xFFFFFFFF, v36;
	v22 =	vadd.s32 v22, v38;
	[tilespmem:s12+$0xFFFFFFF0] =	vst v5;
	v5 =	vmovc v24  }
0x33c: {  	v24 =	vmul.f32 v32, v25;
	v25 =	vmul.f32 v26, v29;
	vm0 =	vlt.s32 v22, v28  }
0x33d: {  	v26 =	vmul.f32 v27, v30;
	v27 =	vmul.f32 v33, v34;
	v22 =	vsel vm0, v22, v28  }
0x33e: {  	v28 =	vtrunc.f32 v24;
	v29 =	vmul.f32 v37, v31;
	vm0 =	vgt.s32 v22, $0x0  }
0x33f: {  	v19 =	vshll.u32 v19, $0x4;
	v30 =	vtrunc.f32 v23;
	v22 =	vnsel vm0, $0x0, v22  }
0x340: {  	s11 =	sadd.s32 $0x70, s11;
	v31 =	vtrunc.f32 v25;
	v32 =	vtrunc.f32 v26;
	v19 =	vadd.s32 v19, v22  }
0x341: {  	s12 =	sadd.s32 $0x70, s12;
	vm0 =	vgt.f32 v24, v28;
	v24 =	vtrunc.f32 v29;
	v22 =	vtrunc.f32 v27;
	[tilespmem:s11+$0x0] =	vst v19  }
0x342: {  	vm1 =	vgt.f32 v23, v30;
	vm2 =	vgt.f32 v25, v31;
	vm3 =	vgt.f32 v26, v32;
	[tilespmem:s12+$0x0] =	vst v21  }
0x343: {  	vm0 =	vmneg vm0;
	vm5 =	vgt.f32 v29, v24;
	vm4 =	vgt.f32 v27, v22  }
0x344: {  	vm1 =	vmneg vm1;
	vm2 =	vmneg vm2;
	vm3 =	vmneg vm3  }
0x345: {  	v19 =	vcvt.f32.s32 v28;
	vm5 =	vmneg vm5;
	vm4 =	vmneg vm4  }
.Ltmp10:
0x346: {  	v23 =	vcvt.f32.s32 v30;
	v29 =	vcvt.f32.s32 v31;
	v21 =	vsel vm0, $0xFFFFFFFF, v1;
	(pc) =	sbr.rel @p0 .LBB2_23-.Ltmp10, $4  }
0x347: {  	v30 =	vsel vm1, $0xFFFFFFFF, v1;
	v31 =	vcvt.f32.s32 v32;
	v25 =	vcvt.f32.s32 v22  }
0x348: {  	v32 =	vsel vm3, $0xFFFFFFFF, v1;
	v26 =	vcvt.f32.s32 v24;
	v22 =	vsel vm2, $0xFFFFFFFF, v1  }
0x349: {  	v27 =	vsel vm5, $0xFFFFFFFF, v1;
	v24 =	vadd.s32 v19, v21;
	v28 =	vsel vm4, $0xFFFFFFFF, v1  }
0x34a: {  	s14 =	sadd.s32 $0x70, s14;
	v23 =	vadd.s32 v23, v30;
	v22 =	vadd.s32 v29, v22;
	v21 =	vadd.s32 v31, v32  }
0x34b: {  	v19 =	vadd.s32 $0xFFFFFFFF, v20  }
0x34c: {  	vm0 =	vlt.s32 v24, v19  }
0x34d: {  	v52 =	vadd.s32 v25, v28;
	v14 =	vadd.s32 $0xFFFFFFFF, v14;
	v19 =	vsel vm0, v24, v19  }
0x34e: {  	v53 =	vadd.s32 v26, v27;
	vm0 =	vlt.s32 v23, v14;
	vm1 =	vgt.s32 v19, $0x0  }
0x34f: {  	v15 =	vadd.s32 $0xFFFFFFFF, v15;
	v14 =	vsel vm0, v23, v14;
	v19 =	vnsel vm1, $0x0, v19  }
0x350: {  	vm0 =	vlt.s32 v22, v15;
	vm1 =	vgt.s32 v14, $0x0;
	v12 =	vadd.s32 v12, v19  }
0x351: {  	v16 =	vadd.s32 $0xFFFFFFFF, v16;
	v15 =	vsel vm0, v22, v15;
	v14 =	vnsel vm1, $0x0, v14;
	[tilespmem:s11+$0xFFFFFFA0] =	vst v12  }
0x352: {  	vm0 =	vlt.s32 v21, v16;
	vm1 =	vgt.s32 v15, $0x0;
	v54 =	vadd.s32 v13, v14;
	[tilespmem:s12+$0xFFFFFFA0] =	vst v11  }
0x353: {  	v55 =	vsel vm0, v21, v16;
	v56 =	vnsel vm1, $0x0, v15;
	v11 =	vadd.s32 $0xFFFFFFFF, v17;
	[tilespmem:s11+$0xFFFFFFB0] =	vst v54  }
0x354: {  	vm1 =	vgt.s32 v55, $0x0;
	v10 =	vadd.s32 v10, v56;
	vm0 =	vlt.s32 v52, v11;
	[tilespmem:s12+$0xFFFFFFB0] =	vst v6  }
0x355: {  	v57 =	vnsel vm1, $0x0, v55;
	v6 =	vadd.s32 $0xFFFFFFFF, v18;
	[tilespmem:s11+$0xFFFFFFC0] =	vst v10;
	v11 =	vsel vm0, v52, v11  }
0x356: {  	v8 =	vadd.s32 v8, v57;
	vm0 =	vlt.s32 v53, v6;
	[tilespmem:s12+$0xFFFFFFC0] =	vst v4;
	vm1 =	vgt.s32 v11, $0x0  }
0x357: {  	[tilespmem:s11+$0xFFFFFFD0] =	vst v8;
	v4 =	vsel vm0, v53, v6;
	v6 =	vnsel vm1, $0x0, v11  }
0x358: {  	[tilespmem:s12+$0xFFFFFFD0] =	vst v3;
	vm0 =	vgt.s32 v4, $0x0;
	v6 =	vadd.s32 v7, v6  }
0x359: {  	v3 =	vnsel vm0, $0x0, v4;
	[tilespmem:s11+$0xFFFFFFE0] =	vst v6  }
0x35a: {  	v3 =	vadd.s32 v9, v3;
	[tilespmem:s12+$0xFFFFFFE0] =	vst v2  }
0x35b: {  	[tilespmem:s11+$0xFFFFFFF0] =	vst v3  }
0x35c: {  	[tilespmem:s12+$0xFFFFFFF0] =	vst v5  }
0x35d: {  	[tilespmem:s25], [sflag:$0x5] =	stream.indirect.gather [hbm4b:s1+s21], $0x1, s24, s21, $0xb8;
	[tilespmem:$0x1D200] =	vst v63  }
0x35e: {  	_ =	swait.ge [sflag:s26], $0x620  }
0x35f: {  	[sflag:s26] =	ssyncset.done $0x0  }
0x360: {  	[sflag:s26] =	ssyncadd.s32 $0xFFFFF9E0  }
0x361: {  	_ =	swait.ge [sflag:s31], $0xC40  }
0x362: {  	[sflag:s31] =	ssyncset.done $0x0  }
0x363: {  	s13 =	simm.s32 $0x1C5B0;
	[sflag:s31] =	ssyncadd.s32 $0xFFFFF3C0  }
0x364: {  	s10 =	simm.s32 $0x1A030;
	v4 =	vld [tilespmem:s13+$0x30]  }
0x365: {  	s11 =	simm.s32 $0x18730;
	v3 =	vld [tilespmem:s10+$0x30]  }
0x366: {  	v5 =	vld [tilespmem:s11+$0x30]  }
0x367: {  	v6 =	vld [tilespmem:s10+$0xFFFFFFD0]  }
0x368: {  	v7 =	vld [tilespmem:s10+$0xFFFFFFE0]  }
0x369: {  	v8 =	vld [tilespmem:s10+$0xFFFFFFF0]  }
0x36a: {  	v9 =	vld [tilespmem:s10+$0x0]  }
0x36b: {  	v10 =	vld [tilespmem:s10+$0x10]  }
0x36c: {  	v11 =	vld [tilespmem:s10+$0x20]  }
0x36d: {  	v2 =	vld [tilespmem:s11+$0xFFFFFFD0]  }
0x36e: {  	v58 =	vld [tilespmem:s13+$0xFFFFFFE0]  }
0x36f: {  	v59 =	vld [tilespmem:s11+$0xFFFFFFE0]  }
0x370: {  	v60 =	vld [tilespmem:s13+$0xFFFFFFF0]  }
0x371: {  	v61 =	vld [tilespmem:s11+$0xFFFFFFF0]  }
0x372: {  	v62 =	vld [tilespmem:s13+$0x0]  }
0x373: {  	v63 =	vld [tilespmem:s11+$0x0]  }
0x374: {  	vm0 =	vgt.s32 v3, $0x0;
	v3 =	vld [tilespmem:s13+$0x10]  }
0x375: {  	v4 =	vsel vm0, v4, v5;
	vm0 =	vgt.s32 v7, $0x0;
	v5 =	vld [tilespmem:s11+$0x10]  }
0x376: {  	vm1 =	vgt.s32 v8, $0x0;
	[tilespmem:s11+$0x30] =	vst v4;
	v7 =	vsel vm0, v58, v59;
	v4 =	vld [tilespmem:s13+$0x20]  }
0x377: {  	vm3 =	vgt.s32 v9, $0x0;
	vm0 =	vgt.s32 v6, $0x0;
	v6 =	vld [tilespmem:s11+$0x20];
	[tilespmem:s11+$0xFFFFFFE0] =	vst v7;
	v7 =	vsel vm1, v60, v61  }
0x378: {  	s14 =	simm.s32 $0x1C620;
	s12 =	simm.s32 $0x0;
	vm2 =	vgt.s32 v10, $0x0;
	v8 =	vsel vm3, v62, v63;
	vm1 =	vgt.s32 v11, $0x0;
	[tilespmem:s11+$0xFFFFFFF0] =	vst v7;
	v7 =	vld [tilespmem:s13+$0xFFFFFFD0];
	s13 =	simm.s32 $0x18730  }
.LBB2_25:
0x379: {  	v9 =	vld [tilespmem:s14+$0x30];
	[tilespmem:s11+$0x0] =	vst v8;
	s10 =	sadd.s32 $0x70, s10  }
0x37a: {  	s12 =	sadd.s32 $0x7, s12;
	s11 =	sadd.s32 $0x70, s11;
	v8 =	vld [tilespmem:s10+$0x30];
	v3 =	vsel vm2, v3, v5  }
0x37b: {  	p0 =	slt.u32 s12, $0x5B;
	v5 =	vld [tilespmem:s11+$0x30];
	[tilespmem:s13+$0x10] =	vst v3  }
0x37c: {  	v3 =	vld [tilespmem:s10+$0xFFFFFFD0];
	v4 =	vsel vm1, v4, v6  }
0x37d: {  	v6 =	vld [tilespmem:s10+$0xFFFFFFE0];
	v2 =	vsel vm0, v7, v2;
	[tilespmem:s13+$0x20] =	vst v4  }
0x37e: {  	v4 =	vld [tilespmem:s10+$0xFFFFFFF0];
	[tilespmem:s13+$0xFFFFFFD0] =	vst v2;
	s13 =	smov.u32 s11  }
0x37f: {  	v7 =	vld [tilespmem:s10+$0x0];
	vm0 =	vgt.s32 v8, $0x0  }
0x380: {  	v8 =	vld [tilespmem:s10+$0x10];
	v2 =	vsel vm0, v9, v5  }
0x381: {  	vm0 =	vgt.s32 v3, $0x0;
	v3 =	vld [tilespmem:s10+$0x20];
	[tilespmem:s11+$0x30] =	vst v2  }
0x382: {  	v2 =	vld [tilespmem:s11+$0xFFFFFFD0];
	vm3 =	vgt.s32 v6, $0x0  }
0x383: {  	v5 =	vld [tilespmem:s14+$0xFFFFFFE0];
	vm4 =	vgt.s32 v4, $0x0  }
0x384: {  	v4 =	vld [tilespmem:s11+$0xFFFFFFE0];
	vm5 =	vgt.s32 v7, $0x0  }
0x385: {  	v6 =	vld [tilespmem:s14+$0xFFFFFFF0];
	vm2 =	vgt.s32 v8, $0x0  }
0x386: {  	v7 =	vld [tilespmem:s11+$0xFFFFFFF0];
	vm1 =	vgt.s32 v3, $0x0  }
0x387: {  	v8 =	vld [tilespmem:s14+$0x0]  }
0x388: {  	v9 =	vld [tilespmem:s11+$0x0]  }
.Ltmp11:
0x389: {  	v4 =	vsel vm3, v5, v4;
	v3 =	vld [tilespmem:s14+$0x10];
	(pc) =	sbr.rel @p0 .LBB2_25-.Ltmp11, $4  }
0x38a: {  	[tilespmem:s11+$0xFFFFFFE0] =	vst v4;
	v5 =	vld [tilespmem:s11+$0x10]  }
0x38b: {  	v6 =	vsel vm4, v6, v7;
	v4 =	vld [tilespmem:s14+$0x20]  }
0x38c: {  	[tilespmem:s11+$0xFFFFFFF0] =	vst v6;
	v6 =	vld [tilespmem:s11+$0x20]  }
0x38d: {  	v7 =	vld [tilespmem:s14+$0xFFFFFFD0];
	v8 =	vsel vm5, v8, v9;
	s14 =	sadd.s32 $0x70, s14  }
0x38e: {  	_ =	sdelay $0x1  }
0x38f: {  	[tilespmem:s11+$0x0] =	vst v8;
	v3 =	vsel vm2, v3, v5  }
0x390: {  	[tilespmem:s13+$0x10] =	vst v3;
	v3 =	vsel vm1, v4, v6  }
0x391: {  	v2 =	vsel vm0, v7, v2;
	[tilespmem:s13+$0x20] =	vst v3  }
0x392: {  	[tilespmem:s13+$0xFFFFFFD0] =	vst v2  }
0x393: {  	_ =	swait.ge [sflag:s28], $0x620  }
0x394: {  	[sflag:s28] =	ssyncset.done $0x0  }
0x395: {  	s12 =	simm.s32 $0x1CC00;
	[sflag:s28] =	ssyncadd.s32 $0xFFFFF9E0  }
0x396: {  	s10 =	simm.s32 $0x1A680;
	v4 =	vld [tilespmem:s12+$0x0]  }
0x397: {  	s11 =	simm.s32 $0x18D80;
	v3 =	vld [tilespmem:s10+$0x0]  }
0x398: {  	v5 =	vld [tilespmem:s11+$0x0]  }
0x399: {  	v6 =	vld [tilespmem:s10+$0xFFFFFFA0]  }
0x39a: {  	v7 =	vld [tilespmem:s10+$0xFFFFFFB0]  }
0x39b: {  	v8 =	vld [tilespmem:s10+$0xFFFFFFC0]  }
0x39c: {  	v9 =	vld [tilespmem:s10+$0xFFFFFFD0]  }
0x39d: {  	v10 =	vld [tilespmem:s10+$0xFFFFFFE0]  }
0x39e: {  	v11 =	vld [tilespmem:s10+$0xFFFFFFF0]  }
0x39f: {  	v2 =	vld [tilespmem:s11+$0xFFFFFFA0]  }
0x3a0: {  	v12 =	vld [tilespmem:s12+$0xFFFFFFB0]  }
0x3a1: {  	v13 =	vld [tilespmem:s11+$0xFFFFFFB0]  }
0x3a2: {  	v14 =	vld [tilespmem:s12+$0xFFFFFFC0]  }
0x3a3: {  	v15 =	vld [tilespmem:s11+$0xFFFFFFC0]  }
0x3a4: {  	v16 =	vld [tilespmem:s12+$0xFFFFFFD0]  }
0x3a5: {  	v17 =	vld [tilespmem:s11+$0xFFFFFFD0]  }
0x3a6: {  	vm0 =	vgt.s32 v3, $0x0;
	v3 =	vld [tilespmem:s12+$0xFFFFFFE0]  }
0x3a7: {  	v4 =	vsel vm0, v4, v5;
	vm0 =	vgt.s32 v7, $0x0;
	v5 =	vld [tilespmem:s11+$0xFFFFFFE0]  }
0x3a8: {  	vm1 =	vgt.s32 v8, $0x0;
	[tilespmem:s11+$0x0] =	vst v4;
	v7 =	vsel vm0, v12, v13;
	v4 =	vld [tilespmem:s12+$0xFFFFFFF0]  }
0x3a9: {  	vm3 =	vgt.s32 v9, $0x0;
	vm0 =	vgt.s32 v6, $0x0;
	v6 =	vld [tilespmem:s11+$0xFFFFFFF0];
	[tilespmem:s11+$0xFFFFFFB0] =	vst v7;
	v7 =	vsel vm1, v14, v15  }
0x3aa: {  	s14 =	simm.s32 $0x1CC70;
	s13 =	simm.s32 $0x62;
	vm2 =	vgt.s32 v10, $0x0;
	v8 =	vsel vm3, v16, v17;
	vm1 =	vgt.s32 v11, $0x0;
	[tilespmem:s11+$0xFFFFFFC0] =	vst v7;
	v7 =	vld [tilespmem:s12+$0xFFFFFFA0];
	s12 =	simm.s32 $0x18D80  }
.LBB2_27:
0x3ab: {  	v9 =	vld [tilespmem:s14+$0x0];
	[tilespmem:s11+$0xFFFFFFD0] =	vst v8;
	s10 =	sadd.s32 $0x70, s10  }
0x3ac: {  	s13 =	sadd.s32 $0x7, s13;
	s11 =	sadd.s32 $0x70, s11;
	v8 =	vld [tilespmem:s10+$0x0];
	v3 =	vsel vm2, v3, v5  }
0x3ad: {  	p0 =	slt.u32 s13, $0xBD;
	v5 =	vld [tilespmem:s11+$0x0];
	[tilespmem:s12+$0xFFFFFFE0] =	vst v3  }
0x3ae: {  	v3 =	vld [tilespmem:s10+$0xFFFFFFA0];
	v4 =	vsel vm1, v4, v6  }
0x3af: {  	v6 =	vld [tilespmem:s10+$0xFFFFFFB0];
	v2 =	vsel vm0, v7, v2;
	[tilespmem:s12+$0xFFFFFFF0] =	vst v4  }
0x3b0: {  	v4 =	vld [tilespmem:s10+$0xFFFFFFC0];
	[tilespmem:s12+$0xFFFFFFA0] =	vst v2;
	s12 =	smov.u32 s11  }
0x3b1: {  	v7 =	vld [tilespmem:s10+$0xFFFFFFD0];
	vm0 =	vgt.s32 v8, $0x0  }
0x3b2: {  	v8 =	vld [tilespmem:s10+$0xFFFFFFE0];
	v2 =	vsel vm0, v9, v5  }
0x3b3: {  	vm0 =	vgt.s32 v3, $0x0;
	v3 =	vld [tilespmem:s10+$0xFFFFFFF0];
	[tilespmem:s11+$0x0] =	vst v2  }
0x3b4: {  	v2 =	vld [tilespmem:s11+$0xFFFFFFA0];
	vm3 =	vgt.s32 v6, $0x0  }
0x3b5: {  	v5 =	vld [tilespmem:s14+$0xFFFFFFB0];
	vm4 =	vgt.s32 v4, $0x0  }
0x3b6: {  	v4 =	vld [tilespmem:s11+$0xFFFFFFB0];
	vm5 =	vgt.s32 v7, $0x0  }
0x3b7: {  	v6 =	vld [tilespmem:s14+$0xFFFFFFC0];
	vm2 =	vgt.s32 v8, $0x0  }
0x3b8: {  	v7 =	vld [tilespmem:s11+$0xFFFFFFC0];
	vm1 =	vgt.s32 v3, $0x0  }
0x3b9: {  	v8 =	vld [tilespmem:s14+$0xFFFFFFD0]  }
0x3ba: {  	v9 =	vld [tilespmem:s11+$0xFFFFFFD0]  }
.Ltmp12:
0x3bb: {  	v4 =	vsel vm3, v5, v4;
	v3 =	vld [tilespmem:s14+$0xFFFFFFE0];
	(pc) =	sbr.rel @p0 .LBB2_27-.Ltmp12, $4  }
0x3bc: {  	[tilespmem:s11+$0xFFFFFFB0] =	vst v4;
	v5 =	vld [tilespmem:s11+$0xFFFFFFE0]  }
0x3bd: {  	v6 =	vsel vm4, v6, v7;
	v4 =	vld [tilespmem:s14+$0xFFFFFFF0]  }
0x3be: {  	[tilespmem:s11+$0xFFFFFFC0] =	vst v6;
	v6 =	vld [tilespmem:s11+$0xFFFFFFF0]  }
0x3bf: {  	v7 =	vld [tilespmem:s14+$0xFFFFFFA0];
	v8 =	vsel vm5, v8, v9;
	s14 =	sadd.s32 $0x70, s14  }
0x3c0: {  	_ =	sdelay $0x1  }
0x3c1: {  	[tilespmem:s11+$0xFFFFFFD0] =	vst v8;
	v3 =	vsel vm2, v3, v5  }
0x3c2: {  	s10 =	sadd.s32 s7, s17;
	[tilespmem:s12+$0xFFFFFFE0] =	vst v3;
	v3 =	vsel vm1, v4, v6  }
0x3c3: {  	s10 =	sshrl.u32 s10, $0x3;
	v2 =	vsel vm0, v7, v2;
	[tilespmem:s12+$0xFFFFFFF0] =	vst v3  }
0x3c4: {  	p0 =	seq.s32 s0, $0x7;
	s10 =	sadd.s32 s6, s10;
	[tilespmem:s12+$0xFFFFFFA0] =	vst v2  }
0x3c5: {  	[hbm4b:s10+s4] =	stream.linear.scatter [tilespmem:s29], [sflag:$0x6], $0xC40, $0x38;
	[tilespmem:$0x1D200] =	vst v63  }
0x3c6: {  	s10 =	sadd.s32 @!p0 s17, s9  }
0x3c7: {  	s10 =	sshrl.u32 @!p0 s10, $0x3  }
0x3c8: {  	s11 =	simm.s32 @!p0 $0x0;
	s12 =	simm.s32 @!p0 $0x1AC80;
	s10 =	sadd.s32 @!p0 s5, s10  }
0x3c9: {  	[tilespmem:s12], [sflag:$0x2] =	stream.linear.gather @!p0 [hbm4b:s10+s11], $0xC40, $0x38;
	[tilespmem:$0x1D200] =	vst v63  }
0x3ca: {  	_ =	swait.ge [sflag:s30], $0xC40  }
0x3cb: {  	[sflag:s30] =	ssyncset.done $0x0  }
0x3cc: {  	s17 =	simm.s32 $0x18730;
	[sflag:s30] =	ssyncadd.s32 $0xFFFFF3C0  }
0x3cd: {  	v19 =	vld [tilespmem:s17+$0x30]  }
0x3ce: {  	v5 =	vld [tilespmem:s17+$0xFFFFFFE0]  }
0x3cf: {  	v7 =	vld [tilespmem:s17+$0xFFFFFFF0]  }
0x3d0: {  	v8 =	vld [tilespmem:s17+$0x0]  }
0x3d1: {  	v11 =	vld [tilespmem:s17+$0xFFFFFFD0]  }
0x3d2: {  	v9 =	vld [tilespmem:s17+$0x10]  }
0x3d3: {  	s10 =	simm.s32 $0x1B930;
	v14 =	vld [tilespmem:s17+$0x20]  }
0x3d4: {  	v17 =	vld [tilespmem:s10+$0x30]  }
0x3d5: {  	v21 =	vld.idx.msk [tilespmem:v19+s4+$0x0], $0xffff  }
0x3d6: {  	v6 =	vld.idx.msk [tilespmem:v5+s4+$0x0], $0xffff  }
0x3d7: {  	v4 =	vld.idx.msk [tilespmem:v7+s4+$0x0], $0xffff  }
0x3d8: {  	v3 =	vld.idx.msk [tilespmem:v8+s4+$0x0], $0xffff  }
0x3d9: {  	v12 =	vshll.u32 v11, $0x4;
	v11 =	vld.idx.msk [tilespmem:v11+s4+$0x0], $0xffff  }
0x3da: {  	v23 =	vld [tilespmem:s10+$0xFFFFFFD0]  }
0x3db: {  	v25 =	vld [tilespmem:s10+$0xFFFFFFE0];
	v13 =	vshll.u32 v5, $0x4;
	v10 =	vshll.u32 v7, $0x4  }
0x3dc: {  	v2 =	vld.idx.msk [tilespmem:v9+s4+$0x0], $0xffff;
	v8 =	vshll.u32 v8, $0x4;
	v7 =	vshll.u32 v9, $0x4;
	v9 =	vshll.u32 v14, $0x4  }
0x3dd: {  	v26 =	vld [tilespmem:s10+$0xFFFFFFF0];
	v19 =	vshll.u32 v19, $0x4;
	vm15 =	vgt.s32 v21, $0x1;
	vm4 =	vgt.s32 v6, $0x1  }
0x3de: {  	v5 =	vld.idx.msk [tilespmem:v14+s4+$0x0], $0xffff;
	vm5 =	vgt.s32 v4, $0x1;
	vm6 =	vgt.s32 v3, $0x1;
	vm8 =	vgt.s32 v11, $0x1  }
0x3df: {  	v29 =	vld [tilespmem:s10+$0x0];
	v22 =	vnsel vm15, $0x1, v21;
	v14 =	vnsel vm4, $0x1, v6;
	v15 =	vnsel vm5, $0x1, v4  }
0x3e0: {  	v20 =	vnsel vm8, $0x1, v11;
	v18 =	vcvt.s32.f32 v22;
	v24 =	vcvt.s32.f32 v14  }
0x3e1: {  	v16 =	vnsel vm6, $0x1, v3;
	v27 =	vcvt.s32.f32 v15;
	v34 =	vcvt.s32.f32 v20  }
0x3e2: {  	v32 =	vld [tilespmem:s10+$0x10];
	vm7 =	vgt.s32 v2, $0x1;
	v28 =	vcvt.s32.f32 v16;
	v18 =	vmul.f32 v18, v17  }
0x3e3: {  	vm9 =	vgt.s32 v5, $0x1;
	v24 =	vmul.f32 v24, v25;
	v23 =	vmul.f32 v34, v23  }
0x3e4: {  	v17 =	vnsel vm7, $0x1, v2;
	v26 =	vmul.f32 v27, v26;
	v27 =	vmul.f32 v28, v29  }
0x3e5: {  	v22 =	vadd.s32 $0xFFFFFFFF, v22;
	v30 =	vcvt.s32.f32 v17;
	v31 =	vtrunc.f32 v18  }
0x3e6: {  	v62 =	vtrunc.f32 v27;
	vm10 =	vgt.f32 v18, v31;
	v31 =	vcvt.f32.s32 v31  }
0x3e7: {  	v33 =	vld [tilespmem:s10+$0x20];
	v18 =	vnsel vm9, $0x1, v5;
	v28 =	vmul.f32 v30, v32;
	v30 =	vtrunc.f32 v24  }
0x3e8: {  	vm3 =	vgt.f32 v27, v62;
	v32 =	vcvt.f32.s32 v62;
	vm11 =	vmneg vm10  }
0x3e9: {  	v35 =	vcvt.s32.f32 v18;
	vm14 =	vgt.f32 v24, v30;
	v36 =	vsel vm11, $0xFFFFFFFF, v1  }
0x3ea: {  	vm3 =	vmneg vm3;
	vm1 =	vmneg vm14;
	v25 =	vadd.s32 v31, v36  }
0x3eb: {  	v63 =	vsel vm3, $0xFFFFFFFF, v1;
	v31 =	vtrunc.f32 v26;
	vm12 =	vlt.s32 v25, v22  }
0x3ec: {  	v29 =	vmul.f32 v35, v33;
	vm15 =	vgt.f32 v26, v31;
	v22 =	vsel vm12, v25, v22  }
0x3ed: {  	v25 =	vtrunc.f32 v23;
	vm2 =	vmneg vm15;
	vm0 =	vgt.s32 v22, $0x0  }
0x3ee: {  	vm13 =	vgt.f32 v23, v25;
	v23 =	vtrunc.f32 v29;
	v24 =	vcvt.f32.s32 v25  }
0x3ef: {  	v22 =	vnsel vm0, $0x0, v22;
	vm0 =	vmneg vm13;
	vm5 =	vgt.f32 v29, v23  }
0x3f0: {  	v29 =	vcvt.f32.s32 v30;
	v30 =	vcvt.f32.s32 v31;
	v31 =	vsel vm1, $0xFFFFFFFF, v1  }
0x3f1: {  	v26 =	vcvt.f32.s32 v23;
	v19 =	vadd.s32 v19, v22;
	v22 =	vtrunc.f32 v28  }
0x3f2: {  	vm5 =	vmneg vm5;
	v27 =	vsel vm0, $0xFFFFFFFF, v1;
	vm4 =	vgt.f32 v28, v22  }
0x3f3: {  	s11 =	simm.s32 $0x193B0;
	v25 =	vcvt.f32.s32 v22;
	v22 =	vsel vm2, $0xFFFFFFFF, v1;
	v24 =	vadd.s32 v24, v27  }
0x3f4: {  	s12 =	simm.s32 $0x1A030;
	[tilespmem:s11+$0x30] =	vst v19;
	v27 =	vsel vm5, $0xFFFFFFFF, v1;
	v23 =	vadd.s32 v29, v31;
	vm4 =	vmneg vm4  }
0x3f5: {  	s13 =	simm.s32 $0x0;
	s14 =	simm.s32 $0x187A0;
	[tilespmem:s12+$0x30] =	vst v21;
	v22 =	vadd.s32 v30, v22;
	v21 =	vadd.s32 v32, v63;
	v28 =	vsel vm4, $0xFFFFFFFF, v1  }
.LBB2_29:
0x3f6: {  	v19 =	vld [tilespmem:s14+$0x30];
	v20 =	vadd.s32 $0xFFFFFFFF, v20;
	v25 =	vadd.s32 v25, v28;
	v26 =	vadd.s32 v26, v27  }
0x3f7: {  	s13 =	sadd.s32 $0x7, s13;
	v14 =	vadd.s32 $0xFFFFFFFF, v14;
	v15 =	vadd.s32 $0xFFFFFFFF, v15;
	v16 =	vadd.s32 $0xFFFFFFFF, v16;
	v27 =	vld [tilespmem:s14+$0xFFFFFFE0]  }
0x3f8: {  	v17 =	vadd.s32 $0xFFFFFFFF, v17;
	v18 =	vadd.s32 $0xFFFFFFFF, v18;
	p0 =	slt.u32 s13, $0x5B;
	vm0 =	vlt.s32 v24, v20;
	v28 =	vld [tilespmem:s14+$0xFFFFFFF0]  }
0x3f9: {  	vm1 =	vlt.s32 v23, v14;
	vm2 =	vlt.s32 v22, v15;
	vm3 =	vlt.s32 v21, v16;
	v29 =	vld [tilespmem:s14+$0x0]  }
0x3fa: {  	vm4 =	vlt.s32 v26, v18;
	v20 =	vsel vm0, v24, v20;
	vm0 =	vlt.s32 v25, v17;
	v30 =	vld [tilespmem:s14+$0x10]  }
0x3fb: {  	v14 =	vsel vm1, v23, v14;
	v15 =	vsel vm2, v22, v15;
	v16 =	vsel vm3, v21, v16;
	v24 =	vld [tilespmem:s14+$0x20]  }
0x3fc: {  	v18 =	vsel vm4, v26, v18;
	vm1 =	vgt.s32 v20, $0x0;
	v17 =	vsel vm0, v25, v17;
	v22 =	vld [tilespmem:s14+$0xFFFFFFD0]  }
0x3fd: {  	vm0 =	vgt.s32 v14, $0x0;
	vm2 =	vgt.s32 v15, $0x0;
	vm3 =	vgt.s32 v16, $0x0  }
0x3fe: {  	vm4 =	vgt.s32 v18, $0x0;
	v20 =	vnsel vm1, $0x0, v20;
	vm1 =	vgt.s32 v17, $0x0;
	v21 =	vld.idx.msk [tilespmem:v19+s4+$0x0], $0xffff  }
0x3ff: {  	v14 =	vnsel vm0, $0x0, v14;
	v15 =	vnsel vm2, $0x0, v15;
	v16 =	vnsel vm3, $0x0, v16;
	v23 =	vld.idx.msk [tilespmem:v27+s4+$0x0], $0xffff  }
0x400: {  	v18 =	vnsel vm4, $0x0, v18;
	v17 =	vnsel vm1, $0x0, v17;
	v25 =	vshll.u32 v27, $0x4;
	v26 =	vld.idx.msk [tilespmem:v28+s4+$0x0], $0xffff  }
0x401: {  	v28 =	vshll.u32 v28, $0x4;
	v27 =	vshll.u32 v22, $0x4;
	v31 =	vld.idx.msk [tilespmem:v29+s4+$0x0], $0xffff;
	v29 =	vshll.u32 v29, $0x4  }
0x402: {  	s10 =	sadd.s32 $0x70, s10;
	v20 =	vadd.s32 v12, v20;
	v33 =	vshll.u32 v24, $0x4;
	v32 =	vld.idx.msk [tilespmem:v30+s4+$0x0], $0xffff;
	v30 =	vshll.u32 v30, $0x4;
	v12 =	vmovc v27  }
0x403: {  	v14 =	vadd.s32 v13, v14;
	v34 =	vadd.s32 v8, v16;
	v27 =	vld [tilespmem:s10+$0x30];
	[tilespmem:s11+$0xFFFFFFD0] =	vst v20;
	v20 =	vadd.s32 v10, v15  }
0x404: {  	v35 =	vadd.s32 v9, v18;
	vm0 =	vgt.s32 v21, $0x1;
	[tilespmem:s12+$0xFFFFFFD0] =	vst v11;
	v11 =	vld.idx.msk [tilespmem:v22+s4+$0x0], $0xffff;
	v22 =	vadd.s32 v7, v17  }
0x405: {  	v13 =	vmovc v25;
	v8 =	vmovc v29;
	v10 =	vmov v28;
	vm1 =	vgt.s32 v23, $0x1;
	v36 =	vnsel vm0, $0x1, v21;
	v24 =	vld.idx.msk [tilespmem:v24+s4+$0x0], $0xffff;
	[tilespmem:s11+$0xFFFFFFE0] =	vst v14  }
0x406: {  	v7 =	vmovc v30;
	v14 =	vnsel vm1, $0x1, v23;
	vm0 =	vgt.s32 v26, $0x1;
	v17 =	vcvt.s32.f32 v36;
	v25 =	vld [tilespmem:s10+$0xFFFFFFD0];
	[tilespmem:s12+$0xFFFFFFE0] =	vst v6;
	v6 =	vmovc v23  }
0x407: {  	v9 =	vmovc v33;
	v23 =	vcvt.s32.f32 v14;
	v15 =	vnsel vm0, $0x1, v26;
	vm0 =	vgt.s32 v31, $0x1;
	v28 =	vld [tilespmem:s10+$0xFFFFFFE0];
	[tilespmem:s11+$0xFFFFFFF0] =	vst v20  }
0x408: {  	v16 =	vnsel vm0, $0x1, v31;
	vm0 =	vgt.s32 v32, $0x1;
	v29 =	vld [tilespmem:s10+$0xFFFFFFF0];
	v18 =	vmul.f32 v17, v27;
	[tilespmem:s12+$0xFFFFFFF0] =	vst v4;
	v4 =	vmovc v26  }
0x409: {  	v26 =	vcvt.s32.f32 v15;
	v27 =	vcvt.s32.f32 v16;
	v17 =	vnsel vm0, $0x1, v32;
	v30 =	vld [tilespmem:s10+$0x0];
	[tilespmem:s11+$0x0] =	vst v34  }
0x40a: {  	vm0 =	vgt.s32 v11, $0x1;
	v33 =	vcvt.s32.f32 v17;
	v34 =	vld [tilespmem:s10+$0x10];
	v37 =	vtrunc.f32 v18;
	[tilespmem:s12+$0x0] =	vst v3;
	v3 =	vmovc v31  }
0x40b: {  	v20 =	vnsel vm0, $0x1, v11;
	vm0 =	vgt.s32 v24, $0x1;
	v31 =	vld [tilespmem:s10+$0x20];
	vm1 =	vgt.f32 v18, v37;
	[tilespmem:s11+$0x10] =	vst v22  }
0x40c: {  	v18 =	vnsel vm0, $0x1, v24;
	v22 =	vcvt.f32.s32 v37;
	vm0 =	vmneg vm1;
	[tilespmem:s12+$0x10] =	vst v2;
	v2 =	vmovc v32  }
0x40d: {  	v32 =	vcvt.s32.f32 v20;
	v37 =	vcvt.s32.f32 v18;
	v38 =	vsel vm0, $0xFFFFFFFF, v1;
	[tilespmem:s11+$0x20] =	vst v35  }
0x40e: {  	v23 =	vmul.f32 v23, v28;
	v28 =	vadd.s32 $0xFFFFFFFF, v36;
	v22 =	vadd.s32 v22, v38;
	[tilespmem:s12+$0x20] =	vst v5;
	v5 =	vmovc v24  }
0x40f: {  	v24 =	vmul.f32 v32, v25;
	v25 =	vmul.f32 v26, v29;
	vm0 =	vlt.s32 v22, v28  }
0x410: {  	v26 =	vmul.f32 v27, v30;
	v27 =	vmul.f32 v33, v34;
	v22 =	vsel vm0, v22, v28  }
0x411: {  	v28 =	vtrunc.f32 v24;
	v29 =	vmul.f32 v37, v31;
	vm0 =	vgt.s32 v22, $0x0  }
0x412: {  	v19 =	vshll.u32 v19, $0x4;
	v30 =	vtrunc.f32 v23;
	v22 =	vnsel vm0, $0x0, v22  }
0x413: {  	s11 =	sadd.s32 $0x70, s11;
	v31 =	vtrunc.f32 v25;
	v32 =	vtrunc.f32 v26;
	v19 =	vadd.s32 v19, v22  }
0x414: {  	s12 =	sadd.s32 $0x70, s12;
	vm0 =	vgt.f32 v24, v28;
	v24 =	vtrunc.f32 v29;
	v22 =	vtrunc.f32 v27;
	[tilespmem:s11+$0x30] =	vst v19  }
0x415: {  	vm1 =	vgt.f32 v23, v30;
	vm2 =	vgt.f32 v25, v31;
	vm3 =	vgt.f32 v26, v32;
	[tilespmem:s12+$0x30] =	vst v21  }
0x416: {  	vm0 =	vmneg vm0;
	vm5 =	vgt.f32 v29, v24;
	vm4 =	vgt.f32 v27, v22  }
0x417: {  	vm1 =	vmneg vm1;
	vm2 =	vmneg vm2;
	vm3 =	vmneg vm3  }
0x418: {  	v19 =	vcvt.f32.s32 v28;
	vm5 =	vmneg vm5;
	vm4 =	vmneg vm4  }
.Ltmp13:
0x419: {  	v23 =	vcvt.f32.s32 v30;
	v29 =	vcvt.f32.s32 v31;
	v21 =	vsel vm0, $0xFFFFFFFF, v1;
	(pc) =	sbr.rel @p0 .LBB2_29-.Ltmp13, $4  }
0x41a: {  	v30 =	vsel vm1, $0xFFFFFFFF, v1;
	v31 =	vcvt.f32.s32 v32;
	v25 =	vcvt.f32.s32 v22  }
0x41b: {  	v32 =	vsel vm3, $0xFFFFFFFF, v1;
	v26 =	vcvt.f32.s32 v24;
	v22 =	vsel vm2, $0xFFFFFFFF, v1  }
0x41c: {  	v27 =	vsel vm5, $0xFFFFFFFF, v1;
	v24 =	vadd.s32 v19, v21;
	v28 =	vsel vm4, $0xFFFFFFFF, v1  }
0x41d: {  	s14 =	sadd.s32 $0x70, s14;
	v23 =	vadd.s32 v23, v30;
	v22 =	vadd.s32 v29, v22;
	v21 =	vadd.s32 v31, v32  }
0x41e: {  	v19 =	vadd.s32 $0xFFFFFFFF, v20  }
0x41f: {  	vm0 =	vlt.s32 v24, v19  }
0x420: {  	v20 =	vadd.s32 v25, v28;
	v14 =	vadd.s32 $0xFFFFFFFF, v14;
	v19 =	vsel vm0, v24, v19  }
0x421: {  	v15 =	vadd.s32 $0xFFFFFFFF, v15;
	vm7 =	vlt.s32 v23, v14;
	vm1 =	vgt.s32 v19, $0x0  }
0x422: {  	v16 =	vadd.s32 $0xFFFFFFFF, v16;
	v14 =	vsel vm7, v23, v14;
	v19 =	vnsel vm1, $0x0, v19  }
0x423: {  	vm8 =	vlt.s32 v22, v15;
	vm9 =	vgt.s32 v14, $0x0;
	v12 =	vadd.s32 v12, v19  }
0x424: {  	vm10 =	vlt.s32 v21, v16;
	v15 =	vsel vm8, v22, v15;
	v14 =	vnsel vm9, $0x0, v14;
	[tilespmem:s11+$0xFFFFFFD0] =	vst v12  }
0x425: {  	v24 =	vadd.s32 v26, v27;
	vm11 =	vgt.s32 v15, $0x0;
	v12 =	vadd.s32 v13, v14;
	[tilespmem:s12+$0xFFFFFFD0] =	vst v11  }
0x426: {  	v13 =	vsel vm10, v21, v16;
	v14 =	vnsel vm11, $0x0, v15;
	v11 =	vadd.s32 $0xFFFFFFFF, v17;
	[tilespmem:s11+$0xFFFFFFE0] =	vst v12  }
0x427: {  	vm13 =	vgt.s32 v13, $0x0;
	v10 =	vadd.s32 v10, v14;
	vm12 =	vlt.s32 v20, v11;
	[tilespmem:s12+$0xFFFFFFE0] =	vst v6  }
0x428: {  	v6 =	vadd.s32 $0xFFFFFFFF, v18;
	v12 =	vnsel vm13, $0x0, v13;
	[tilespmem:s11+$0xFFFFFFF0] =	vst v10;
	v11 =	vsel vm12, v20, v11  }
0x429: {  	vm14 =	vlt.s32 v24, v6;
	v8 =	vadd.s32 v8, v12;
	[tilespmem:s12+$0xFFFFFFF0] =	vst v4;
	vm15 =	vgt.s32 v11, $0x0  }
0x42a: {  	v4 =	vsel vm14, v24, v6;
	[tilespmem:s11+$0x0] =	vst v8;
	v6 =	vnsel vm15, $0x0, v11  }
0x42b: {  	vm0 =	vgt.s32 v4, $0x0;
	[tilespmem:s12+$0x0] =	vst v3;
	v6 =	vadd.s32 v7, v6  }
0x42c: {  	v3 =	vnsel vm0, $0x0, v4;
	[tilespmem:s11+$0x10] =	vst v6  }
0x42d: {  	v3 =	vadd.s32 v9, v3;
	[tilespmem:s12+$0x10] =	vst v2  }
0x42e: {  	[tilespmem:s11+$0x20] =	vst v3  }
0x42f: {  	s10 =	simm.s32 $0x18D80;
	[tilespmem:s12+$0x20] =	vst v5  }
0x430: {  	[tilespmem:s23], [sflag:$0x4] =	stream.indirect.gather [hbm4b:s1+s21], $0x1, s22, s21, $0xb8;
	[tilespmem:$0x1D200] =	vst v63  }
0x431: {  	v19 =	vld [tilespmem:s10+$0x0]  }
0x432: {  	v5 =	vld [tilespmem:s10+$0xFFFFFFB0]  }
0x433: {  	v7 =	vld [tilespmem:s10+$0xFFFFFFC0]  }
0x434: {  	v8 =	vld [tilespmem:s10+$0xFFFFFFD0]  }
0x435: {  	v11 =	vld [tilespmem:s10+$0xFFFFFFA0]  }
0x436: {  	v9 =	vld [tilespmem:s10+$0xFFFFFFE0]  }
0x437: {  	v14 =	vld [tilespmem:s10+$0xFFFFFFF0];
	s10 =	simm.s32 $0x1BF80  }
0x438: {  	v17 =	vld [tilespmem:s10+$0x0]  }
0x439: {  	v21 =	vld.idx.msk [tilespmem:v19+s4+$0x0], $0xffff  }
0x43a: {  	v6 =	vld.idx.msk [tilespmem:v5+s4+$0x0], $0xffff  }
0x43b: {  	v4 =	vld.idx.msk [tilespmem:v7+s4+$0x0], $0xffff  }
0x43c: {  	v3 =	vld.idx.msk [tilespmem:v8+s4+$0x0], $0xffff  }
0x43d: {  	v12 =	vshll.u32 v11, $0x4;
	v11 =	vld.idx.msk [tilespmem:v11+s4+$0x0], $0xffff  }
0x43e: {  	v23 =	vld [tilespmem:s10+$0xFFFFFFA0]  }
0x43f: {  	v25 =	vld [tilespmem:s10+$0xFFFFFFB0];
	v13 =	vshll.u32 v5, $0x4;
	v10 =	vshll.u32 v7, $0x4  }
0x440: {  	v2 =	vld.idx.msk [tilespmem:v9+s4+$0x0], $0xffff;
	v8 =	vshll.u32 v8, $0x4;
	v7 =	vshll.u32 v9, $0x4;
	v9 =	vshll.u32 v14, $0x4  }
0x441: {  	v26 =	vld [tilespmem:s10+$0xFFFFFFC0];
	v19 =	vshll.u32 v19, $0x4;
	vm4 =	vgt.s32 v21, $0x1;
	vm5 =	vgt.s32 v6, $0x1  }
0x442: {  	v5 =	vld.idx.msk [tilespmem:v14+s4+$0x0], $0xffff;
	vm6 =	vgt.s32 v4, $0x1;
	vm7 =	vgt.s32 v3, $0x1;
	vm9 =	vgt.s32 v11, $0x1  }
0x443: {  	v29 =	vld [tilespmem:s10+$0xFFFFFFD0];
	v22 =	vnsel vm4, $0x1, v21;
	v14 =	vnsel vm5, $0x1, v6;
	v15 =	vnsel vm6, $0x1, v4  }
0x444: {  	v20 =	vnsel vm9, $0x1, v11;
	v18 =	vcvt.s32.f32 v22;
	v24 =	vcvt.s32.f32 v14  }
0x445: {  	v16 =	vnsel vm7, $0x1, v3;
	v27 =	vcvt.s32.f32 v15;
	v34 =	vcvt.s32.f32 v20  }
0x446: {  	v32 =	vld [tilespmem:s10+$0xFFFFFFE0];
	vm8 =	vgt.s32 v2, $0x1;
	v28 =	vcvt.s32.f32 v16;
	v18 =	vmul.f32 v18, v17  }
0x447: {  	vm10 =	vgt.s32 v5, $0x1;
	v24 =	vmul.f32 v24, v25;
	v23 =	vmul.f32 v34, v23  }
0x448: {  	v17 =	vnsel vm8, $0x1, v2;
	v26 =	vmul.f32 v27, v26;
	v27 =	vmul.f32 v28, v29  }
0x449: {  	v22 =	vadd.s32 $0xFFFFFFFF, v22;
	v30 =	vcvt.s32.f32 v17;
	v31 =	vtrunc.f32 v18  }
0x44a: {  	v62 =	vtrunc.f32 v27;
	vm11 =	vgt.f32 v18, v31;
	v31 =	vcvt.f32.s32 v31  }
0x44b: {  	v33 =	vld [tilespmem:s10+$0xFFFFFFF0];
	v18 =	vnsel vm10, $0x1, v5;
	v28 =	vmul.f32 v30, v32;
	v30 =	vtrunc.f32 v24  }
0x44c: {  	vm3 =	vgt.f32 v27, v62;
	v32 =	vcvt.f32.s32 v62;
	vm12 =	vmneg vm11  }
0x44d: {  	v35 =	vcvt.s32.f32 v18;
	vm15 =	vgt.f32 v24, v30;
	v36 =	vsel vm12, $0xFFFFFFFF, v1  }
0x44e: {  	vm3 =	vmneg vm3;
	vm1 =	vmneg vm15;
	v25 =	vadd.s32 v31, v36  }
0x44f: {  	v63 =	vsel vm3, $0xFFFFFFFF, v1;
	v31 =	vtrunc.f32 v26;
	vm13 =	vlt.s32 v25, v22  }
0x450: {  	v29 =	vmul.f32 v35, v33;
	vm2 =	vgt.f32 v26, v31;
	v22 =	vsel vm13, v25, v22  }
0x451: {  	v25 =	vtrunc.f32 v23;
	vm2 =	vmneg vm2;
	vm0 =	vgt.s32 v22, $0x0  }
0x452: {  	vm14 =	vgt.f32 v23, v25;
	v23 =	vtrunc.f32 v29;
	v24 =	vcvt.f32.s32 v25  }
0x453: {  	v22 =	vnsel vm0, $0x0, v22;
	vm0 =	vmneg vm14;
	vm5 =	vgt.f32 v29, v23  }
0x454: {  	v29 =	vcvt.f32.s32 v30;
	v30 =	vcvt.f32.s32 v31;
	v31 =	vsel vm1, $0xFFFFFFFF, v1  }
0x455: {  	v26 =	vcvt.f32.s32 v23;
	v19 =	vadd.s32 v19, v22;
	v22 =	vtrunc.f32 v28  }
0x456: {  	vm5 =	vmneg vm5;
	v27 =	vsel vm0, $0xFFFFFFFF, v1;
	vm4 =	vgt.f32 v28, v22  }
0x457: {  	s11 =	simm.s32 $0x19A00;
	v25 =	vcvt.f32.s32 v22;
	v22 =	vsel vm2, $0xFFFFFFFF, v1;
	v24 =	vadd.s32 v24, v27  }
0x458: {  	s12 =	simm.s32 $0x1A680;
	[tilespmem:s11+$0x0] =	vst v19;
	v27 =	vsel vm5, $0xFFFFFFFF, v1;
	v23 =	vadd.s32 v29, v31;
	vm4 =	vmneg vm4  }
0x459: {  	s13 =	simm.s32 $0x62;
	s14 =	simm.s32 $0x18DF0;
	[tilespmem:s12+$0x0] =	vst v21;
	v22 =	vadd.s32 v30, v22;
	v21 =	vadd.s32 v32, v63;
	v28 =	vsel vm4, $0xFFFFFFFF, v1  }
.LBB2_31:
0x45a: {  	v19 =	vld [tilespmem:s14+$0x0];
	v20 =	vadd.s32 $0xFFFFFFFF, v20;
	v25 =	vadd.s32 v25, v28;
	v26 =	vadd.s32 v26, v27  }
0x45b: {  	s13 =	sadd.s32 $0x7, s13;
	v14 =	vadd.s32 $0xFFFFFFFF, v14;
	v15 =	vadd.s32 $0xFFFFFFFF, v15;
	v16 =	vadd.s32 $0xFFFFFFFF, v16;
	v27 =	vld [tilespmem:s14+$0xFFFFFFB0]  }
0x45c: {  	v17 =	vadd.s32 $0xFFFFFFFF, v17;
	v18 =	vadd.s32 $0xFFFFFFFF, v18;
	p0 =	slt.u32 s13, $0xBD;
	vm0 =	vlt.s32 v24, v20;
	v28 =	vld [tilespmem:s14+$0xFFFFFFC0]  }
0x45d: {  	vm1 =	vlt.s32 v23, v14;
	vm2 =	vlt.s32 v22, v15;
	vm3 =	vlt.s32 v21, v16;
	v29 =	vld [tilespmem:s14+$0xFFFFFFD0]  }
0x45e: {  	vm4 =	vlt.s32 v26, v18;
	v20 =	vsel vm0, v24, v20;
	vm0 =	vlt.s32 v25, v17;
	v30 =	vld [tilespmem:s14+$0xFFFFFFE0]  }
0x45f: {  	v14 =	vsel vm1, v23, v14;
	v15 =	vsel vm2, v22, v15;
	v16 =	vsel vm3, v21, v16;
	v24 =	vld [tilespmem:s14+$0xFFFFFFF0]  }
0x460: {  	v18 =	vsel vm4, v26, v18;
	vm1 =	vgt.s32 v20, $0x0;
	v17 =	vsel vm0, v25, v17;
	v22 =	vld [tilespmem:s14+$0xFFFFFFA0]  }
0x461: {  	vm0 =	vgt.s32 v14, $0x0;
	vm2 =	vgt.s32 v15, $0x0;
	vm3 =	vgt.s32 v16, $0x0  }
0x462: {  	vm4 =	vgt.s32 v18, $0x0;
	v20 =	vnsel vm1, $0x0, v20;
	vm1 =	vgt.s32 v17, $0x0;
	v21 =	vld.idx.msk [tilespmem:v19+s4+$0x0], $0xffff  }
0x463: {  	v14 =	vnsel vm0, $0x0, v14;
	v15 =	vnsel vm2, $0x0, v15;
	v16 =	vnsel vm3, $0x0, v16;
	v23 =	vld.idx.msk [tilespmem:v27+s4+$0x0], $0xffff  }
0x464: {  	v18 =	vnsel vm4, $0x0, v18;
	v17 =	vnsel vm1, $0x0, v17;
	v25 =	vshll.u32 v27, $0x4;
	v26 =	vld.idx.msk [tilespmem:v28+s4+$0x0], $0xffff  }
0x465: {  	v28 =	vshll.u32 v28, $0x4;
	v27 =	vshll.u32 v22, $0x4;
	v31 =	vld.idx.msk [tilespmem:v29+s4+$0x0], $0xffff;
	v29 =	vshll.u32 v29, $0x4  }
0x466: {  	s10 =	sadd.s32 $0x70, s10;
	v20 =	vadd.s32 v12, v20;
	v33 =	vshll.u32 v24, $0x4;
	v32 =	vld.idx.msk [tilespmem:v30+s4+$0x0], $0xffff;
	v30 =	vshll.u32 v30, $0x4;
	v12 =	vmovc v27  }
0x467: {  	v14 =	vadd.s32 v13, v14;
	v34 =	vadd.s32 v8, v16;
	v27 =	vld [tilespmem:s10+$0x0];
	[tilespmem:s11+$0xFFFFFFA0] =	vst v20;
	v20 =	vadd.s32 v10, v15  }
0x468: {  	v35 =	vadd.s32 v9, v18;
	vm0 =	vgt.s32 v21, $0x1;
	[tilespmem:s12+$0xFFFFFFA0] =	vst v11;
	v11 =	vld.idx.msk [tilespmem:v22+s4+$0x0], $0xffff;
	v22 =	vadd.s32 v7, v17  }
0x469: {  	v13 =	vmovc v25;
	v8 =	vmovc v29;
	v10 =	vmov v28;
	vm1 =	vgt.s32 v23, $0x1;
	v36 =	vnsel vm0, $0x1, v21;
	v24 =	vld.idx.msk [tilespmem:v24+s4+$0x0], $0xffff;
	[tilespmem:s11+$0xFFFFFFB0] =	vst v14  }
0x46a: {  	v7 =	vmovc v30;
	v14 =	vnsel vm1, $0x1, v23;
	vm0 =	vgt.s32 v26, $0x1;
	v17 =	vcvt.s32.f32 v36;
	v25 =	vld [tilespmem:s10+$0xFFFFFFA0];
	[tilespmem:s12+$0xFFFFFFB0] =	vst v6;
	v6 =	vmovc v23  }
0x46b: {  	v9 =	vmovc v33;
	v23 =	vcvt.s32.f32 v14;
	v15 =	vnsel vm0, $0x1, v26;
	vm0 =	vgt.s32 v31, $0x1;
	v28 =	vld [tilespmem:s10+$0xFFFFFFB0];
	[tilespmem:s11+$0xFFFFFFC0] =	vst v20  }
0x46c: {  	v16 =	vnsel vm0, $0x1, v31;
	vm0 =	vgt.s32 v32, $0x1;
	v29 =	vld [tilespmem:s10+$0xFFFFFFC0];
	v18 =	vmul.f32 v17, v27;
	[tilespmem:s12+$0xFFFFFFC0] =	vst v4;
	v4 =	vmovc v26  }
0x46d: {  	v26 =	vcvt.s32.f32 v15;
	v27 =	vcvt.s32.f32 v16;
	v17 =	vnsel vm0, $0x1, v32;
	v30 =	vld [tilespmem:s10+$0xFFFFFFD0];
	[tilespmem:s11+$0xFFFFFFD0] =	vst v34  }
0x46e: {  	vm0 =	vgt.s32 v11, $0x1;
	v33 =	vcvt.s32.f32 v17;
	v34 =	vld [tilespmem:s10+$0xFFFFFFE0];
	v37 =	vtrunc.f32 v18;
	[tilespmem:s12+$0xFFFFFFD0] =	vst v3;
	v3 =	vmovc v31  }
0x46f: {  	v20 =	vnsel vm0, $0x1, v11;
	vm0 =	vgt.s32 v24, $0x1;
	v31 =	vld [tilespmem:s10+$0xFFFFFFF0];
	vm1 =	vgt.f32 v18, v37;
	[tilespmem:s11+$0xFFFFFFE0] =	vst v22  }
0x470: {  	v18 =	vnsel vm0, $0x1, v24;
	v22 =	vcvt.f32.s32 v37;
	vm0 =	vmneg vm1;
	[tilespmem:s12+$0xFFFFFFE0] =	vst v2;
	v2 =	vmovc v32  }
0x471: {  	v32 =	vcvt.s32.f32 v20;
	v37 =	vcvt.s32.f32 v18;
	v38 =	vsel vm0, $0xFFFFFFFF, v1;
	[tilespmem:s11+$0xFFFFFFF0] =	vst v35  }
0x472: {  	v23 =	vmul.f32 v23, v28;
	v28 =	vadd.s32 $0xFFFFFFFF, v36;
	v22 =	vadd.s32 v22, v38;
	[tilespmem:s12+$0xFFFFFFF0] =	vst v5;
	v5 =	vmovc v24  }
0x473: {  	v24 =	vmul.f32 v32, v25;
	v25 =	vmul.f32 v26, v29;
	vm0 =	vlt.s32 v22, v28  }
0x474: {  	v26 =	vmul.f32 v27, v30;
	v27 =	vmul.f32 v33, v34;
	v22 =	vsel vm0, v22, v28  }
0x475: {  	v28 =	vtrunc.f32 v24;
	v29 =	vmul.f32 v37, v31;
	vm0 =	vgt.s32 v22, $0x0  }
0x476: {  	v19 =	vshll.u32 v19, $0x4;
	v30 =	vtrunc.f32 v23;
	v22 =	vnsel vm0, $0x0, v22  }
0x477: {  	s11 =	sadd.s32 $0x70, s11;
	v31 =	vtrunc.f32 v25;
	v32 =	vtrunc.f32 v26;
	v19 =	vadd.s32 v19, v22  }
0x478: {  	s12 =	sadd.s32 $0x70, s12;
	vm0 =	vgt.f32 v24, v28;
	v24 =	vtrunc.f32 v29;
	v22 =	vtrunc.f32 v27;
	[tilespmem:s11+$0x0] =	vst v19  }
0x479: {  	vm1 =	vgt.f32 v23, v30;
	vm2 =	vgt.f32 v25, v31;
	vm3 =	vgt.f32 v26, v32;
	[tilespmem:s12+$0x0] =	vst v21  }
0x47a: {  	vm0 =	vmneg vm0;
	vm5 =	vgt.f32 v29, v24;
	vm4 =	vgt.f32 v27, v22  }
0x47b: {  	vm1 =	vmneg vm1;
	vm2 =	vmneg vm2;
	vm3 =	vmneg vm3  }
0x47c: {  	v19 =	vcvt.f32.s32 v28;
	vm5 =	vmneg vm5;
	vm4 =	vmneg vm4  }
.Ltmp14:
0x47d: {  	v23 =	vcvt.f32.s32 v30;
	v29 =	vcvt.f32.s32 v31;
	v21 =	vsel vm0, $0xFFFFFFFF, v1;
	(pc) =	sbr.rel @p0 .LBB2_31-.Ltmp14, $4  }
0x47e: {  	v30 =	vsel vm1, $0xFFFFFFFF, v1;
	v31 =	vcvt.f32.s32 v32;
	v25 =	vcvt.f32.s32 v22  }
0x47f: {  	v32 =	vsel vm3, $0xFFFFFFFF, v1;
	v26 =	vcvt.f32.s32 v24;
	v22 =	vsel vm2, $0xFFFFFFFF, v1  }
0x480: {  	v27 =	vsel vm5, $0xFFFFFFFF, v1;
	v24 =	vadd.s32 v19, v21;
	v28 =	vsel vm4, $0xFFFFFFFF, v1  }
0x481: {  	s14 =	sadd.s32 $0x70, s14;
	v23 =	vadd.s32 v23, v30;
	v22 =	vadd.s32 v29, v22;
	v21 =	vadd.s32 v31, v32  }
0x482: {  	v19 =	vadd.s32 $0xFFFFFFFF, v20  }
0x483: {  	vm0 =	vlt.s32 v24, v19  }
0x484: {  	v52 =	vadd.s32 v25, v28;
	v14 =	vadd.s32 $0xFFFFFFFF, v14;
	v19 =	vsel vm0, v24, v19  }
0x485: {  	v53 =	vadd.s32 v26, v27;
	vm0 =	vlt.s32 v23, v14;
	vm1 =	vgt.s32 v19, $0x0  }
0x486: {  	v15 =	vadd.s32 $0xFFFFFFFF, v15;
	v14 =	vsel vm0, v23, v14;
	v19 =	vnsel vm1, $0x0, v19  }
0x487: {  	vm0 =	vlt.s32 v22, v15;
	vm1 =	vgt.s32 v14, $0x0;
	v12 =	vadd.s32 v12, v19  }
0x488: {  	v16 =	vadd.s32 $0xFFFFFFFF, v16;
	v15 =	vsel vm0, v22, v15;
	v14 =	vnsel vm1, $0x0, v14;
	[tilespmem:s11+$0xFFFFFFA0] =	vst v12  }
0x489: {  	vm0 =	vlt.s32 v21, v16;
	vm1 =	vgt.s32 v15, $0x0;
	v54 =	vadd.s32 v13, v14;
	[tilespmem:s12+$0xFFFFFFA0] =	vst v11  }
0x48a: {  	v55 =	vsel vm0, v21, v16;
	v56 =	vnsel vm1, $0x0, v15;
	v11 =	vadd.s32 $0xFFFFFFFF, v17;
	[tilespmem:s11+$0xFFFFFFB0] =	vst v54  }
0x48b: {  	vm1 =	vgt.s32 v55, $0x0;
	v10 =	vadd.s32 v10, v56;
	vm0 =	vlt.s32 v52, v11;
	[tilespmem:s12+$0xFFFFFFB0] =	vst v6  }
0x48c: {  	v57 =	vnsel vm1, $0x0, v55;
	v6 =	vadd.s32 $0xFFFFFFFF, v18;
	[tilespmem:s11+$0xFFFFFFC0] =	vst v10;
	v11 =	vsel vm0, v52, v11  }
0x48d: {  	v8 =	vadd.s32 v8, v57;
	vm0 =	vlt.s32 v53, v6;
	[tilespmem:s12+$0xFFFFFFC0] =	vst v4;
	vm1 =	vgt.s32 v11, $0x0  }
0x48e: {  	[tilespmem:s11+$0xFFFFFFD0] =	vst v8;
	v4 =	vsel vm0, v53, v6;
	v6 =	vnsel vm1, $0x0, v11  }
0x48f: {  	[tilespmem:s12+$0xFFFFFFD0] =	vst v3;
	vm0 =	vgt.s32 v4, $0x0;
	v6 =	vadd.s32 v7, v6  }
0x490: {  	v3 =	vnsel vm0, $0x0, v4;
	[tilespmem:s11+$0xFFFFFFE0] =	vst v6  }
0x491: {  	v3 =	vadd.s32 v9, v3;
	[tilespmem:s12+$0xFFFFFFE0] =	vst v2  }
0x492: {  	[tilespmem:s11+$0xFFFFFFF0] =	vst v3  }
0x493: {  	[tilespmem:s12+$0xFFFFFFF0] =	vst v5  }
0x494: {  	[tilespmem:s25], [sflag:$0x5] =	stream.indirect.gather [hbm4b:s1+s21], $0x1, s24, s21, $0xb8;
	[tilespmem:$0x1D200] =	vst v63  }
0x495: {  	_ =	swait.ge [sflag:s26], $0x620  }
0x496: {  	[sflag:s26] =	ssyncset.done $0x0  }
0x497: {  	[sflag:s26] =	ssyncadd.s32 $0xFFFFF9E0  }
0x498: {  	_ =	swait.ge [sflag:s31], $0xC40  }
0x499: {  	[sflag:s31] =	ssyncset.done $0x0  }
0x49a: {  	s13 =	simm.s32 $0x1C5B0;
	[sflag:s31] =	ssyncadd.s32 $0xFFFFF3C0  }
0x49b: {  	s10 =	simm.s32 $0x1A030;
	v4 =	vld [tilespmem:s13+$0x30]  }
0x49c: {  	s11 =	simm.s32 $0x18730;
	v3 =	vld [tilespmem:s10+$0x30]  }
0x49d: {  	v5 =	vld [tilespmem:s11+$0x30]  }
0x49e: {  	v6 =	vld [tilespmem:s10+$0xFFFFFFD0]  }
0x49f: {  	v7 =	vld [tilespmem:s10+$0xFFFFFFE0]  }
0x4a0: {  	v8 =	vld [tilespmem:s10+$0xFFFFFFF0]  }
0x4a1: {  	v9 =	vld [tilespmem:s10+$0x0]  }
0x4a2: {  	v10 =	vld [tilespmem:s10+$0x10]  }
0x4a3: {  	v11 =	vld [tilespmem:s10+$0x20]  }
0x4a4: {  	v2 =	vld [tilespmem:s11+$0xFFFFFFD0]  }
0x4a5: {  	v58 =	vld [tilespmem:s13+$0xFFFFFFE0]  }
0x4a6: {  	v59 =	vld [tilespmem:s11+$0xFFFFFFE0]  }
0x4a7: {  	v60 =	vld [tilespmem:s13+$0xFFFFFFF0]  }
0x4a8: {  	v61 =	vld [tilespmem:s11+$0xFFFFFFF0]  }
0x4a9: {  	v62 =	vld [tilespmem:s13+$0x0]  }
0x4aa: {  	v63 =	vld [tilespmem:s11+$0x0]  }
0x4ab: {  	vm0 =	vgt.s32 v3, $0x0;
	v3 =	vld [tilespmem:s13+$0x10]  }
0x4ac: {  	v4 =	vsel vm0, v4, v5;
	vm0 =	vgt.s32 v7, $0x0;
	v5 =	vld [tilespmem:s11+$0x10]  }
0x4ad: {  	vm1 =	vgt.s32 v8, $0x0;
	[tilespmem:s11+$0x30] =	vst v4;
	v7 =	vsel vm0, v58, v59;
	v4 =	vld [tilespmem:s13+$0x20]  }
0x4ae: {  	vm3 =	vgt.s32 v9, $0x0;
	vm0 =	vgt.s32 v6, $0x0;
	v6 =	vld [tilespmem:s11+$0x20];
	[tilespmem:s11+$0xFFFFFFE0] =	vst v7;
	v7 =	vsel vm1, v60, v61  }
0x4af: {  	s14 =	simm.s32 $0x1C620;
	s12 =	simm.s32 $0x0;
	vm2 =	vgt.s32 v10, $0x0;
	v8 =	vsel vm3, v62, v63;
	vm1 =	vgt.s32 v11, $0x0;
	[tilespmem:s11+$0xFFFFFFF0] =	vst v7;
	v7 =	vld [tilespmem:s13+$0xFFFFFFD0];
	s13 =	simm.s32 $0x18730  }
.LBB2_33:
0x4b0: {  	v9 =	vld [tilespmem:s14+$0x30];
	[tilespmem:s11+$0x0] =	vst v8;
	s10 =	sadd.s32 $0x70, s10  }
0x4b1: {  	s12 =	sadd.s32 $0x7, s12;
	s11 =	sadd.s32 $0x70, s11;
	v8 =	vld [tilespmem:s10+$0x30];
	v3 =	vsel vm2, v3, v5  }
0x4b2: {  	p0 =	slt.u32 s12, $0x5B;
	v5 =	vld [tilespmem:s11+$0x30];
	[tilespmem:s13+$0x10] =	vst v3  }
0x4b3: {  	v3 =	vld [tilespmem:s10+$0xFFFFFFD0];
	v4 =	vsel vm1, v4, v6  }
0x4b4: {  	v6 =	vld [tilespmem:s10+$0xFFFFFFE0];
	v2 =	vsel vm0, v7, v2;
	[tilespmem:s13+$0x20] =	vst v4  }
0x4b5: {  	v4 =	vld [tilespmem:s10+$0xFFFFFFF0];
	[tilespmem:s13+$0xFFFFFFD0] =	vst v2;
	s13 =	smov.u32 s11  }
0x4b6: {  	v7 =	vld [tilespmem:s10+$0x0];
	vm0 =	vgt.s32 v8, $0x0  }
0x4b7: {  	v8 =	vld [tilespmem:s10+$0x10];
	v2 =	vsel vm0, v9, v5  }
0x4b8: {  	vm0 =	vgt.s32 v3, $0x0;
	v3 =	vld [tilespmem:s10+$0x20];
	[tilespmem:s11+$0x30] =	vst v2  }
0x4b9: {  	v2 =	vld [tilespmem:s11+$0xFFFFFFD0];
	vm3 =	vgt.s32 v6, $0x0  }
0x4ba: {  	v5 =	vld [tilespmem:s14+$0xFFFFFFE0];
	vm4 =	vgt.s32 v4, $0x0  }
0x4bb: {  	v4 =	vld [tilespmem:s11+$0xFFFFFFE0];
	vm5 =	vgt.s32 v7, $0x0  }
0x4bc: {  	v6 =	vld [tilespmem:s14+$0xFFFFFFF0];
	vm2 =	vgt.s32 v8, $0x0  }
0x4bd: {  	v7 =	vld [tilespmem:s11+$0xFFFFFFF0];
	vm1 =	vgt.s32 v3, $0x0  }
0x4be: {  	v8 =	vld [tilespmem:s14+$0x0]  }
0x4bf: {  	v9 =	vld [tilespmem:s11+$0x0]  }
.Ltmp15:
0x4c0: {  	v4 =	vsel vm3, v5, v4;
	v3 =	vld [tilespmem:s14+$0x10];
	(pc) =	sbr.rel @p0 .LBB2_33-.Ltmp15, $4  }
0x4c1: {  	[tilespmem:s11+$0xFFFFFFE0] =	vst v4;
	v5 =	vld [tilespmem:s11+$0x10]  }
0x4c2: {  	v6 =	vsel vm4, v6, v7;
	v4 =	vld [tilespmem:s14+$0x20]  }
0x4c3: {  	[tilespmem:s11+$0xFFFFFFF0] =	vst v6;
	v6 =	vld [tilespmem:s11+$0x20]  }
0x4c4: {  	v7 =	vld [tilespmem:s14+$0xFFFFFFD0];
	v8 =	vsel vm5, v8, v9;
	s14 =	sadd.s32 $0x70, s14  }
0x4c5: {  	_ =	sdelay $0x1  }
0x4c6: {  	[tilespmem:s11+$0x0] =	vst v8;
	v3 =	vsel vm2, v3, v5  }
0x4c7: {  	[tilespmem:s13+$0x10] =	vst v3;
	v3 =	vsel vm1, v4, v6  }
0x4c8: {  	v2 =	vsel vm0, v7, v2;
	[tilespmem:s13+$0x20] =	vst v3  }
0x4c9: {  	[tilespmem:s13+$0xFFFFFFD0] =	vst v2  }
0x4ca: {  	_ =	swait.ge [sflag:s28], $0x620  }
0x4cb: {  	[sflag:s28] =	ssyncset.done $0x0  }
0x4cc: {  	s12 =	simm.s32 $0x1CC00;
	[sflag:s28] =	ssyncadd.s32 $0xFFFFF9E0  }
0x4cd: {  	s10 =	simm.s32 $0x1A680;
	v4 =	vld [tilespmem:s12+$0x0]  }
0x4ce: {  	s11 =	simm.s32 $0x18D80;
	v3 =	vld [tilespmem:s10+$0x0]  }
0x4cf: {  	v5 =	vld [tilespmem:s11+$0x0]  }
0x4d0: {  	v6 =	vld [tilespmem:s10+$0xFFFFFFA0]  }
0x4d1: {  	v7 =	vld [tilespmem:s10+$0xFFFFFFB0]  }
0x4d2: {  	v8 =	vld [tilespmem:s10+$0xFFFFFFC0]  }
0x4d3: {  	v9 =	vld [tilespmem:s10+$0xFFFFFFD0]  }
0x4d4: {  	v10 =	vld [tilespmem:s10+$0xFFFFFFE0]  }
0x4d5: {  	v11 =	vld [tilespmem:s10+$0xFFFFFFF0]  }
0x4d6: {  	v2 =	vld [tilespmem:s11+$0xFFFFFFA0]  }
0x4d7: {  	v12 =	vld [tilespmem:s12+$0xFFFFFFB0]  }
0x4d8: {  	v13 =	vld [tilespmem:s11+$0xFFFFFFB0]  }
0x4d9: {  	v14 =	vld [tilespmem:s12+$0xFFFFFFC0]  }
0x4da: {  	v15 =	vld [tilespmem:s11+$0xFFFFFFC0]  }
0x4db: {  	v16 =	vld [tilespmem:s12+$0xFFFFFFD0]  }
0x4dc: {  	v17 =	vld [tilespmem:s11+$0xFFFFFFD0]  }
0x4dd: {  	vm0 =	vgt.s32 v3, $0x0;
	v3 =	vld [tilespmem:s12+$0xFFFFFFE0]  }
0x4de: {  	v4 =	vsel vm0, v4, v5;
	vm0 =	vgt.s32 v7, $0x0;
	v5 =	vld [tilespmem:s11+$0xFFFFFFE0]  }
0x4df: {  	vm1 =	vgt.s32 v8, $0x0;
	[tilespmem:s11+$0x0] =	vst v4;
	v7 =	vsel vm0, v12, v13;
	v4 =	vld [tilespmem:s12+$0xFFFFFFF0]  }
0x4e0: {  	vm3 =	vgt.s32 v9, $0x0;
	vm0 =	vgt.s32 v6, $0x0;
	v6 =	vld [tilespmem:s11+$0xFFFFFFF0];
	[tilespmem:s11+$0xFFFFFFB0] =	vst v7;
	v7 =	vsel vm1, v14, v15  }
0x4e1: {  	s14 =	simm.s32 $0x1CC70;
	s13 =	simm.s32 $0x62;
	vm2 =	vgt.s32 v10, $0x0;
	v8 =	vsel vm3, v16, v17;
	vm1 =	vgt.s32 v11, $0x0;
	[tilespmem:s11+$0xFFFFFFC0] =	vst v7;
	v7 =	vld [tilespmem:s12+$0xFFFFFFA0];
	s12 =	simm.s32 $0x18D80  }
.LBB2_35:
0x4e2: {  	v9 =	vld [tilespmem:s14+$0x0];
	[tilespmem:s11+$0xFFFFFFD0] =	vst v8;
	s10 =	sadd.s32 $0x70, s10  }
0x4e3: {  	s13 =	sadd.s32 $0x7, s13;
	s11 =	sadd.s32 $0x70, s11;
	v8 =	vld [tilespmem:s10+$0x0];
	v3 =	vsel vm2, v3, v5  }
0x4e4: {  	p0 =	slt.u32 s13, $0xBD;
	v5 =	vld [tilespmem:s11+$0x0];
	[tilespmem:s12+$0xFFFFFFE0] =	vst v3  }
0x4e5: {  	v3 =	vld [tilespmem:s10+$0xFFFFFFA0];
	v4 =	vsel vm1, v4, v6  }
0x4e6: {  	v6 =	vld [tilespmem:s10+$0xFFFFFFB0];
	v2 =	vsel vm0, v7, v2;
	[tilespmem:s12+$0xFFFFFFF0] =	vst v4  }
0x4e7: {  	v4 =	vld [tilespmem:s10+$0xFFFFFFC0];
	[tilespmem:s12+$0xFFFFFFA0] =	vst v2;
	s12 =	smov.u32 s11  }
0x4e8: {  	v7 =	vld [tilespmem:s10+$0xFFFFFFD0];
	vm0 =	vgt.s32 v8, $0x0  }
0x4e9: {  	v8 =	vld [tilespmem:s10+$0xFFFFFFE0];
	v2 =	vsel vm0, v9, v5  }
0x4ea: {  	vm0 =	vgt.s32 v3, $0x0;
	v3 =	vld [tilespmem:s10+$0xFFFFFFF0];
	[tilespmem:s11+$0x0] =	vst v2  }
0x4eb: {  	v2 =	vld [tilespmem:s11+$0xFFFFFFA0];
	vm3 =	vgt.s32 v6, $0x0  }
0x4ec: {  	v5 =	vld [tilespmem:s14+$0xFFFFFFB0];
	vm4 =	vgt.s32 v4, $0x0  }
0x4ed: {  	v4 =	vld [tilespmem:s11+$0xFFFFFFB0];
	vm5 =	vgt.s32 v7, $0x0  }
0x4ee: {  	v6 =	vld [tilespmem:s14+$0xFFFFFFC0];
	vm2 =	vgt.s32 v8, $0x0  }
0x4ef: {  	v7 =	vld [tilespmem:s11+$0xFFFFFFC0];
	vm1 =	vgt.s32 v3, $0x0  }
0x4f0: {  	v8 =	vld [tilespmem:s14+$0xFFFFFFD0]  }
0x4f1: {  	v9 =	vld [tilespmem:s11+$0xFFFFFFD0]  }
.Ltmp16:
0x4f2: {  	v4 =	vsel vm3, v5, v4;
	v3 =	vld [tilespmem:s14+$0xFFFFFFE0];
	(pc) =	sbr.rel @p0 .LBB2_35-.Ltmp16, $4  }
0x4f3: {  	[tilespmem:s11+$0xFFFFFFB0] =	vst v4;
	v5 =	vld [tilespmem:s11+$0xFFFFFFE0]  }
0x4f4: {  	v6 =	vsel vm4, v6, v7;
	v4 =	vld [tilespmem:s14+$0xFFFFFFF0]  }
0x4f5: {  	[tilespmem:s11+$0xFFFFFFC0] =	vst v6;
	v6 =	vld [tilespmem:s11+$0xFFFFFFF0]  }
0x4f6: {  	v7 =	vld [tilespmem:s14+$0xFFFFFFA0];
	v8 =	vsel vm5, v8, v9;
	s14 =	sadd.s32 $0x70, s14  }
0x4f7: {  	s0 =	sadd.s32 $0x1, s0  }
0x4f8: {  	p0 =	sne.s32 s0, $0x8  }
.Ltmp17:
0x4f9: {  	[tilespmem:s11+$0xFFFFFFD0] =	vst v8;
	v3 =	vsel vm2, v3, v5;
	(pc) =	sbr.rel @p0 .LBB2_20-.Ltmp17, $4  }
0x4fa: {  	[tilespmem:s12+$0xFFFFFFE0] =	vst v3;
	v3 =	vsel vm1, v4, v6  }
0x4fb: {  	v2 =	vsel vm0, v7, v2;
	[tilespmem:s12+$0xFFFFFFF0] =	vst v3  }
0x4fc: {  	s3 =	sadd.s32 s6, s3;
	[tilespmem:s12+$0xFFFFFFA0] =	vst v2  }
0x4fd: {  	[hbm4b:s3+s4] =	stream.linear.scatter [tilespmem:s29], [sflag:$0x6], $0xC40, $0x38;
	[tilespmem:$0x1D200] =	vst v63  }
0x4fe: {  	s2 =	sadd.s32 $0x1, s2  }
0x4ff: {  	p0 =	sne.s32 s2, s15  }
.Ltmp18:
0x500: {  	_ = 	snop;
	(pc) =	sbr.rel @p0 .LBB2_1-.Ltmp18, $4  }
0x501: {  	_ = 	snop  }
0x502: {  	_ =	swait.ge [sflag:s31], $0xC40  }
0x503: {  	[sflag:s31] =	ssyncset.done $0x0  }
0x504: {  	[sflag:s31] =	ssyncadd.s32 $0xFFFFF3C0  }
0x505: {  	_ =	sfence.sel $0x180000  }
0x506: {  	[bflag:$0x0] =	sbarrier.arrive $0xFFFF  }
0x507: {  	_ =	strace $0x90000047  }
0x508: {  	s0 =	stileid.u32;
	[bflag:$0x2] =	sbarrier.arrive $0xFFFF  }
0x509: {  	p0 =	sne.s32 s0, $0x0;
	s0 =	rddreg [dreg:$0x3]  }
0x50a: {  	s0 =	sadd.s32 @!p0 $0x100000, s0  }
0x50b: {  	[sflag:s0] =	ssyncadd.tile.s32 @!p0 $0x1;
	_ =	shalt  }
.Lfunc_end2:
_tile_overlayer_lowered:
.L_overlay_start_2:
0x50c: {  	(tag) =	ssettag $0x2  }
0x50d: {  	s0 =	rddreg [dreg:$0x0];
	s2 =	stileid.u32  }
0x50e: {  	s1 =	rddreg [dreg:$0x1];
	p0 =	sne.s32 s2, $0x0  }
0x50f: {  	s3 =	rddreg [dreg:$0x2];
	[bflag:$0x3] =	sbarrier.arrive $0xFFFF;
	s2 =	simm.s32 @!p0 $0x1C07  }
0x510: {  	[timem:s3], [sflag:s2] =	dma.local @!p0 [hbm:s0], s1  }
0x511: {  	s0 =	simm.s32 @!p0 $0x7  }
0x512: {  	_ =	swait.ge @!p0 [sflag:s0], s1  }
0x513: {  	s1 =	ssub.s32 @!p0 $0x0, s1;
	[sflag:s0] =	ssyncset.done @!p0 $0x0  }
0x514: {  	[sflag:s0] =	ssyncadd.s32 @!p0 s1  }
0x515: {  	[bflag:$0x3] =	sbarrier.arrive $0xFFFF  }
0x516: {  	_ =	shalt  }

</sc_bundles>
